<compile_context>
chip_gen: v7x
topology: tpu7x:2x2x1
jax: 0.10.2.dev20260603
libtpu: 0.0.44.dev20260713+nightly
codegen_flags: <defaults>
</compile_context>

<pallas_src>
import functools

import jax
import jax.numpy as jnp
from jax import lax
from jax.experimental import pallas as pl
from jax.experimental.pallas import tpu as pltpu
from jax.experimental.pallas import tpu_sc as plsc

_L = 16
_NW = 32


def _comb_body(emb_ref, sp_ref, out_ref):
    out_ref[...] = sp_ref[...][:, None, :] + emb_ref[...][None, :, :]


def _make_comb(embedding, species_embedding):
    S, H = species_embedding.shape
    comb = pl.pallas_call(
        _comb_body,
        out_shape=jax.ShapeDtypeStruct((S, 3, H), jnp.float32),
    )(embedding, species_embedding)
    return comb.reshape(S * 3, H)


def _tc_tail_body(ids_ref, emb_ref, sp_ref, out_ref):
    ids = ids_ref[...][..., None]
    e0 = emb_ref[0]
    e1 = emb_ref[1]
    e2 = emb_ref[2]
    sp = sp_ref[...][None, :, None, :]
    out_ref[...] = jnp.where(ids == 0, e0, jnp.where(ids == 1, e1, e2)) + sp


def _tc_tail(ids_tail, embedding, species_embedding):
    B, S, TT = ids_tail.shape
    H = embedding.shape[1]
    return pl.pallas_call(
        _tc_tail_body,
        grid=(B,),
        in_specs=[
            pl.BlockSpec((1, S, TT), lambda b: (b, 0, 0)),
            pl.BlockSpec((3, H), lambda b: (0, 0)),
            pl.BlockSpec((S, H), lambda b: (0, 0)),
        ],
        out_specs=pl.BlockSpec((1, S, TT, H), lambda b: (b, 0, 0, 0)),
        out_shape=jax.ShapeDtypeStruct((B, S, TT, H), jnp.float32),
    )(ids_tail, embedding, species_embedding)


def _make_sc_kernel(B, S, T, H):
    nslab = B * S
    per_w = nslab // _NW
    t0 = (T // 8) * 8
    mesh = plsc.VectorSubcoreMesh(core_axis_name="c", subcore_axis_name="s")

    @functools.partial(
        pl.kernel,
        out_type=jax.ShapeDtypeStruct((B, S, T, H), jnp.float32),
        mesh=mesh,
        scratch_types=[
            pltpu.VMEM((per_w * T,), jnp.int32),
            pltpu.VMEM((4, 2 * t0), jnp.int32),
            pltpu.VMEM((4, 2 * t0, H), jnp.float32),
            [pltpu.SemaphoreType.DMA] * 4,
            [pltpu.SemaphoreType.DMA] * 4,
        ],
        compiler_params=pltpu.CompilerParams(
            use_tc_tiling_on_sc=True, needs_layout_passes=False
        ),
    )
    def sc_k(ids_hbm, comb_hbm, out_hbm, idsv, keys, rows, sgs, sss):
        wid = lax.axis_index("s") * 2 + lax.axis_index("c")
        nids = per_w * T
        pltpu.sync_copy(ids_hbm.at[pl.ds(wid * nids, nids)], idsv)

        def fire(jn, s, guard_scatter):
            g = wid * per_w + 2 * jn
            for half in range(2):
                si = lax.rem(g + half, jnp.int32(S))
                for i in range(t0 // _L):
                    keys[s, pl.ds(half * t0 + i * _L, _L)] = (
                        idsv[pl.ds((2 * jn + half) * T + i * _L, _L)] + si * 3
                    )
            if guard_scatter:
                @pl.when(jn >= 4)
                def _():
                    for _k in range(2):
                        pltpu.make_async_copy(
                            rows.at[s, pl.ds(0, t0)],
                            out_hbm.at[0, 0, pl.ds(0, t0)],
                            sss[s],
                        ).wait()

            pltpu.async_copy(comb_hbm.at[keys.at[s]], rows.at[s], sgs[s])

        def drain(j, s):
            g = wid * per_w + 2 * j
            pltpu.make_async_copy(
                comb_hbm.at[keys.at[s]], rows.at[s], sgs[s]
            ).wait()
            for half in range(2):
                bi = lax.div(g + half, jnp.int32(S))
                si = lax.rem(g + half, jnp.int32(S))
                pltpu.async_copy(
                    rows.at[s, pl.ds(half * t0, t0)],
                    out_hbm.at[bi, si, pl.ds(0, t0)],
                    sss[s],
                )

        fire(0, 0, False)
        fire(1, 1, False)

        npair = per_w // 2

        def body(jj, carry):
            for b in range(4):
                j = jj * 4 + b
                jn = j + 2
                sn = (b + 2) % 4

                @pl.when(jn < npair)
                def _():
                    fire(jn, sn, True)

                drain(j, b)
            return carry

        lax.fori_loop(0, npair // 4, body, 0)
        for s in range(4):
            for _k in range(2):
                pltpu.make_async_copy(
                    rows.at[s, pl.ds(0, t0)],
                    out_hbm.at[0, 0, pl.ds(0, t0)],
                    sss[s],
                ).wait()

    return sc_k


def kernel(input_ids, embedding, species_embedding):
    B, S, T = input_ids.shape
    H = embedding.shape[1]
    t0 = (T // 8) * 8
    comb = _make_comb(embedding, species_embedding)
    ids_flat = input_ids.reshape(B * S * T)
    sc_k = _make_sc_kernel(B, S, T, H)
    big = sc_k(ids_flat, comb)
    tail = _tc_tail(input_ids[:, :, t0:], embedding, species_embedding)
    return lax.dynamic_update_slice(big, tail, (0, 0, t0, 0))

# --- scband reference (transcript-rebuilt; emitter-appended) ---
"""Pipeline reference for scband-target-input-62654982914543 (READ-ONLY COPY).

The authoritative reference and input builder live on the scoring server;
editing this copy changes nothing except your own understanding.
"""

import jax, jax.numpy as jnp
import numpy as np

NUM_SPECIES = 100
HIDDEN = 256
B, S, T = 64, 100, 50


def setup_inputs(seed: int = 0) -> dict:
    key = jax.random.key(seed)
    k1, k2, k3 = jax.random.split(key, 3)
    input_ids = jax.random.randint(k1, (B, S, T), 0, 3, dtype=jnp.int32)
    embedding = jax.random.normal(k2, (3, HIDDEN), dtype=jnp.float32)
    species_embedding = jax.random.normal(k3, (NUM_SPECIES, HIDDEN), dtype=jnp.float32)
    return {"input_ids": input_ids, "embedding": embedding, "species_embedding": species_embedding}


def reference(input_ids, embedding, species_embedding):
    # state_emb: (B, S, T, H) gather from 3-row state table
    state_emb = jnp.take(embedding, input_ids, axis=0)
    # species_emb: (S, H) gather of rows 0..S-1
    species_idx = jnp.arange(input_ids.shape[1])
    species_emb = jnp.take(species_embedding, species_idx, axis=0)
    return state_emb + species_emb[None, :, None, :]

if __name__ == "__main__":
    import jax
    _d = setup_inputs()
    print(jax.jit(kernel)(*tuple(_d.values())))

</pallas_src>

<mosaic_0001>
#map = affine_map<(d0, d1) -> (0)>
#map1 = affine_map<(d0, d1) -> (0, 0)>
#map2 = affine_map<(d0, d1) -> (0, 0, 0, 0)>
module attributes {stable_mosaic.version = 14 : i64} {
  func.func @sc_k(%arg0: i32, %arg1: i32, %arg2: memref<320000xi32, #tpu.memory_space<hbm>>, %arg3: memref<300x256xf32, #tpu.memory_space<hbm>>, %arg4: memref<64x100x50x256xf32, #tpu.memory_space<hbm>>, %arg5: memref<10000xi32, #tpu.memory_space<vmem>>, %arg6: memref<4x96xi32, #tpu.memory_space<vmem>>, %arg7: memref<4x96x256xf32, #tpu.memory_space<vmem>>, %arg8: memref<!tpu.dma_semaphore, #tpu.memory_space<semaphore_mem>>, %arg9: memref<!tpu.dma_semaphore, #tpu.memory_space<semaphore_mem>>, %arg10: memref<!tpu.dma_semaphore, #tpu.memory_space<semaphore_mem>>, %arg11: memref<!tpu.dma_semaphore, #tpu.memory_space<semaphore_mem>>, %arg12: memref<!tpu.dma_semaphore, #tpu.memory_space<semaphore_mem>>, %arg13: memref<!tpu.dma_semaphore, #tpu.memory_space<semaphore_mem>>, %arg14: memref<!tpu.dma_semaphore, #tpu.memory_space<semaphore_mem>>, %arg15: memref<!tpu.dma_semaphore, #tpu.memory_space<semaphore_mem>>) attributes {dimension_semantics = [#tpu.dimension_semantics<core_parallel>, #tpu.dimension_semantics<subcore_parallel>], iteration_bounds = array<i64: 2, 16>, scalar_prefetch = 0 : i64, scratch_operands = 11 : i64, tpu.core_type = #tpu.core_type<sc_vector_subcore>, window_params = [{transform_indices = #map}, {transform_indices = #map1}, {transform_indices = #map2}]} {
    %mul3A = arith.constant 2 : i32
    %mul3A_0 = arith.muli %arg1, %mul3A : i32
    %add3A = arith.addi %mul3A_0, %arg0 : i32
    %mul3A_1 = arith.constant 10000 : i32
    %mul3A_2 = arith.muli %add3A, %mul3A_1 : i32
    "tpu.region"() ({
      %run_scoped3A = tpu.sem_alloc : memref<!tpu.dma_semaphore, #tpu.memory_space<semaphore_mem>>
      %dma_start3A_323 = tpu.memref_slice %arg2[%mul3A_2] : memref<320000xi32, #tpu.memory_space<hbm>> -> memref<10000xi32, #tpu.memory_space<hbm>>
      %dma_start3A_324 = tpu.memref_slice %arg2[%mul3A_2] : memref<320000xi32, #tpu.memory_space<hbm>> -> memref<10000xi32, #tpu.memory_space<hbm>>
      tpu.enqueue_dma source(%dma_start3A_324 : memref<10000xi32, #tpu.memory_space<hbm>>) target(%arg5 : memref<10000xi32, #tpu.memory_space<vmem>>) target_semaphore(%run_scoped3A : memref<!tpu.dma_semaphore, #tpu.memory_space<semaphore_mem>>)
      %dma_wait3A_325 = tpu.memref_slice %arg2[%mul3A_2] : memref<320000xi32, #tpu.memory_space<hbm>> -> memref<10000xi32, #tpu.memory_space<hbm>>
      %dma_wait3A_326 = tpu.memref_slice %arg2[%mul3A_2] : memref<320000xi32, #tpu.memory_space<hbm>> -> memref<10000xi32, #tpu.memory_space<hbm>>
      tpu.wait_dma2 semaphore(%run_scoped3A : memref<!tpu.dma_semaphore, #tpu.memory_space<semaphore_mem>>) src(%dma_wait3A_326 : memref<10000xi32, #tpu.memory_space<hbm>>) dst(%arg5 : memref<10000xi32, #tpu.memory_space<vmem>>)
      tpu.yield
    }) : () -> ()
    %mul3A_3 = arith.constant 200 : i32
    %mul3A_4 = arith.muli %add3A, %mul3A_3 : i32
    %add3A_5 = arith.constant 0 : i32
    %add3A_6 = arith.addi %mul3A_4, %add3A_5 : i32
    %add3A_7 = arith.constant 0 : i32
    %add3A_8 = arith.addi %add3A_6, %add3A_7 : i32
    %rem3A = arith.constant 100 : i32
    %rem3A_9 = arith.remsi %add3A_8, %rem3A : i32
    %get3A = arith.constant 0 : index
    %get3A_10 = tpu.vector_load %arg5[%get3A] {strides = array<i32>} : memref<10000xi32, #tpu.memory_space<vmem>>, vector<16xi32>,
    %mul3A_11 = arith.constant 3 : i32
    %mul3A_12 = arith.muli %rem3A_9, %mul3A_11 : i32
    %add3A_13 = vector.broadcast %mul3A_12 : i32 to vector<16xi32>
    %add3A_14 = arith.addi %get3A_10, %add3A_13 : vector<16xi32>
    %swap3A = arith.constant 0 : i32
    %swap3A_15 = arith.index_cast %swap3A : i32 to index
    %swap3A_16 = arith.constant 0 : index
    %swap3A_17 = tpu.vector_load %arg6[%swap3A_15, %swap3A_16] {strides = array<i32>} : memref<4x96xi32, #tpu.memory_space<vmem>>, vector<16xi32>,
    tpu.vector_store %arg6[%swap3A_15, %swap3A_16], %add3A_14 {strides = array<i32>} : memref<4x96xi32, #tpu.memory_space<vmem>>, vector<16xi32>,
    %get3A_18 = arith.constant 16 : index
    %get3A_19 = tpu.vector_load %arg5[%get3A_18] {strides = array<i32>} : memref<10000xi32, #tpu.memory_space<vmem>>, vector<16xi32>,
    %mul3A_20 = arith.constant 3 : i32
    %mul3A_21 = arith.muli %rem3A_9, %mul3A_20 : i32
    %add3A_22 = vector.broadcast %mul3A_21 : i32 to vector<16xi32>
    %add3A_23 = arith.addi %get3A_19, %add3A_22 : vector<16xi32>
    %swap3A_24 = arith.constant 0 : i32
    %swap3A_25 = arith.index_cast %swap3A_24 : i32 to index
    %swap3A_26 = arith.constant 16 : index
    %swap3A_27 = tpu.vector_load %arg6[%swap3A_25, %swap3A_26] {strides = array<i32>} : memref<4x96xi32, #tpu.memory_space<vmem>>, vector<16xi32>,
    tpu.vector_store %arg6[%swap3A_25, %swap3A_26], %add3A_23 {strides = array<i32>} : memref<4x96xi32, #tpu.memory_space<vmem>>, vector<16xi32>,
    %get3A_28 = arith.constant 32 : index
    %get3A_29 = tpu.vector_load %arg5[%get3A_28] {strides = array<i32>} : memref<10000xi32, #tpu.memory_space<vmem>>, vector<16xi32>,
    %mul3A_30 = arith.constant 3 : i32
    %mul3A_31 = arith.muli %rem3A_9, %mul3A_30 : i32
    %add3A_32 = vector.broadcast %mul3A_31 : i32 to vector<16xi32>
    %add3A_33 = arith.addi %get3A_29, %add3A_32 : vector<16xi32>
    %swap3A_34 = arith.constant 0 : i32
    %swap3A_35 = arith.index_cast %swap3A_34 : i32 to index
    %swap3A_36 = arith.constant 32 : index
    %swap3A_37 = tpu.vector_load %arg6[%swap3A_35, %swap3A_36] {strides = array<i32>} : memref<4x96xi32, #tpu.memory_space<vmem>>, vector<16xi32>,
    tpu.vector_store %arg6[%swap3A_35, %swap3A_36], %add3A_33 {strides = array<i32>} : memref<4x96xi32, #tpu.memory_space<vmem>>, vector<16xi32>,
    %add3A_38 = arith.constant 1 : i32
    %add3A_39 = arith.addi %add3A_6, %add3A_38 : i32
    %rem3A_40 = arith.constant 100 : i32
    %rem3A_41 = arith.remsi %add3A_39, %rem3A_40 : i32
    %get3A_42 = arith.constant 50 : index
    %get3A_43 = tpu.vector_load %arg5[%get3A_42] {strides = array<i32>} : memref<10000xi32, #tpu.memory_space<vmem>>, vector<16xi32>,
    %mul3A_44 = arith.constant 3 : i32
    %mul3A_45 = arith.muli %rem3A_41, %mul3A_44 : i32
    %add3A_46 = vector.broadcast %mul3A_45 : i32 to vector<16xi32>
    %add3A_47 = arith.addi %get3A_43, %add3A_46 : vector<16xi32>
    %swap3A_48 = arith.constant 0 : i32
    %swap3A_49 = arith.index_cast %swap3A_48 : i32 to index
    %swap3A_50 = arith.constant 48 : index
    %swap3A_51 = tpu.vector_load %arg6[%swap3A_49, %swap3A_50] {strides = array<i32>} : memref<4x96xi32, #tpu.memory_space<vmem>>, vector<16xi32>,
    tpu.vector_store %arg6[%swap3A_49, %swap3A_50], %add3A_47 {strides = array<i32>} : memref<4x96xi32, #tpu.memory_space<vmem>>, vector<16xi32>,
    %get3A_52 = arith.constant 66 : index
    %get3A_53 = tpu.vector_load %arg5[%get3A_52] {strides = array<i32>} : memref<10000xi32, #tpu.memory_space<vmem>>, vector<16xi32>,
    %mul3A_54 = arith.constant 3 : i32
    %mul3A_55 = arith.muli %rem3A_41, %mul3A_54 : i32
    %add3A_56 = vector.broadcast %mul3A_55 : i32 to vector<16xi32>
    %add3A_57 = arith.addi %get3A_53, %add3A_56 : vector<16xi32>
    %swap3A_58 = arith.constant 0 : i32
    %swap3A_59 = arith.index_cast %swap3A_58 : i32 to index
    %swap3A_60 = arith.constant 64 : index
    %swap3A_61 = tpu.vector_load %arg6[%swap3A_59, %swap3A_60] {strides = array<i32>} : memref<4x96xi32, #tpu.memory_space<vmem>>, vector<16xi32>,
    tpu.vector_store %arg6[%swap3A_59, %swap3A_60], %add3A_57 {strides = array<i32>} : memref<4x96xi32, #tpu.memory_space<vmem>>, vector<16xi32>,
    %get3A_62 = arith.constant 82 : index
    %get3A_63 = tpu.vector_load %arg5[%get3A_62] {strides = array<i32>} : memref<10000xi32, #tpu.memory_space<vmem>>, vector<16xi32>,
    %mul3A_64 = arith.constant 3 : i32
    %mul3A_65 = arith.muli %rem3A_41, %mul3A_64 : i32
    %add3A_66 = vector.broadcast %mul3A_65 : i32 to vector<16xi32>
    %add3A_67 = arith.addi %get3A_63, %add3A_66 : vector<16xi32>
    %swap3A_68 = arith.constant 0 : i32
    %swap3A_69 = arith.index_cast %swap3A_68 : i32 to index
    %swap3A_70 = arith.constant 80 : index
    %swap3A_71 = tpu.vector_load %arg6[%swap3A_69, %swap3A_70] {strides = array<i32>} : memref<4x96xi32, #tpu.memory_space<vmem>>, vector<16xi32>,
    tpu.vector_store %arg6[%swap3A_69, %swap3A_70], %add3A_67 {strides = array<i32>} : memref<4x96xi32, #tpu.memory_space<vmem>>, vector<16xi32>,
    %dma_start3A = arith.constant 0 : i32
    %dma_start3A_72 = arith.constant 0 : i32
    %dma_start3A_73 = arith.constant 0 : i32
    %dma_start3A_74 = arith.constant 0 : i32
    %dma_start3A_75 = tpu.memref_slice %arg7[%dma_start3A_72, %dma_start3A_73, %dma_start3A_74] : memref<4x96x256xf32, #tpu.memory_space<vmem>> -> memref<1x96x256xf32, #tpu.memory_space<vmem>>
    %dma_start3A_76 = tpu.memref_squeeze %dma_start3A_75 : memref<1x96x256xf32, #tpu.memory_space<vmem>> -> memref<96x256xf32, #tpu.memory_space<vmem>>
    %dma_start3A_77 = arith.constant 0 : i32
    %dma_start3A_78 = tpu.memref_slice %arg6[%dma_start3A, %dma_start3A_77] : memref<4x96xi32, #tpu.memory_space<vmem>> -> memref<1x96xi32, #tpu.memory_space<vmem>>
    %dma_start3A_79 = tpu.memref_squeeze %dma_start3A_78 : memref<1x96xi32, #tpu.memory_space<vmem>> -> memref<96xi32, #tpu.memory_space<vmem>>
    %dma_start3A_80 = arith.constant 0 : i32
    %dma_start3A_81 = arith.constant 0 : i32
    %dma_start3A_82 = tpu.memref_slice %arg3[%dma_start3A_80, %dma_start3A_81] : memref<300x256xf32, #tpu.memory_space<hbm>> -> memref<300x256xf32, #tpu.memory_space<hbm>>
    tpu.enqueue_indirect_dma source(%dma_start3A_82 : memref<300x256xf32, #tpu.memory_space<hbm>>) target(%dma_start3A_76 : memref<96x256xf32, #tpu.memory_space<vmem>>) offsets(%dma_start3A_79 : memref<96xi32, #tpu.memory_space<vmem>>) semaphore(%arg8 : memref<!tpu.dma_semaphore, #tpu.memory_space<semaphore_mem>>)
    %mul3A_83 = arith.constant 200 : i32
    %mul3A_84 = arith.muli %add3A, %mul3A_83 : i32
    %add3A_85 = arith.constant 2 : i32
    %add3A_86 = arith.addi %mul3A_84, %add3A_85 : i32
    %add3A_87 = arith.constant 0 : i32
    %add3A_88 = arith.addi %add3A_86, %add3A_87 : i32
    %rem3A_89 = arith.constant 100 : i32
    %rem3A_90 = arith.remsi %add3A_88, %rem3A_89 : i32
    %get3A_91 = arith.constant 100 : index
    %get3A_92 = tpu.vector_load %arg5[%get3A_91] {strides = array<i32>} : memref<10000xi32, #tpu.memory_space<vmem>>, vector<16xi32>,
    %mul3A_93 = arith.constant 3 : i32
    %mul3A_94 = arith.muli %rem3A_90, %mul3A_93 : i32
    %add3A_95 = vector.broadcast %mul3A_94 : i32 to vector<16xi32>
    %add3A_96 = arith.addi %get3A_92, %add3A_95 : vector<16xi32>
    %swap3A_97 = arith.constant 1 : i32
    %swap3A_98 = arith.index_cast %swap3A_97 : i32 to index
    %swap3A_99 = arith.constant 0 : index
    %swap3A_100 = tpu.vector_load %arg6[%swap3A_98, %swap3A_99] {strides = array<i32>} : memref<4x96xi32, #tpu.memory_space<vmem>>, vector<16xi32>,
    tpu.vector_store %arg6[%swap3A_98, %swap3A_99], %add3A_96 {strides = array<i32>} : memref<4x96xi32, #tpu.memory_space<vmem>>, vector<16xi32>,
    %get3A_101 = arith.constant 116 : index
    %get3A_102 = tpu.vector_load %arg5[%get3A_101] {strides = array<i32>} : memref<10000xi32, #tpu.memory_space<vmem>>, vector<16xi32>,
    %mul3A_103 = arith.constant 3 : i32
    %mul3A_104 = arith.muli %rem3A_90, %mul3A_103 : i32
    %add3A_105 = vector.broadcast %mul3A_104 : i32 to vector<16xi32>
    %add3A_106 = arith.addi %get3A_102, %add3A_105 : vector<16xi32>
    %swap3A_107 = arith.constant 1 : i32
    %swap3A_108 = arith.index_cast %swap3A_107 : i32 to index
    %swap3A_109 = arith.constant 16 : index
    %swap3A_110 = tpu.vector_load %arg6[%swap3A_108, %swap3A_109] {strides = array<i32>} : memref<4x96xi32, #tpu.memory_space<vmem>>, vector<16xi32>,
    tpu.vector_store %arg6[%swap3A_108, %swap3A_109], %add3A_106 {strides = array<i32>} : memref<4x96xi32, #tpu.memory_space<vmem>>, vector<16xi32>,
    %get3A_111 = arith.constant 132 : index
    %get3A_112 = tpu.vector_load %arg5[%get3A_111] {strides = array<i32>} : memref<10000xi32, #tpu.memory_space<vmem>>, vector<16xi32>,
    %mul3A_113 = arith.constant 3 : i32
    %mul3A_114 = arith.muli %rem3A_90, %mul3A_113 : i32
    %add3A_115 = vector.broadcast %mul3A_114 : i32 to vector<16xi32>
    %add3A_116 = arith.addi %get3A_112, %add3A_115 : vector<16xi32>
    %swap3A_117 = arith.constant 1 : i32
    %swap3A_118 = arith.index_cast %swap3A_117 : i32 to index
    %swap3A_119 = arith.constant 32 : index
    %swap3A_120 = tpu.vector_load %arg6[%swap3A_118, %swap3A_119] {strides = array<i32>} : memref<4x96xi32, #tpu.memory_space<vmem>>, vector<16xi32>,
    tpu.vector_store %arg6[%swap3A_118, %swap3A_119], %add3A_116 {strides = array<i32>} : memref<4x96xi32, #tpu.memory_space<vmem>>, vector<16xi32>,
    %add3A_121 = arith.constant 1 : i32
    %add3A_122 = arith.addi %add3A_86, %add3A_121 : i32
    %rem3A_123 = arith.constant 100 : i32
    %rem3A_124 = arith.remsi %add3A_122, %rem3A_123 : i32
    %get3A_125 = arith.constant 150 : index
    %get3A_126 = tpu.vector_load %arg5[%get3A_125] {strides = array<i32>} : memref<10000xi32, #tpu.memory_space<vmem>>, vector<16xi32>,
    %mul3A_127 = arith.constant 3 : i32
    %mul3A_128 = arith.muli %rem3A_124, %mul3A_127 : i32
    %add3A_129 = vector.broadcast %mul3A_128 : i32 to vector<16xi32>
    %add3A_130 = arith.addi %get3A_126, %add3A_129 : vector<16xi32>
    %swap3A_131 = arith.constant 1 : i32
    %swap3A_132 = arith.index_cast %swap3A_131 : i32 to index
    %swap3A_133 = arith.constant 48 : index
    %swap3A_134 = tpu.vector_load %arg6[%swap3A_132, %swap3A_133] {strides = array<i32>} : memref<4x96xi32, #tpu.memory_space<vmem>>, vector<16xi32>,
    tpu.vector_store %arg6[%swap3A_132, %swap3A_133], %add3A_130 {strides = array<i32>} : memref<4x96xi32, #tpu.memory_space<vmem>>, vector<16xi32>,
    %get3A_135 = arith.constant 166 : index
    %get3A_136 = tpu.vector_load %arg5[%get3A_135] {strides = array<i32>} : memref<10000xi32, #tpu.memory_space<vmem>>, vector<16xi32>,
    %mul3A_137 = arith.constant 3 : i32
    %mul3A_138 = arith.muli %rem3A_124, %mul3A_137 : i32
    %add3A_139 = vector.broadcast %mul3A_138 : i32 to vector<16xi32>
    %add3A_140 = arith.addi %get3A_136, %add3A_139 : vector<16xi32>
    %swap3A_141 = arith.constant 1 : i32
    %swap3A_142 = arith.index_cast %swap3A_141 : i32 to index
    %swap3A_143 = arith.constant 64 : index
    %swap3A_144 = tpu.vector_load %arg6[%swap3A_142, %swap3A_143] {strides = array<i32>} : memref<4x96xi32, #tpu.memory_space<vmem>>, vector<16xi32>,
    tpu.vector_store %arg6[%swap3A_142, %swap3A_143], %add3A_140 {strides = array<i32>} : memref<4x96xi32, #tpu.memory_space<vmem>>, vector<16xi32>,
    %get3A_145 = arith.constant 182 : index
    %get3A_146 = tpu.vector_load %arg5[%get3A_145] {strides = array<i32>} : memref<10000xi32, #tpu.memory_space<vmem>>, vector<16xi32>,
    %mul3A_147 = arith.constant 3 : i32
    %mul3A_148 = arith.muli %rem3A_124, %mul3A_147 : i32
    %add3A_149 = vector.broadcast %mul3A_148 : i32 to vector<16xi32>
    %add3A_150 = arith.addi %get3A_146, %add3A_149 : vector<16xi32>
    %swap3A_151 = arith.constant 1 : i32
    %swap3A_152 = arith.index_cast %swap3A_151 : i32 to index
    %swap3A_153 = arith.constant 80 : index
    %swap3A_154 = tpu.vector_load %arg6[%swap3A_152, %swap3A_153] {strides = array<i32>} : memref<4x96xi32, #tpu.memory_space<vmem>>, vector<16xi32>,
    tpu.vector_store %arg6[%swap3A_152, %swap3A_153], %add3A_150 {strides = array<i32>} : memref<4x96xi32, #tpu.memory_space<vmem>>, vector<16xi32>,
    %dma_start3A_155 = arith.constant 1 : i32
    %dma_start3A_156 = arith.constant 1 : i32
    %dma_start3A_157 = arith.constant 0 : i32
    %dma_start3A_158 = arith.constant 0 : i32
    %dma_start3A_159 = tpu.memref_slice %arg7[%dma_start3A_156, %dma_start3A_157, %dma_start3A_158] : memref<4x96x256xf32, #tpu.memory_space<vmem>> -> memref<1x96x256xf32, #tpu.memory_space<vmem>>
    %dma_start3A_160 = tpu.memref_squeeze %dma_start3A_159 : memref<1x96x256xf32, #tpu.memory_space<vmem>> -> memref<96x256xf32, #tpu.memory_space<vmem>>
    %dma_start3A_161 = arith.constant 0 : i32
    %dma_start3A_162 = tpu.memref_slice %arg6[%dma_start3A_155, %dma_start3A_161] : memref<4x96xi32, #tpu.memory_space<vmem>> -> memref<1x96xi32, #tpu.memory_space<vmem>>
    %dma_start3A_163 = tpu.memref_squeeze %dma_start3A_162 : memref<1x96xi32, #tpu.memory_space<vmem>> -> memref<96xi32, #tpu.memory_space<vmem>>
    %dma_start3A_164 = arith.constant 0 : i32
    %dma_start3A_165 = arith.constant 0 : i32
    %dma_start3A_166 = tpu.memref_slice %arg3[%dma_start3A_164, %dma_start3A_165] : memref<300x256xf32, #tpu.memory_space<hbm>> -> memref<300x256xf32, #tpu.memory_space<hbm>>
    tpu.enqueue_indirect_dma source(%dma_start3A_166 : memref<300x256xf32, #tpu.memory_space<hbm>>) target(%dma_start3A_160 : memref<96x256xf32, #tpu.memory_space<vmem>>) offsets(%dma_start3A_163 : memref<96xi32, #tpu.memory_space<vmem>>) semaphore(%arg9 : memref<!tpu.dma_semaphore, #tpu.memory_space<semaphore_mem>>)
    %scan3A = arith.constant 0 : i32
    %scan3A_167 = arith.constant 0 : i32
    %scan3A_168 = arith.constant 25 : i32
    %scan3A_169 = arith.addi %scan3A_167, %scan3A_168 : i32
    %scan3A_170 = arith.constant 1 : i32
    scf.for %scan3A_323 = %scan3A_167 to %scan3A_169 step %scan3A_170  : i32 {
      %mul3A_324 = arith.constant 4 : i32
      %mul3A_325 = arith.muli %scan3A_323, %mul3A_324 : i32
      %add3A_326 = arith.constant 0 : i32
      %add3A_327 = arith.addi %mul3A_325, %add3A_326 : i32
      %add3A_328 = arith.constant 2 : i32
      %add3A_329 = arith.addi %add3A_327, %add3A_328 : i32
      %lt3A = arith.constant 100 : i32
      %lt3A_330 = arith.cmpi slt, %add3A_329, %lt3A : i32
      %convert_element_type3A = arith.extui %lt3A_330 : i1 to i32
      %cond3A = arith.constant 0 : i32
      %cond3A_331 = arith.cmpi ne, %convert_element_type3A, %cond3A : i32
      scf.if %cond3A_331 {
        %mul3A_632 = arith.constant 200 : i32
        %mul3A_633 = arith.muli %add3A, %mul3A_632 : i32
        %mul3A_634 = arith.constant 2 : i32
        %mul3A_635 = arith.muli %mul3A_634, %add3A_329 : i32
        %add3A_636 = arith.addi %mul3A_633, %mul3A_635 : i32
        %add3A_637 = arith.constant 0 : i32
        %add3A_638 = arith.addi %add3A_636, %add3A_637 : i32
        %rem3A_639 = arith.constant 100 : i32
        %rem3A_640 = arith.remsi %add3A_638, %rem3A_639 : i32
        %mul3A_641 = arith.constant 2 : i32
        %mul3A_642 = arith.muli %mul3A_641, %add3A_329 : i32
        %add3A_643 = arith.constant 0 : i32
        %add3A_644 = arith.addi %mul3A_642, %add3A_643 : i32
        %mul3A_645 = arith.constant 50 : i32
        %mul3A_646 = arith.muli %add3A_644, %mul3A_645 : i32
        %add3A_647 = arith.constant 0 : i32
        %add3A_648 = arith.addi %mul3A_646, %add3A_647 : i32
        %get3A_649 = arith.index_cast %add3A_648 : i32 to index
        %get3A_650 = tpu.vector_load %arg5[%get3A_649] {strides = array<i32>} : memref<10000xi32, #tpu.memory_space<vmem>>, vector<16xi32>,
        %mul3A_651 = arith.constant 3 : i32
        %mul3A_652 = arith.muli %rem3A_640, %mul3A_651 : i32
        %add3A_653 = vector.broadcast %mul3A_652 : i32 to vector<16xi32>
        %add3A_654 = arith.addi %get3A_650, %add3A_653 : vector<16xi32>
        %swap3A_655 = arith.constant 2 : i32
        %swap3A_656 = arith.index_cast %swap3A_655 : i32 to index
        %swap3A_657 = arith.constant 0 : index
        %swap3A_658 = tpu.vector_load %arg6[%swap3A_656, %swap3A_657] {strides = array<i32>} : memref<4x96xi32, #tpu.memory_space<vmem>>, vector<16xi32>,
        tpu.vector_store %arg6[%swap3A_656, %swap3A_657], %add3A_654 {strides = array<i32>} : memref<4x96xi32, #tpu.memory_space<vmem>>, vector<16xi32>,
        %mul3A_659 = arith.constant 2 : i32
        %mul3A_660 = arith.muli %mul3A_659, %add3A_329 : i32
        %add3A_661 = arith.constant 0 : i32
        %add3A_662 = arith.addi %mul3A_660, %add3A_661 : i32
        %mul3A_663 = arith.constant 50 : i32
        %mul3A_664 = arith.muli %add3A_662, %mul3A_663 : i32
        %add3A_665 = arith.constant 16 : i32
        %add3A_666 = arith.addi %mul3A_664, %add3A_665 : i32
        %get3A_667 = arith.index_cast %add3A_666 : i32 to index
        %get3A_668 = tpu.vector_load %arg5[%get3A_667] {strides = array<i32>} : memref<10000xi32, #tpu.memory_space<vmem>>, vector<16xi32>,
        %mul3A_669 = arith.constant 3 : i32
        %mul3A_670 = arith.muli %rem3A_640, %mul3A_669 : i32
        %add3A_671 = vector.broadcast %mul3A_670 : i32 to vector<16xi32>
        %add3A_672 = arith.addi %get3A_668, %add3A_671 : vector<16xi32>
        %swap3A_673 = arith.constant 2 : i32
        %swap3A_674 = arith.index_cast %swap3A_673 : i32 to index
        %swap3A_675 = arith.constant 16 : index
        %swap3A_676 = tpu.vector_load %arg6[%swap3A_674, %swap3A_675] {strides = array<i32>} : memref<4x96xi32, #tpu.memory_space<vmem>>, vector<16xi32>,
        tpu.vector_store %arg6[%swap3A_674, %swap3A_675], %add3A_672 {strides = array<i32>} : memref<4x96xi32, #tpu.memory_space<vmem>>, vector<16xi32>,
        %mul3A_677 = arith.constant 2 : i32
        %mul3A_678 = arith.muli %mul3A_677, %add3A_329 : i32
        %add3A_679 = arith.constant 0 : i32
        %add3A_680 = arith.addi %mul3A_678, %add3A_679 : i32
        %mul3A_681 = arith.constant 50 : i32
        %mul3A_682 = arith.muli %add3A_680, %mul3A_681 : i32
        %add3A_683 = arith.constant 32 : i32
        %add3A_684 = arith.addi %mul3A_682, %add3A_683 : i32
        %get3A_685 = arith.index_cast %add3A_684 : i32 to index
        %get3A_686 = tpu.vector_load %arg5[%get3A_685] {strides = array<i32>} : memref<10000xi32, #tpu.memory_space<vmem>>, vector<16xi32>,
        %mul3A_687 = arith.constant 3 : i32
        %mul3A_688 = arith.muli %rem3A_640, %mul3A_687 : i32
        %add3A_689 = vector.broadcast %mul3A_688 : i32 to vector<16xi32>
        %add3A_690 = arith.addi %get3A_686, %add3A_689 : vector<16xi32>
        %swap3A_691 = arith.constant 2 : i32
        %swap3A_692 = arith.index_cast %swap3A_691 : i32 to index
        %swap3A_693 = arith.constant 32 : index
        %swap3A_694 = tpu.vector_load %arg6[%swap3A_692, %swap3A_693] {strides = array<i32>} : memref<4x96xi32, #tpu.memory_space<vmem>>, vector<16xi32>,
        tpu.vector_store %arg6[%swap3A_692, %swap3A_693], %add3A_690 {strides = array<i32>} : memref<4x96xi32, #tpu.memory_space<vmem>>, vector<16xi32>,
        %add3A_695 = arith.constant 1 : i32
        %add3A_696 = arith.addi %add3A_636, %add3A_695 : i32
        %rem3A_697 = arith.constant 100 : i32
        %rem3A_698 = arith.remsi %add3A_696, %rem3A_697 : i32
        %mul3A_699 = arith.constant 2 : i32
        %mul3A_700 = arith.muli %mul3A_699, %add3A_329 : i32
        %add3A_701 = arith.constant 1 : i32
        %add3A_702 = arith.addi %mul3A_700, %add3A_701 : i32
        %mul3A_703 = arith.constant 50 : i32
        %mul3A_704 = arith.muli %add3A_702, %mul3A_703 : i32
        %add3A_705 = arith.constant 0 : i32
        %add3A_706 = arith.addi %mul3A_704, %add3A_705 : i32
        %get3A_707 = arith.index_cast %add3A_706 : i32 to index
        %get3A_708 = tpu.vector_load %arg5[%get3A_707] {strides = array<i32>} : memref<10000xi32, #tpu.memory_space<vmem>>, vector<16xi32>,
        %mul3A_709 = arith.constant 3 : i32
        %mul3A_710 = arith.muli %rem3A_698, %mul3A_709 : i32
        %add3A_711 = vector.broadcast %mul3A_710 : i32 to vector<16xi32>
        %add3A_712 = arith.addi %get3A_708, %add3A_711 : vector<16xi32>
        %swap3A_713 = arith.constant 2 : i32
        %swap3A_714 = arith.index_cast %swap3A_713 : i32 to index
        %swap3A_715 = arith.constant 48 : index
        %swap3A_716 = tpu.vector_load %arg6[%swap3A_714, %swap3A_715] {strides = array<i32>} : memref<4x96xi32, #tpu.memory_space<vmem>>, vector<16xi32>,
        tpu.vector_store %arg6[%swap3A_714, %swap3A_715], %add3A_712 {strides = array<i32>} : memref<4x96xi32, #tpu.memory_space<vmem>>, vector<16xi32>,
        %mul3A_717 = arith.constant 2 : i32
        %mul3A_718 = arith.muli %mul3A_717, %add3A_329 : i32
        %add3A_719 = arith.constant 1 : i32
        %add3A_720 = arith.addi %mul3A_718, %add3A_719 : i32
        %mul3A_721 = arith.constant 50 : i32
        %mul3A_722 = arith.muli %add3A_720, %mul3A_721 : i32
        %add3A_723 = arith.constant 16 : i32
        %add3A_724 = arith.addi %mul3A_722, %add3A_723 : i32
        %get3A_725 = arith.index_cast %add3A_724 : i32 to index
        %get3A_726 = tpu.vector_load %arg5[%get3A_725] {strides = array<i32>} : memref<10000xi32, #tpu.memory_space<vmem>>, vector<16xi32>,
        %mul3A_727 = arith.constant 3 : i32
        %mul3A_728 = arith.muli %rem3A_698, %mul3A_727 : i32
        %add3A_729 = vector.broadcast %mul3A_728 : i32 to vector<16xi32>
        %add3A_730 = arith.addi %get3A_726, %add3A_729 : vector<16xi32>
        %swap3A_731 = arith.constant 2 : i32
        %swap3A_732 = arith.index_cast %swap3A_731 : i32 to index
        %swap3A_733 = arith.constant 64 : index
        %swap3A_734 = tpu.vector_load %arg6[%swap3A_732, %swap3A_733] {strides = array<i32>} : memref<4x96xi32, #tpu.memory_space<vmem>>, vector<16xi32>,
        tpu.vector_store %arg6[%swap3A_732, %swap3A_733], %add3A_730 {strides = array<i32>} : memref<4x96xi32, #tpu.memory_space<vmem>>, vector<16xi32>,
        %mul3A_735 = arith.constant 2 : i32
        %mul3A_736 = arith.muli %mul3A_735, %add3A_329 : i32
        %add3A_737 = arith.constant 1 : i32
        %add3A_738 = arith.addi %mul3A_736, %add3A_737 : i32
        %mul3A_739 = arith.constant 50 : i32
        %mul3A_740 = arith.muli %add3A_738, %mul3A_739 : i32
        %add3A_741 = arith.constant 32 : i32
        %add3A_742 = arith.addi %mul3A_740, %add3A_741 : i32
        %get3A_743 = arith.index_cast %add3A_742 : i32 to index
        %get3A_744 = tpu.vector_load %arg5[%get3A_743] {strides = array<i32>} : memref<10000xi32, #tpu.memory_space<vmem>>, vector<16xi32>,
        %mul3A_745 = arith.constant 3 : i32
        %mul3A_746 = arith.muli %rem3A_698, %mul3A_745 : i32
        %add3A_747 = vector.broadcast %mul3A_746 : i32 to vector<16xi32>
        %add3A_748 = arith.addi %get3A_744, %add3A_747 : vector<16xi32>
        %swap3A_749 = arith.constant 2 : i32
        %swap3A_750 = arith.index_cast %swap3A_749 : i32 to index
        %swap3A_751 = arith.constant 80 : index
        %swap3A_752 = tpu.vector_load %arg6[%swap3A_750, %swap3A_751] {strides = array<i32>} : memref<4x96xi32, #tpu.memory_space<vmem>>, vector<16xi32>,
        tpu.vector_store %arg6[%swap3A_750, %swap3A_751], %add3A_748 {strides = array<i32>} : memref<4x96xi32, #tpu.memory_space<vmem>>, vector<16xi32>,
        %ge3A = arith.constant 4 : i32
        %ge3A_753 = arith.cmpi sge, %add3A_329, %ge3A : i32
        %convert_element_type3A_754 = arith.extui %ge3A_753 : i1 to i32
        %cond3A_755 = arith.constant 0 : i32
        %cond3A_756 = arith.cmpi ne, %convert_element_type3A_754, %cond3A_755 : i32
        scf.if %cond3A_756 {
          %dma_wait3A_769 = arith.constant 2 : i32
          %dma_wait3A_770 = arith.constant 0 : i32
          %dma_wait3A_771 = arith.constant 0 : i32
          %dma_wait3A_772 = arith.constant 0 : i32
          %dma_wait3A_773 = arith.constant 0 : i32
          %dma_wait3A_774 = tpu.memref_slice %arg7[%dma_wait3A_769, %dma_wait3A_772, %dma_wait3A_773] : memref<4x96x256xf32, #tpu.memory_space<vmem>> -> memref<1x48x256xf32, #tpu.memory_space<vmem>>
          %dma_wait3A_775 = tpu.memref_squeeze %dma_wait3A_774 : memref<1x48x256xf32, #tpu.memory_space<vmem>> -> memref<48x256xf32, #tpu.memory_space<vmem>>
          %dma_wait3A_776 = arith.constant 0 : i32
          %dma_wait3A_777 = arith.constant 0 : i32
          %dma_wait3A_778 = tpu.memref_slice %arg4[%dma_wait3A_770, %dma_wait3A_771, %dma_wait3A_776, %dma_wait3A_777] : memref<64x100x50x256xf32, #tpu.memory_space<hbm>> -> memref<1x1x48x256xf32, #tpu.memory_space<hbm>>
          %dma_wait3A_779 = tpu.memref_squeeze %dma_wait3A_778 : memref<1x1x48x256xf32, #tpu.memory_space<hbm>> -> memref<48x256xf32, #tpu.memory_space<hbm>>
          %dma_wait3A_780 = arith.constant 0 : i32
          %dma_wait3A_781 = arith.constant 0 : i32
          %dma_wait3A_782 = tpu.memref_slice %arg4[%dma_wait3A_770, %dma_wait3A_771, %dma_wait3A_780, %dma_wait3A_781] : memref<64x100x50x256xf32, #tpu.memory_space<hbm>> -> memref<1x1x48x256xf32, #tpu.memory_space<hbm>>
          %dma_wait3A_783 = tpu.memref_squeeze %dma_wait3A_782 : memref<1x1x48x256xf32, #tpu.memory_space<hbm>> -> memref<48x256xf32, #tpu.memory_space<hbm>>
          %dma_wait3A_784 = arith.constant 0 : i32
          %dma_wait3A_785 = arith.constant 0 : i32
          %dma_wait3A_786 = tpu.memref_slice %arg7[%dma_wait3A_769, %dma_wait3A_784, %dma_wait3A_785] : memref<4x96x256xf32, #tpu.memory_space<vmem>> -> memref<1x48x256xf32, #tpu.memory_space<vmem>>
          %dma_wait3A_787 = tpu.memref_squeeze %dma_wait3A_786 : memref<1x48x256xf32, #tpu.memory_space<vmem>> -> memref<48x256xf32, #tpu.memory_space<vmem>>
          tpu.wait_dma2 semaphore(%arg14 : memref<!tpu.dma_semaphore, #tpu.memory_space<semaphore_mem>>) src(%dma_wait3A_787 : memref<48x256xf32, #tpu.memory_space<vmem>>) dst(%dma_wait3A_783 : memref<48x256xf32, #tpu.memory_space<hbm>>)
          %dma_wait3A_788 = arith.constant 2 : i32
          %dma_wait3A_789 = arith.constant 0 : i32
          %dma_wait3A_790 = arith.constant 0 : i32
          %dma_wait3A_791 = arith.constant 0 : i32
          %dma_wait3A_792 = arith.constant 0 : i32
          %dma_wait3A_793 = tpu.memref_slice %arg7[%dma_wait3A_788, %dma_wait3A_791, %dma_wait3A_792] : memref<4x96x256xf32, #tpu.memory_space<vmem>> -> memref<1x48x256xf32, #tpu.memory_space<vmem>>
          %dma_wait3A_794 = tpu.memref_squeeze %dma_wait3A_793 : memref<1x48x256xf32, #tpu.memory_space<vmem>> -> memref<48x256xf32, #tpu.memory_space<vmem>>
          %dma_wait3A_795 = arith.constant 0 : i32
          %dma_wait3A_796 = arith.constant 0 : i32
          %dma_wait3A_797 = tpu.memref_slice %arg4[%dma_wait3A_789, %dma_wait3A_790, %dma_wait3A_795, %dma_wait3A_796] : memref<64x100x50x256xf32, #tpu.memory_space<hbm>> -> memref<1x1x48x256xf32, #tpu.memory_space<hbm>>
          %dma_wait3A_798 = tpu.memref_squeeze %dma_wait3A_797 : memref<1x1x48x256xf32, #tpu.memory_space<hbm>> -> memref<48x256xf32, #tpu.memory_space<hbm>>
          %dma_wait3A_799 = arith.constant 0 : i32
          %dma_wait3A_800 = arith.constant 0 : i32
          %dma_wait3A_801 = tpu.memref_slice %arg4[%dma_wait3A_789, %dma_wait3A_790, %dma_wait3A_799, %dma_wait3A_800] : memref<64x100x50x256xf32, #tpu.memory_space<hbm>> -> memref<1x1x48x256xf32, #tpu.memory_space<hbm>>
          %dma_wait3A_802 = tpu.memref_squeeze %dma_wait3A_801 : memref<1x1x48x256xf32, #tpu.memory_space<hbm>> -> memref<48x256xf32, #tpu.memory_space<hbm>>
          %dma_wait3A_803 = arith.constant 0 : i32
          %dma_wait3A_804 = arith.constant 0 : i32
          %dma_wait3A_805 = tpu.memref_slice %arg7[%dma_wait3A_788, %dma_wait3A_803, %dma_wait3A_804] : memref<4x96x256xf32, #tpu.memory_space<vmem>> -> memref<1x48x256xf32, #tpu.memory_space<vmem>>
          %dma_wait3A_806 = tpu.memref_squeeze %dma_wait3A_805 : memref<1x48x256xf32, #tpu.memory_space<vmem>> -> memref<48x256xf32, #tpu.memory_space<vmem>>
          tpu.wait_dma2 semaphore(%arg14 : memref<!tpu.dma_semaphore, #tpu.memory_space<semaphore_mem>>) src(%dma_wait3A_806 : memref<48x256xf32, #tpu.memory_space<vmem>>) dst(%dma_wait3A_802 : memref<48x256xf32, #tpu.memory_space<hbm>>)
        } else {
        }
        %dma_start3A_757 = arith.constant 2 : i32
        %dma_start3A_758 = arith.constant 2 : i32
        %dma_start3A_759 = arith.constant 0 : i32
        %dma_start3A_760 = arith.constant 0 : i32
        %dma_start3A_761 = tpu.memref_slice %arg7[%dma_start3A_758, %dma_start3A_759, %dma_start3A_760] : memref<4x96x256xf32, #tpu.memory_space<vmem>> -> memref<1x96x256xf32, #tpu.memory_space<vmem>>
        %dma_start3A_762 = tpu.memref_squeeze %dma_start3A_761 : memref<1x96x256xf32, #tpu.memory_space<vmem>> -> memref<96x256xf32, #tpu.memory_space<vmem>>
        %dma_start3A_763 = arith.constant 0 : i32
        %dma_start3A_764 = tpu.memref_slice %arg6[%dma_start3A_757, %dma_start3A_763] : memref<4x96xi32, #tpu.memory_space<vmem>> -> memref<1x96xi32, #tpu.memory_space<vmem>>
        %dma_start3A_765 = tpu.memref_squeeze %dma_start3A_764 : memref<1x96xi32, #tpu.memory_space<vmem>> -> memref<96xi32, #tpu.memory_space<vmem>>
        %dma_start3A_766 = arith.constant 0 : i32
        %dma_start3A_767 = arith.constant 0 : i32
        %dma_start3A_768 = tpu.memref_slice %arg3[%dma_start3A_766, %dma_start3A_767] : memref<300x256xf32, #tpu.memory_space<hbm>> -> memref<300x256xf32, #tpu.memory_space<hbm>>
        tpu.enqueue_indirect_dma source(%dma_start3A_768 : memref<300x256xf32, #tpu.memory_space<hbm>>) target(%dma_start3A_762 : memref<96x256xf32, #tpu.memory_space<vmem>>) offsets(%dma_start3A_765 : memref<96xi32, #tpu.memory_space<vmem>>) semaphore(%arg10 : memref<!tpu.dma_semaphore, #tpu.memory_space<semaphore_mem>>)
      } else {
      }
      %mul3A_332 = arith.constant 200 : i32
      %mul3A_333 = arith.muli %add3A, %mul3A_332 : i32
      %mul3A_334 = arith.constant 2 : i32
      %mul3A_335 = arith.muli %mul3A_334, %add3A_327 : i32
      %add3A_336 = arith.addi %mul3A_333, %mul3A_335 : i32
      %dma_wait3A_337 = arith.constant 0 : i32
      %dma_wait3A_338 = arith.constant 0 : i32
      %dma_wait3A_339 = arith.constant 0 : i32
      %dma_wait3A_340 = arith.constant 0 : i32
      %dma_wait3A_341 = tpu.memref_slice %arg7[%dma_wait3A_338, %dma_wait3A_339, %dma_wait3A_340] : memref<4x96x256xf32, #tpu.memory_space<vmem>> -> memref<1x96x256xf32, #tpu.memory_space<vmem>>
      %dma_wait3A_342 = tpu.memref_squeeze %dma_wait3A_341 : memref<1x96x256xf32, #tpu.memory_space<vmem>> -> memref<96x256xf32, #tpu.memory_space<vmem>>
      %dma_wait3A_343 = arith.constant 0 : i32
      %dma_wait3A_344 = tpu.memref_slice %arg6[%dma_wait3A_337, %dma_wait3A_343] : memref<4x96xi32, #tpu.memory_space<vmem>> -> memref<1x96xi32, #tpu.memory_space<vmem>>
      %dma_wait3A_345 = tpu.memref_squeeze %dma_wait3A_344 : memref<1x96xi32, #tpu.memory_space<vmem>> -> memref<96xi32, #tpu.memory_space<vmem>>
      %dma_wait3A_346 = arith.constant 0 : i32
      %dma_wait3A_347 = arith.constant 0 : i32
      %dma_wait3A_348 = tpu.memref_slice %arg3[%dma_wait3A_346, %dma_wait3A_347] : memref<300x256xf32, #tpu.memory_space<hbm>> -> memref<300x256xf32, #tpu.memory_space<hbm>>
      tpu.wait_indirect_dma semaphore(%arg8 : memref<!tpu.dma_semaphore, #tpu.memory_space<semaphore_mem>>) src(%dma_wait3A_348 : memref<300x256xf32, #tpu.memory_space<hbm>>) dst(%dma_wait3A_342 : memref<96x256xf32, #tpu.memory_space<vmem>>)
      %add3A_349 = arith.constant 0 : i32
      %add3A_350 = arith.addi %add3A_336, %add3A_349 : i32
      %div3A = arith.constant 100 : i32
      %div3A_351 = arith.divsi %add3A_350, %div3A : i32
      %add3A_352 = arith.constant 0 : i32
      %add3A_353 = arith.addi %add3A_336, %add3A_352 : i32
      %rem3A_354 = arith.constant 100 : i32
      %rem3A_355 = arith.remsi %add3A_353, %rem3A_354 : i32
      %dma_start3A_356 = arith.constant 0 : i32
      %dma_start3A_357 = arith.constant 0 : i32
      %dma_start3A_358 = arith.constant 0 : i32
      %dma_start3A_359 = tpu.memref_slice %arg7[%dma_start3A_356, %dma_start3A_357, %dma_start3A_358] : memref<4x96x256xf32, #tpu.memory_space<vmem>> -> memref<1x48x256xf32, #tpu.memory_space<vmem>>
      %dma_start3A_360 = tpu.memref_squeeze %dma_start3A_359 : memref<1x48x256xf32, #tpu.memory_space<vmem>> -> memref<48x256xf32, #tpu.memory_space<vmem>>
      %dma_start3A_361 = arith.constant 0 : i32
      %dma_start3A_362 = arith.constant 0 : i32
      %dma_start3A_363 = tpu.memref_slice %arg4[%div3A_351, %rem3A_355, %dma_start3A_361, %dma_start3A_362] : memref<64x100x50x256xf32, #tpu.memory_space<hbm>> -> memref<1x1x48x256xf32, #tpu.memory_space<hbm>>
      %dma_start3A_364 = tpu.memref_squeeze %dma_start3A_363 : memref<1x1x48x256xf32, #tpu.memory_space<hbm>> -> memref<48x256xf32, #tpu.memory_space<hbm>>
      %dma_start3A_365 = arith.constant 0 : i32
      %dma_start3A_366 = arith.constant 0 : i32
      %dma_start3A_367 = tpu.memref_slice %arg4[%div3A_351, %rem3A_355, %dma_start3A_365, %dma_start3A_366] : memref<64x100x50x256xf32, #tpu.memory_space<hbm>> -> memref<1x1x48x256xf32, #tpu.memory_space<hbm>>
      %dma_start3A_368 = tpu.memref_squeeze %dma_start3A_367 : memref<1x1x48x256xf32, #tpu.memory_space<hbm>> -> memref<48x256xf32, #tpu.memory_space<hbm>>
      %dma_start3A_369 = arith.constant 0 : i32
      %dma_start3A_370 = arith.constant 0 : i32
      %dma_start3A_371 = tpu.memref_slice %arg7[%dma_start3A_356, %dma_start3A_369, %dma_start3A_370] : memref<4x96x256xf32, #tpu.memory_space<vmem>> -> memref<1x48x256xf32, #tpu.memory_space<vmem>>
      %dma_start3A_372 = tpu.memref_squeeze %dma_start3A_371 : memref<1x48x256xf32, #tpu.memory_space<vmem>> -> memref<48x256xf32, #tpu.memory_space<vmem>>
      tpu.enqueue_dma source(%dma_start3A_372 : memref<48x256xf32, #tpu.memory_space<vmem>>) target(%dma_start3A_368 : memref<48x256xf32, #tpu.memory_space<hbm>>) target_semaphore(%arg12 : memref<!tpu.dma_semaphore, #tpu.memory_space<semaphore_mem>>)
      %add3A_373 = arith.constant 1 : i32
      %add3A_374 = arith.addi %add3A_336, %add3A_373 : i32
      %div3A_375 = arith.constant 100 : i32
      %div3A_376 = arith.divsi %add3A_374, %div3A_375 : i32
      %add3A_377 = arith.constant 1 : i32
      %add3A_378 = arith.addi %add3A_336, %add3A_377 : i32
      %rem3A_379 = arith.constant 100 : i32
      %rem3A_380 = arith.remsi %add3A_378, %rem3A_379 : i32
      %dma_start3A_381 = arith.constant 0 : i32
      %dma_start3A_382 = arith.constant 48 : i32
      %dma_start3A_383 = arith.constant 0 : i32
      %dma_start3A_384 = tpu.memref_slice %arg7[%dma_start3A_381, %dma_start3A_382, %dma_start3A_383] : memref<4x96x256xf32, #tpu.memory_space<vmem>> -> memref<1x48x256xf32, #tpu.memory_space<vmem>>
      %dma_start3A_385 = tpu.memref_squeeze %dma_start3A_384 : memref<1x48x256xf32, #tpu.memory_space<vmem>> -> memref<48x256xf32, #tpu.memory_space<vmem>>
      %dma_start3A_386 = arith.constant 0 : i32
      %dma_start3A_387 = arith.constant 0 : i32
      %dma_start3A_388 = tpu.memref_slice %arg4[%div3A_376, %rem3A_380, %dma_start3A_386, %dma_start3A_387] : memref<64x100x50x256xf32, #tpu.memory_space<hbm>> -> memref<1x1x48x256xf32, #tpu.memory_space<hbm>>
      %dma_start3A_389 = tpu.memref_squeeze %dma_start3A_388 : memref<1x1x48x256xf32, #tpu.memory_space<hbm>> -> memref<48x256xf32, #tpu.memory_space<hbm>>
      %dma_start3A_390 = arith.constant 0 : i32
      %dma_start3A_391 = arith.constant 0 : i32
      %dma_start3A_392 = tpu.memref_slice %arg4[%div3A_376, %rem3A_380, %dma_start3A_390, %dma_start3A_391] : memref<64x100x50x256xf32, #tpu.memory_space<hbm>> -> memref<1x1x48x256xf32, #tpu.memory_space<hbm>>
      %dma_start3A_393 = tpu.memref_squeeze %dma_start3A_392 : memref<1x1x48x256xf32, #tpu.memory_space<hbm>> -> memref<48x256xf32, #tpu.memory_space<hbm>>
      %dma_start3A_394 = arith.constant 48 : i32
      %dma_start3A_395 = arith.constant 0 : i32
      %dma_start3A_396 = tpu.memref_slice %arg7[%dma_start3A_381, %dma_start3A_394, %dma_start3A_395] : memref<4x96x256xf32, #tpu.memory_space<vmem>> -> memref<1x48x256xf32, #tpu.memory_space<vmem>>
      %dma_start3A_397 = tpu.memref_squeeze %dma_start3A_396 : memref<1x48x256xf32, #tpu.memory_space<vmem>> -> memref<48x256xf32, #tpu.memory_space<vmem>>
      tpu.enqueue_dma source(%dma_start3A_397 : memref<48x256xf32, #tpu.memory_space<vmem>>) target(%dma_start3A_393 : memref<48x256xf32, #tpu.memory_space<hbm>>) target_semaphore(%arg12 : memref<!tpu.dma_semaphore, #tpu.memory_space<semaphore_mem>>)
      %mul3A_398 = arith.constant 4 : i32
      %mul3A_399 = arith.muli %scan3A_323, %mul3A_398 : i32
      %add3A_400 = arith.constant 1 : i32
      %add3A_401 = arith.addi %mul3A_399, %add3A_400 : i32
      %add3A_402 = arith.constant 2 : i32
      %add3A_403 = arith.addi %add3A_401, %add3A_402 : i32
      %lt3A_404 = arith.constant 100 : i32
      %lt3A_405 = arith.cmpi slt, %add3A_403, %lt3A_404 : i32
      %convert_element_type3A_406 = arith.extui %lt3A_405 : i1 to i32
      %cond3A_407 = arith.constant 0 : i32
      %cond3A_408 = arith.cmpi ne, %convert_element_type3A_406, %cond3A_407 : i32
      scf.if %cond3A_408 {
        %mul3A_632 = arith.constant 200 : i32
        %mul3A_633 = arith.muli %add3A, %mul3A_632 : i32
        %mul3A_634 = arith.constant 2 : i32
        %mul3A_635 = arith.muli %mul3A_634, %add3A_403 : i32
        %add3A_636 = arith.addi %mul3A_633, %mul3A_635 : i32
        %add3A_637 = arith.constant 0 : i32
        %add3A_638 = arith.addi %add3A_636, %add3A_637 : i32
        %rem3A_639 = arith.constant 100 : i32
        %rem3A_640 = arith.remsi %add3A_638, %rem3A_639 : i32
        %mul3A_641 = arith.constant 2 : i32
        %mul3A_642 = arith.muli %mul3A_641, %add3A_403 : i32
        %add3A_643 = arith.constant 0 : i32
        %add3A_644 = arith.addi %mul3A_642, %add3A_643 : i32
        %mul3A_645 = arith.constant 50 : i32
        %mul3A_646 = arith.muli %add3A_644, %mul3A_645 : i32
        %add3A_647 = arith.constant 0 : i32
        %add3A_648 = arith.addi %mul3A_646, %add3A_647 : i32
        %get3A_649 = arith.index_cast %add3A_648 : i32 to index
        %get3A_650 = tpu.vector_load %arg5[%get3A_649] {strides = array<i32>} : memref<10000xi32, #tpu.memory_space<vmem>>, vector<16xi32>,
        %mul3A_651 = arith.constant 3 : i32
        %mul3A_652 = arith.muli %rem3A_640, %mul3A_651 : i32
        %add3A_653 = vector.broadcast %mul3A_652 : i32 to vector<16xi32>
        %add3A_654 = arith.addi %get3A_650, %add3A_653 : vector<16xi32>
        %swap3A_655 = arith.constant 3 : i32
        %swap3A_656 = arith.index_cast %swap3A_655 : i32 to index
        %swap3A_657 = arith.constant 0 : index
        %swap3A_658 = tpu.vector_load %arg6[%swap3A_656, %swap3A_657] {strides = array<i32>} : memref<4x96xi32, #tpu.memory_space<vmem>>, vector<16xi32>,
        tpu.vector_store %arg6[%swap3A_656, %swap3A_657], %add3A_654 {strides = array<i32>} : memref<4x96xi32, #tpu.memory_space<vmem>>, vector<16xi32>,
        %mul3A_659 = arith.constant 2 : i32
        %mul3A_660 = arith.muli %mul3A_659, %add3A_403 : i32
        %add3A_661 = arith.constant 0 : i32
        %add3A_662 = arith.addi %mul3A_660, %add3A_661 : i32
        %mul3A_663 = arith.constant 50 : i32
        %mul3A_664 = arith.muli %add3A_662, %mul3A_663 : i32
        %add3A_665 = arith.constant 16 : i32
        %add3A_666 = arith.addi %mul3A_664, %add3A_665 : i32
        %get3A_667 = arith.index_cast %add3A_666 : i32 to index
        %get3A_668 = tpu.vector_load %arg5[%get3A_667] {strides = array<i32>} : memref<10000xi32, #tpu.memory_space<vmem>>, vector<16xi32>,
        %mul3A_669 = arith.constant 3 : i32
        %mul3A_670 = arith.muli %rem3A_640, %mul3A_669 : i32
        %add3A_671 = vector.broadcast %mul3A_670 : i32 to vector<16xi32>
        %add3A_672 = arith.addi %get3A_668, %add3A_671 : vector<16xi32>
        %swap3A_673 = arith.constant 3 : i32
        %swap3A_674 = arith.index_cast %swap3A_673 : i32 to index
        %swap3A_675 = arith.constant 16 : index
        %swap3A_676 = tpu.vector_load %arg6[%swap3A_674, %swap3A_675] {strides = array<i32>} : memref<4x96xi32, #tpu.memory_space<vmem>>, vector<16xi32>,
        tpu.vector_store %arg6[%swap3A_674, %swap3A_675], %add3A_672 {strides = array<i32>} : memref<4x96xi32, #tpu.memory_space<vmem>>, vector<16xi32>,
        %mul3A_677 = arith.constant 2 : i32
        %mul3A_678 = arith.muli %mul3A_677, %add3A_403 : i32
        %add3A_679 = arith.constant 0 : i32
        %add3A_680 = arith.addi %mul3A_678, %add3A_679 : i32
        %mul3A_681 = arith.constant 50 : i32
        %mul3A_682 = arith.muli %add3A_680, %mul3A_681 : i32
        %add3A_683 = arith.constant 32 : i32
        %add3A_684 = arith.addi %mul3A_682, %add3A_683 : i32
        %get3A_685 = arith.index_cast %add3A_684 : i32 to index
        %get3A_686 = tpu.vector_load %arg5[%get3A_685] {strides = array<i32>} : memref<10000xi32, #tpu.memory_space<vmem>>, vector<16xi32>,
        %mul3A_687 = arith.constant 3 : i32
        %mul3A_688 = arith.muli %rem3A_640, %mul3A_687 : i32
        %add3A_689 = vector.broadcast %mul3A_688 : i32 to vector<16xi32>
        %add3A_690 = arith.addi %get3A_686, %add3A_689 : vector<16xi32>
        %swap3A_691 = arith.constant 3 : i32
        %swap3A_692 = arith.index_cast %swap3A_691 : i32 to index
        %swap3A_693 = arith.constant 32 : index
        %swap3A_694 = tpu.vector_load %arg6[%swap3A_692, %swap3A_693] {strides = array<i32>} : memref<4x96xi32, #tpu.memory_space<vmem>>, vector<16xi32>,
        tpu.vector_store %arg6[%swap3A_692, %swap3A_693], %add3A_690 {strides = array<i32>} : memref<4x96xi32, #tpu.memory_space<vmem>>, vector<16xi32>,
        %add3A_695 = arith.constant 1 : i32
        %add3A_696 = arith.addi %add3A_636, %add3A_695 : i32
        %rem3A_697 = arith.constant 100 : i32
        %rem3A_698 = arith.remsi %add3A_696, %rem3A_697 : i32
        %mul3A_699 = arith.constant 2 : i32
        %mul3A_700 = arith.muli %mul3A_699, %add3A_403 : i32
        %add3A_701 = arith.constant 1 : i32
        %add3A_702 = arith.addi %mul3A_700, %add3A_701 : i32
        %mul3A_703 = arith.constant 50 : i32
        %mul3A_704 = arith.muli %add3A_702, %mul3A_703 : i32
        %add3A_705 = arith.constant 0 : i32
        %add3A_706 = arith.addi %mul3A_704, %add3A_705 : i32
        %get3A_707 = arith.index_cast %add3A_706 : i32 to index
        %get3A_708 = tpu.vector_load %arg5[%get3A_707] {strides = array<i32>} : memref<10000xi32, #tpu.memory_space<vmem>>, vector<16xi32>,
        %mul3A_709 = arith.constant 3 : i32
        %mul3A_710 = arith.muli %rem3A_698, %mul3A_709 : i32
        %add3A_711 = vector.broadcast %mul3A_710 : i32 to vector<16xi32>
        %add3A_712 = arith.addi %get3A_708, %add3A_711 : vector<16xi32>
        %swap3A_713 = arith.constant 3 : i32
        %swap3A_714 = arith.index_cast %swap3A_713 : i32 to index
        %swap3A_715 = arith.constant 48 : index
        %swap3A_716 = tpu.vector_load %arg6[%swap3A_714, %swap3A_715] {strides = array<i32>} : memref<4x96xi32, #tpu.memory_space<vmem>>, vector<16xi32>,
        tpu.vector_store %arg6[%swap3A_714, %swap3A_715], %add3A_712 {strides = array<i32>} : memref<4x96xi32, #tpu.memory_space<vmem>>, vector<16xi32>,
        %mul3A_717 = arith.constant 2 : i32
        %mul3A_718 = arith.muli %mul3A_717, %add3A_403 : i32
        %add3A_719 = arith.constant 1 : i32
        %add3A_720 = arith.addi %mul3A_718, %add3A_719 : i32
        %mul3A_721 = arith.constant 50 : i32
        %mul3A_722 = arith.muli %add3A_720, %mul3A_721 : i32
        %add3A_723 = arith.constant 16 : i32
        %add3A_724 = arith.addi %mul3A_722, %add3A_723 : i32
        %get3A_725 = arith.index_cast %add3A_724 : i32 to index
        %get3A_726 = tpu.vector_load %arg5[%get3A_725] {strides = array<i32>} : memref<10000xi32, #tpu.memory_space<vmem>>, vector<16xi32>,
        %mul3A_727 = arith.constant 3 : i32
        %mul3A_728 = arith.muli %rem3A_698, %mul3A_727 : i32
        %add3A_729 = vector.broadcast %mul3A_728 : i32 to vector<16xi32>
        %add3A_730 = arith.addi %get3A_726, %add3A_729 : vector<16xi32>
        %swap3A_731 = arith.constant 3 : i32
        %swap3A_732 = arith.index_cast %swap3A_731 : i32 to index
        %swap3A_733 = arith.constant 64 : index
        %swap3A_734 = tpu.vector_load %arg6[%swap3A_732, %swap3A_733] {strides = array<i32>} : memref<4x96xi32, #tpu.memory_space<vmem>>, vector<16xi32>,
        tpu.vector_store %arg6[%swap3A_732, %swap3A_733], %add3A_730 {strides = array<i32>} : memref<4x96xi32, #tpu.memory_space<vmem>>, vector<16xi32>,
        %mul3A_735 = arith.constant 2 : i32
        %mul3A_736 = arith.muli %mul3A_735, %add3A_403 : i32
        %add3A_737 = arith.constant 1 : i32
        %add3A_738 = arith.addi %mul3A_736, %add3A_737 : i32
        %mul3A_739 = arith.constant 50 : i32
        %mul3A_740 = arith.muli %add3A_738, %mul3A_739 : i32
        %add3A_741 = arith.constant 32 : i32
        %add3A_742 = arith.addi %mul3A_740, %add3A_741 : i32
        %get3A_743 = arith.index_cast %add3A_742 : i32 to index
        %get3A_744 = tpu.vector_load %arg5[%get3A_743] {strides = array<i32>} : memref<10000xi32, #tpu.memory_space<vmem>>, vector<16xi32>,
        %mul3A_745 = arith.constant 3 : i32
        %mul3A_746 = arith.muli %rem3A_698, %mul3A_745 : i32
        %add3A_747 = vector.broadcast %mul3A_746 : i32 to vector<16xi32>
        %add3A_748 = arith.addi %get3A_744, %add3A_747 : vector<16xi32>
        %swap3A_749 = arith.constant 3 : i32
        %swap3A_750 = arith.index_cast %swap3A_749 : i32 to index
        %swap3A_751 = arith.constant 80 : index
        %swap3A_752 = tpu.vector_load %arg6[%swap3A_750, %swap3A_751] {strides = array<i32>} : memref<4x96xi32, #tpu.memory_space<vmem>>, vector<16xi32>,
        tpu.vector_store %arg6[%swap3A_750, %swap3A_751], %add3A_748 {strides = array<i32>} : memref<4x96xi32, #tpu.memory_space<vmem>>, vector<16xi32>,
        %ge3A = arith.constant 4 : i32
        %ge3A_753 = arith.cmpi sge, %add3A_403, %ge3A : i32
        %convert_element_type3A_754 = arith.extui %ge3A_753 : i1 to i32
        %cond3A_755 = arith.constant 0 : i32
        %cond3A_756 = arith.cmpi ne, %convert_element_type3A_754, %cond3A_755 : i32
        scf.if %cond3A_756 {
          %dma_wait3A_769 = arith.constant 3 : i32
          %dma_wait3A_770 = arith.constant 0 : i32
          %dma_wait3A_771 = arith.constant 0 : i32
          %dma_wait3A_772 = arith.constant 0 : i32
          %dma_wait3A_773 = arith.constant 0 : i32
          %dma_wait3A_774 = tpu.memref_slice %arg7[%dma_wait3A_769, %dma_wait3A_772, %dma_wait3A_773] : memref<4x96x256xf32, #tpu.memory_space<vmem>> -> memref<1x48x256xf32, #tpu.memory_space<vmem>>
          %dma_wait3A_775 = tpu.memref_squeeze %dma_wait3A_774 : memref<1x48x256xf32, #tpu.memory_space<vmem>> -> memref<48x256xf32, #tpu.memory_space<vmem>>
          %dma_wait3A_776 = arith.constant 0 : i32
          %dma_wait3A_777 = arith.constant 0 : i32
          %dma_wait3A_778 = tpu.memref_slice %arg4[%dma_wait3A_770, %dma_wait3A_771, %dma_wait3A_776, %dma_wait3A_777] : memref<64x100x50x256xf32, #tpu.memory_space<hbm>> -> memref<1x1x48x256xf32, #tpu.memory_space<hbm>>
          %dma_wait3A_779 = tpu.memref_squeeze %dma_wait3A_778 : memref<1x1x48x256xf32, #tpu.memory_space<hbm>> -> memref<48x256xf32, #tpu.memory_space<hbm>>
          %dma_wait3A_780 = arith.constant 0 : i32
          %dma_wait3A_781 = arith.constant 0 : i32
          %dma_wait3A_782 = tpu.memref_slice %arg4[%dma_wait3A_770, %dma_wait3A_771, %dma_wait3A_780, %dma_wait3A_781] : memref<64x100x50x256xf32, #tpu.memory_space<hbm>> -> memref<1x1x48x256xf32, #tpu.memory_space<hbm>>
          %dma_wait3A_783 = tpu.memref_squeeze %dma_wait3A_782 : memref<1x1x48x256xf32, #tpu.memory_space<hbm>> -> memref<48x256xf32, #tpu.memory_space<hbm>>
          %dma_wait3A_784 = arith.constant 0 : i32
          %dma_wait3A_785 = arith.constant 0 : i32
          %dma_wait3A_786 = tpu.memref_slice %arg7[%dma_wait3A_769, %dma_wait3A_784, %dma_wait3A_785] : memref<4x96x256xf32, #tpu.memory_space<vmem>> -> memref<1x48x256xf32, #tpu.memory_space<vmem>>
          %dma_wait3A_787 = tpu.memref_squeeze %dma_wait3A_786 : memref<1x48x256xf32, #tpu.memory_space<vmem>> -> memref<48x256xf32, #tpu.memory_space<vmem>>
          tpu.wait_dma2 semaphore(%arg15 : memref<!tpu.dma_semaphore, #tpu.memory_space<semaphore_mem>>) src(%dma_wait3A_787 : memref<48x256xf32, #tpu.memory_space<vmem>>) dst(%dma_wait3A_783 : memref<48x256xf32, #tpu.memory_space<hbm>>)
          %dma_wait3A_788 = arith.constant 3 : i32
          %dma_wait3A_789 = arith.constant 0 : i32
          %dma_wait3A_790 = arith.constant 0 : i32
          %dma_wait3A_791 = arith.constant 0 : i32
          %dma_wait3A_792 = arith.constant 0 : i32
          %dma_wait3A_793 = tpu.memref_slice %arg7[%dma_wait3A_788, %dma_wait3A_791, %dma_wait3A_792] : memref<4x96x256xf32, #tpu.memory_space<vmem>> -> memref<1x48x256xf32, #tpu.memory_space<vmem>>
          %dma_wait3A_794 = tpu.memref_squeeze %dma_wait3A_793 : memref<1x48x256xf32, #tpu.memory_space<vmem>> -> memref<48x256xf32, #tpu.memory_space<vmem>>
          %dma_wait3A_795 = arith.constant 0 : i32
          %dma_wait3A_796 = arith.constant 0 : i32
          %dma_wait3A_797 = tpu.memref_slice %arg4[%dma_wait3A_789, %dma_wait3A_790, %dma_wait3A_795, %dma_wait3A_796] : memref<64x100x50x256xf32, #tpu.memory_space<hbm>> -> memref<1x1x48x256xf32, #tpu.memory_space<hbm>>
          %dma_wait3A_798 = tpu.memref_squeeze %dma_wait3A_797 : memref<1x1x48x256xf32, #tpu.memory_space<hbm>> -> memref<48x256xf32, #tpu.memory_space<hbm>>
          %dma_wait3A_799 = arith.constant 0 : i32
          %dma_wait3A_800 = arith.constant 0 : i32
          %dma_wait3A_801 = tpu.memref_slice %arg4[%dma_wait3A_789, %dma_wait3A_790, %dma_wait3A_799, %dma_wait3A_800] : memref<64x100x50x256xf32, #tpu.memory_space<hbm>> -> memref<1x1x48x256xf32, #tpu.memory_space<hbm>>
          %dma_wait3A_802 = tpu.memref_squeeze %dma_wait3A_801 : memref<1x1x48x256xf32, #tpu.memory_space<hbm>> -> memref<48x256xf32, #tpu.memory_space<hbm>>
          %dma_wait3A_803 = arith.constant 0 : i32
          %dma_wait3A_804 = arith.constant 0 : i32
          %dma_wait3A_805 = tpu.memref_slice %arg7[%dma_wait3A_788, %dma_wait3A_803, %dma_wait3A_804] : memref<4x96x256xf32, #tpu.memory_space<vmem>> -> memref<1x48x256xf32, #tpu.memory_space<vmem>>
          %dma_wait3A_806 = tpu.memref_squeeze %dma_wait3A_805 : memref<1x48x256xf32, #tpu.memory_space<vmem>> -> memref<48x256xf32, #tpu.memory_space<vmem>>
          tpu.wait_dma2 semaphore(%arg15 : memref<!tpu.dma_semaphore, #tpu.memory_space<semaphore_mem>>) src(%dma_wait3A_806 : memref<48x256xf32, #tpu.memory_space<vmem>>) dst(%dma_wait3A_802 : memref<48x256xf32, #tpu.memory_space<hbm>>)
        } else {
        }
        %dma_start3A_757 = arith.constant 3 : i32
        %dma_start3A_758 = arith.constant 3 : i32
        %dma_start3A_759 = arith.constant 0 : i32
        %dma_start3A_760 = arith.constant 0 : i32
        %dma_start3A_761 = tpu.memref_slice %arg7[%dma_start3A_758, %dma_start3A_759, %dma_start3A_760] : memref<4x96x256xf32, #tpu.memory_space<vmem>> -> memref<1x96x256xf32, #tpu.memory_space<vmem>>
        %dma_start3A_762 = tpu.memref_squeeze %dma_start3A_761 : memref<1x96x256xf32, #tpu.memory_space<vmem>> -> memref<96x256xf32, #tpu.memory_space<vmem>>
        %dma_start3A_763 = arith.constant 0 : i32
        %dma_start3A_764 = tpu.memref_slice %arg6[%dma_start3A_757, %dma_start3A_763] : memref<4x96xi32, #tpu.memory_space<vmem>> -> memref<1x96xi32, #tpu.memory_space<vmem>>
        %dma_start3A_765 = tpu.memref_squeeze %dma_start3A_764 : memref<1x96xi32, #tpu.memory_space<vmem>> -> memref<96xi32, #tpu.memory_space<vmem>>
        %dma_start3A_766 = arith.constant 0 : i32
        %dma_start3A_767 = arith.constant 0 : i32
        %dma_start3A_768 = tpu.memref_slice %arg3[%dma_start3A_766, %dma_start3A_767] : memref<300x256xf32, #tpu.memory_space<hbm>> -> memref<300x256xf32, #tpu.memory_space<hbm>>
        tpu.enqueue_indirect_dma source(%dma_start3A_768 : memref<300x256xf32, #tpu.memory_space<hbm>>) target(%dma_start3A_762 : memref<96x256xf32, #tpu.memory_space<vmem>>) offsets(%dma_start3A_765 : memref<96xi32, #tpu.memory_space<vmem>>) semaphore(%arg11 : memref<!tpu.dma_semaphore, #tpu.memory_space<semaphore_mem>>)
      } else {
      }
      %mul3A_409 = arith.constant 200 : i32
      %mul3A_410 = arith.muli %add3A, %mul3A_409 : i32
      %mul3A_411 = arith.constant 2 : i32
      %mul3A_412 = arith.muli %mul3A_411, %add3A_401 : i32
      %add3A_413 = arith.addi %mul3A_410, %mul3A_412 : i32
      %dma_wait3A_414 = arith.constant 1 : i32
      %dma_wait3A_415 = arith.constant 1 : i32
      %dma_wait3A_416 = arith.constant 0 : i32
      %dma_wait3A_417 = arith.constant 0 : i32
      %dma_wait3A_418 = tpu.memref_slice %arg7[%dma_wait3A_415, %dma_wait3A_416, %dma_wait3A_417] : memref<4x96x256xf32, #tpu.memory_space<vmem>> -> memref<1x96x256xf32, #tpu.memory_space<vmem>>
      %dma_wait3A_419 = tpu.memref_squeeze %dma_wait3A_418 : memref<1x96x256xf32, #tpu.memory_space<vmem>> -> memref<96x256xf32, #tpu.memory_space<vmem>>
      %dma_wait3A_420 = arith.constant 0 : i32
      %dma_wait3A_421 = tpu.memref_slice %arg6[%dma_wait3A_414, %dma_wait3A_420] : memref<4x96xi32, #tpu.memory_space<vmem>> -> memref<1x96xi32, #tpu.memory_space<vmem>>
      %dma_wait3A_422 = tpu.memref_squeeze %dma_wait3A_421 : memref<1x96xi32, #tpu.memory_space<vmem>> -> memref<96xi32, #tpu.memory_space<vmem>>
      %dma_wait3A_423 = arith.constant 0 : i32
      %dma_wait3A_424 = arith.constant 0 : i32
      %dma_wait3A_425 = tpu.memref_slice %arg3[%dma_wait3A_423, %dma_wait3A_424] : memref<300x256xf32, #tpu.memory_space<hbm>> -> memref<300x256xf32, #tpu.memory_space<hbm>>
      tpu.wait_indirect_dma semaphore(%arg9 : memref<!tpu.dma_semaphore, #tpu.memory_space<semaphore_mem>>) src(%dma_wait3A_425 : memref<300x256xf32, #tpu.memory_space<hbm>>) dst(%dma_wait3A_419 : memref<96x256xf32, #tpu.memory_space<vmem>>)
      %add3A_426 = arith.constant 0 : i32
      %add3A_427 = arith.addi %add3A_413, %add3A_426 : i32
      %div3A_428 = arith.constant 100 : i32
      %div3A_429 = arith.divsi %add3A_427, %div3A_428 : i32
      %add3A_430 = arith.constant 0 : i32
      %add3A_431 = arith.addi %add3A_413, %add3A_430 : i32
      %rem3A_432 = arith.constant 100 : i32
      %rem3A_433 = arith.remsi %add3A_431, %rem3A_432 : i32
      %dma_start3A_434 = arith.constant 1 : i32
      %dma_start3A_435 = arith.constant 0 : i32
      %dma_start3A_436 = arith.constant 0 : i32
      %dma_start3A_437 = tpu.memref_slice %arg7[%dma_start3A_434, %dma_start3A_435, %dma_start3A_436] : memref<4x96x256xf32, #tpu.memory_space<vmem>> -> memref<1x48x256xf32, #tpu.memory_space<vmem>>
      %dma_start3A_438 = tpu.memref_squeeze %dma_start3A_437 : memref<1x48x256xf32, #tpu.memory_space<vmem>> -> memref<48x256xf32, #tpu.memory_space<vmem>>
      %dma_start3A_439 = arith.constant 0 : i32
      %dma_start3A_440 = arith.constant 0 : i32
      %dma_start3A_441 = tpu.memref_slice %arg4[%div3A_429, %rem3A_433, %dma_start3A_439, %dma_start3A_440] : memref<64x100x50x256xf32, #tpu.memory_space<hbm>> -> memref<1x1x48x256xf32, #tpu.memory_space<hbm>>
      %dma_start3A_442 = tpu.memref_squeeze %dma_start3A_441 : memref<1x1x48x256xf32, #tpu.memory_space<hbm>> -> memref<48x256xf32, #tpu.memory_space<hbm>>
      %dma_start3A_443 = arith.constant 0 : i32
      %dma_start3A_444 = arith.constant 0 : i32
      %dma_start3A_445 = tpu.memref_slice %arg4[%div3A_429, %rem3A_433, %dma_start3A_443, %dma_start3A_444] : memref<64x100x50x256xf32, #tpu.memory_space<hbm>> -> memref<1x1x48x256xf32, #tpu.memory_space<hbm>>
      %dma_start3A_446 = tpu.memref_squeeze %dma_start3A_445 : memref<1x1x48x256xf32, #tpu.memory_space<hbm>> -> memref<48x256xf32, #tpu.memory_space<hbm>>
      %dma_start3A_447 = arith.constant 0 : i32
      %dma_start3A_448 = arith.constant 0 : i32
      %dma_start3A_449 = tpu.memref_slice %arg7[%dma_start3A_434, %dma_start3A_447, %dma_start3A_448] : memref<4x96x256xf32, #tpu.memory_space<vmem>> -> memref<1x48x256xf32, #tpu.memory_space<vmem>>
      %dma_start3A_450 = tpu.memref_squeeze %dma_start3A_449 : memref<1x48x256xf32, #tpu.memory_space<vmem>> -> memref<48x256xf32, #tpu.memory_space<vmem>>
      tpu.enqueue_dma source(%dma_start3A_450 : memref<48x256xf32, #tpu.memory_space<vmem>>) target(%dma_start3A_446 : memref<48x256xf32, #tpu.memory_space<hbm>>) target_semaphore(%arg13 : memref<!tpu.dma_semaphore, #tpu.memory_space<semaphore_mem>>)
      %add3A_451 = arith.constant 1 : i32
      %add3A_452 = arith.addi %add3A_413, %add3A_451 : i32
      %div3A_453 = arith.constant 100 : i32
      %div3A_454 = arith.divsi %add3A_452, %div3A_453 : i32
      %add3A_455 = arith.constant 1 : i32
      %add3A_456 = arith.addi %add3A_413, %add3A_455 : i32
      %rem3A_457 = arith.constant 100 : i32
      %rem3A_458 = arith.remsi %add3A_456, %rem3A_457 : i32
      %dma_start3A_459 = arith.constant 1 : i32
      %dma_start3A_460 = arith.constant 48 : i32
      %dma_start3A_461 = arith.constant 0 : i32
      %dma_start3A_462 = tpu.memref_slice %arg7[%dma_start3A_459, %dma_start3A_460, %dma_start3A_461] : memref<4x96x256xf32, #tpu.memory_space<vmem>> -> memref<1x48x256xf32, #tpu.memory_space<vmem>>
      %dma_start3A_463 = tpu.memref_squeeze %dma_start3A_462 : memref<1x48x256xf32, #tpu.memory_space<vmem>> -> memref<48x256xf32, #tpu.memory_space<vmem>>
      %dma_start3A_464 = arith.constant 0 : i32
      %dma_start3A_465 = arith.constant 0 : i32
      %dma_start3A_466 = tpu.memref_slice %arg4[%div3A_454, %rem3A_458, %dma_start3A_464, %dma_start3A_465] : memref<64x100x50x256xf32, #tpu.memory_space<hbm>> -> memref<1x1x48x256xf32, #tpu.memory_space<hbm>>
      %dma_start3A_467 = tpu.memref_squeeze %dma_start3A_466 : memref<1x1x48x256xf32, #tpu.memory_space<hbm>> -> memref<48x256xf32, #tpu.memory_space<hbm>>
      %dma_start3A_468 = arith.constant 0 : i32
      %dma_start3A_469 = arith.constant 0 : i32
      %dma_start3A_470 = tpu.memref_slice %arg4[%div3A_454, %rem3A_458, %dma_start3A_468, %dma_start3A_469] : memref<64x100x50x256xf32, #tpu.memory_space<hbm>> -> memref<1x1x48x256xf32, #tpu.memory_space<hbm>>
      %dma_start3A_471 = tpu.memref_squeeze %dma_start3A_470 : memref<1x1x48x256xf32, #tpu.memory_space<hbm>> -> memref<48x256xf32, #tpu.memory_space<hbm>>
      %dma_start3A_472 = arith.constant 48 : i32
      %dma_start3A_473 = arith.constant 0 : i32
      %dma_start3A_474 = tpu.memref_slice %arg7[%dma_start3A_459, %dma_start3A_472, %dma_start3A_473] : memref<4x96x256xf32, #tpu.memory_space<vmem>> -> memref<1x48x256xf32, #tpu.memory_space<vmem>>
      %dma_start3A_475 = tpu.memref_squeeze %dma_start3A_474 : memref<1x48x256xf32, #tpu.memory_space<vmem>> -> memref<48x256xf32, #tpu.memory_space<vmem>>
      tpu.enqueue_dma source(%dma_start3A_475 : memref<48x256xf32, #tpu.memory_space<vmem>>) target(%dma_start3A_471 : memref<48x256xf32, #tpu.memory_space<hbm>>) target_semaphore(%arg13 : memref<!tpu.dma_semaphore, #tpu.memory_space<semaphore_mem>>)
      %mul3A_476 = arith.constant 4 : i32
      %mul3A_477 = arith.muli %scan3A_323, %mul3A_476 : i32
      %add3A_478 = arith.constant 2 : i32
      %add3A_479 = arith.addi %mul3A_477, %add3A_478 : i32
      %add3A_480 = arith.constant 2 : i32
      %add3A_481 = arith.addi %add3A_479, %add3A_480 : i32
      %lt3A_482 = arith.constant 100 : i32
      %lt3A_483 = arith.cmpi slt, %add3A_481, %lt3A_482 : i32
      %convert_element_type3A_484 = arith.extui %lt3A_483 : i1 to i32
      %cond3A_485 = arith.constant 0 : i32
      %cond3A_486 = arith.cmpi ne, %convert_element_type3A_484, %cond3A_485 : i32
      scf.if %cond3A_486 {
        %mul3A_632 = arith.constant 200 : i32
        %mul3A_633 = arith.muli %add3A, %mul3A_632 : i32
        %mul3A_634 = arith.constant 2 : i32
        %mul3A_635 = arith.muli %mul3A_634, %add3A_481 : i32
        %add3A_636 = arith.addi %mul3A_633, %mul3A_635 : i32
        %add3A_637 = arith.constant 0 : i32
        %add3A_638 = arith.addi %add3A_636, %add3A_637 : i32
        %rem3A_639 = arith.constant 100 : i32
        %rem3A_640 = arith.remsi %add3A_638, %rem3A_639 : i32
        %mul3A_641 = arith.constant 2 : i32
        %mul3A_642 = arith.muli %mul3A_641, %add3A_481 : i32
        %add3A_643 = arith.constant 0 : i32
        %add3A_644 = arith.addi %mul3A_642, %add3A_643 : i32
        %mul3A_645 = arith.constant 50 : i32
        %mul3A_646 = arith.muli %add3A_644, %mul3A_645 : i32
        %add3A_647 = arith.constant 0 : i32
        %add3A_648 = arith.addi %mul3A_646, %add3A_647 : i32
        %get3A_649 = arith.index_cast %add3A_648 : i32 to index
        %get3A_650 = tpu.vector_load %arg5[%get3A_649] {strides = array<i32>} : memref<10000xi32, #tpu.memory_space<vmem>>, vector<16xi32>,
        %mul3A_651 = arith.constant 3 : i32
        %mul3A_652 = arith.muli %rem3A_640, %mul3A_651 : i32
        %add3A_653 = vector.broadcast %mul3A_652 : i32 to vector<16xi32>
        %add3A_654 = arith.addi %get3A_650, %add3A_653 : vector<16xi32>
        %swap3A_655 = arith.constant 0 : i32
        %swap3A_656 = arith.index_cast %swap3A_655 : i32 to index
        %swap3A_657 = arith.constant 0 : index
        %swap3A_658 = tpu.vector_load %arg6[%swap3A_656, %swap3A_657] {strides = array<i32>} : memref<4x96xi32, #tpu.memory_space<vmem>>, vector<16xi32>,
        tpu.vector_store %arg6[%swap3A_656, %swap3A_657], %add3A_654 {strides = array<i32>} : memref<4x96xi32, #tpu.memory_space<vmem>>, vector<16xi32>,
        %mul3A_659 = arith.constant 2 : i32
        %mul3A_660 = arith.muli %mul3A_659, %add3A_481 : i32
        %add3A_661 = arith.constant 0 : i32
        %add3A_662 = arith.addi %mul3A_660, %add3A_661 : i32
        %mul3A_663 = arith.constant 50 : i32
        %mul3A_664 = arith.muli %add3A_662, %mul3A_663 : i32
        %add3A_665 = arith.constant 16 : i32
        %add3A_666 = arith.addi %mul3A_664, %add3A_665 : i32
        %get3A_667 = arith.index_cast %add3A_666 : i32 to index
        %get3A_668 = tpu.vector_load %arg5[%get3A_667] {strides = array<i32>} : memref<10000xi32, #tpu.memory_space<vmem>>, vector<16xi32>,
        %mul3A_669 = arith.constant 3 : i32
        %mul3A_670 = arith.muli %rem3A_640, %mul3A_669 : i32
        %add3A_671 = vector.broadcast %mul3A_670 : i32 to vector<16xi32>
        %add3A_672 = arith.addi %get3A_668, %add3A_671 : vector<16xi32>
        %swap3A_673 = arith.constant 0 : i32
        %swap3A_674 = arith.index_cast %swap3A_673 : i32 to index
        %swap3A_675 = arith.constant 16 : index
        %swap3A_676 = tpu.vector_load %arg6[%swap3A_674, %swap3A_675] {strides = array<i32>} : memref<4x96xi32, #tpu.memory_space<vmem>>, vector<16xi32>,
        tpu.vector_store %arg6[%swap3A_674, %swap3A_675], %add3A_672 {strides = array<i32>} : memref<4x96xi32, #tpu.memory_space<vmem>>, vector<16xi32>,
        %mul3A_677 = arith.constant 2 : i32
        %mul3A_678 = arith.muli %mul3A_677, %add3A_481 : i32
        %add3A_679 = arith.constant 0 : i32
        %add3A_680 = arith.addi %mul3A_678, %add3A_679 : i32
        %mul3A_681 = arith.constant 50 : i32
        %mul3A_682 = arith.muli %add3A_680, %mul3A_681 : i32
        %add3A_683 = arith.constant 32 : i32
        %add3A_684 = arith.addi %mul3A_682, %add3A_683 : i32
        %get3A_685 = arith.index_cast %add3A_684 : i32 to index
        %get3A_686 = tpu.vector_load %arg5[%get3A_685] {strides = array<i32>} : memref<10000xi32, #tpu.memory_space<vmem>>, vector<16xi32>,
        %mul3A_687 = arith.constant 3 : i32
        %mul3A_688 = arith.muli %rem3A_640, %mul3A_687 : i32
        %add3A_689 = vector.broadcast %mul3A_688 : i32 to vector<16xi32>
        %add3A_690 = arith.addi %get3A_686, %add3A_689 : vector<16xi32>
        %swap3A_691 = arith.constant 0 : i32
        %swap3A_692 = arith.index_cast %swap3A_691 : i32 to index
        %swap3A_693 = arith.constant 32 : index
        %swap3A_694 = tpu.vector_load %arg6[%swap3A_692, %swap3A_693] {strides = array<i32>} : memref<4x96xi32, #tpu.memory_space<vmem>>, vector<16xi32>,
        tpu.vector_store %arg6[%swap3A_692, %swap3A_693], %add3A_690 {strides = array<i32>} : memref<4x96xi32, #tpu.memory_space<vmem>>, vector<16xi32>,
        %add3A_695 = arith.constant 1 : i32
        %add3A_696 = arith.addi %add3A_636, %add3A_695 : i32
        %rem3A_697 = arith.constant 100 : i32
        %rem3A_698 = arith.remsi %add3A_696, %rem3A_697 : i32
        %mul3A_699 = arith.constant 2 : i32
        %mul3A_700 = arith.muli %mul3A_699, %add3A_481 : i32
        %add3A_701 = arith.constant 1 : i32
        %add3A_702 = arith.addi %mul3A_700, %add3A_701 : i32
        %mul3A_703 = arith.constant 50 : i32
        %mul3A_704 = arith.muli %add3A_702, %mul3A_703 : i32
        %add3A_705 = arith.constant 0 : i32
        %add3A_706 = arith.addi %mul3A_704, %add3A_705 : i32
        %get3A_707 = arith.index_cast %add3A_706 : i32 to index
        %get3A_708 = tpu.vector_load %arg5[%get3A_707] {strides = array<i32>} : memref<10000xi32, #tpu.memory_space<vmem>>, vector<16xi32>,
        %mul3A_709 = arith.constant 3 : i32
        %mul3A_710 = arith.muli %rem3A_698, %mul3A_709 : i32
        %add3A_711 = vector.broadcast %mul3A_710 : i32 to vector<16xi32>
        %add3A_712 = arith.addi %get3A_708, %add3A_711 : vector<16xi32>
        %swap3A_713 = arith.constant 0 : i32
        %swap3A_714 = arith.index_cast %swap3A_713 : i32 to index
        %swap3A_715 = arith.constant 48 : index
        %swap3A_716 = tpu.vector_load %arg6[%swap3A_714, %swap3A_715] {strides = array<i32>} : memref<4x96xi32, #tpu.memory_space<vmem>>, vector<16xi32>,
        tpu.vector_store %arg6[%swap3A_714, %swap3A_715], %add3A_712 {strides = array<i32>} : memref<4x96xi32, #tpu.memory_space<vmem>>, vector<16xi32>,
        %mul3A_717 = arith.constant 2 : i32
        %mul3A_718 = arith.muli %mul3A_717, %add3A_481 : i32
        %add3A_719 = arith.constant 1 : i32
        %add3A_720 = arith.addi %mul3A_718, %add3A_719 : i32
        %mul3A_721 = arith.constant 50 : i32
        %mul3A_722 = arith.muli %add3A_720, %mul3A_721 : i32
        %add3A_723 = arith.constant 16 : i32
        %add3A_724 = arith.addi %mul3A_722, %add3A_723 : i32
        %get3A_725 = arith.index_cast %add3A_724 : i32 to index
        %get3A_726 = tpu.vector_load %arg5[%get3A_725] {strides = array<i32>} : memref<10000xi32, #tpu.memory_space<vmem>>, vector<16xi32>,
        %mul3A_727 = arith.constant 3 : i32
        %mul3A_728 = arith.muli %rem3A_698, %mul3A_727 : i32
        %add3A_729 = vector.broadcast %mul3A_728 : i32 to vector<16xi32>
        %add3A_730 = arith.addi %get3A_726, %add3A_729 : vector<16xi32>
        %swap3A_731 = arith.constant 0 : i32
        %swap3A_732 = arith.index_cast %swap3A_731 : i32 to index
        %swap3A_733 = arith.constant 64 : index
        %swap3A_734 = tpu.vector_load %arg6[%swap3A_732, %swap3A_733] {strides = array<i32>} : memref<4x96xi32, #tpu.memory_space<vmem>>, vector<16xi32>,
        tpu.vector_store %arg6[%swap3A_732, %swap3A_733], %add3A_730 {strides = array<i32>} : memref<4x96xi32, #tpu.memory_space<vmem>>, vector<16xi32>,
        %mul3A_735 = arith.constant 2 : i32
        %mul3A_736 = arith.muli %mul3A_735, %add3A_481 : i32
        %add3A_737 = arith.constant 1 : i32
        %add3A_738 = arith.addi %mul3A_736, %add3A_737 : i32
        %mul3A_739 = arith.constant 50 : i32
        %mul3A_740 = arith.muli %add3A_738, %mul3A_739 : i32
        %add3A_741 = arith.constant 32 : i32
        %add3A_742 = arith.addi %mul3A_740, %add3A_741 : i32
        %get3A_743 = arith.index_cast %add3A_742 : i32 to index
        %get3A_744 = tpu.vector_load %arg5[%get3A_743] {strides = array<i32>} : memref<10000xi32, #tpu.memory_space<vmem>>, vector<16xi32>,
        %mul3A_745 = arith.constant 3 : i32
        %mul3A_746 = arith.muli %rem3A_698, %mul3A_745 : i32
        %add3A_747 = vector.broadcast %mul3A_746 : i32 to vector<16xi32>
        %add3A_748 = arith.addi %get3A_744, %add3A_747 : vector<16xi32>
        %swap3A_749 = arith.constant 0 : i32
        %swap3A_750 = arith.index_cast %swap3A_749 : i32 to index
        %swap3A_751 = arith.constant 80 : index
        %swap3A_752 = tpu.vector_load %arg6[%swap3A_750, %swap3A_751] {strides = array<i32>} : memref<4x96xi32, #tpu.memory_space<vmem>>, vector<16xi32>,
        tpu.vector_store %arg6[%swap3A_750, %swap3A_751], %add3A_748 {strides = array<i32>} : memref<4x96xi32, #tpu.memory_space<vmem>>, vector<16xi32>,
        %ge3A = arith.constant 4 : i32
        %ge3A_753 = arith.cmpi sge, %add3A_481, %ge3A : i32
        %convert_element_type3A_754 = arith.extui %ge3A_753 : i1 to i32
        %cond3A_755 = arith.constant 0 : i32
        %cond3A_756 = arith.cmpi ne, %convert_element_type3A_754, %cond3A_755 : i32
        scf.if %cond3A_756 {
          %dma_wait3A_769 = arith.constant 0 : i32
          %dma_wait3A_770 = arith.constant 0 : i32
          %dma_wait3A_771 = arith.constant 0 : i32
          %dma_wait3A_772 = arith.constant 0 : i32
          %dma_wait3A_773 = arith.constant 0 : i32
          %dma_wait3A_774 = tpu.memref_slice %arg7[%dma_wait3A_769, %dma_wait3A_772, %dma_wait3A_773] : memref<4x96x256xf32, #tpu.memory_space<vmem>> -> memref<1x48x256xf32, #tpu.memory_space<vmem>>
          %dma_wait3A_775 = tpu.memref_squeeze %dma_wait3A_774 : memref<1x48x256xf32, #tpu.memory_space<vmem>> -> memref<48x256xf32, #tpu.memory_space<vmem>>
          %dma_wait3A_776 = arith.constant 0 : i32
          %dma_wait3A_777 = arith.constant 0 : i32
          %dma_wait3A_778 = tpu.memref_slice %arg4[%dma_wait3A_770, %dma_wait3A_771, %dma_wait3A_776, %dma_wait3A_777] : memref<64x100x50x256xf32, #tpu.memory_space<hbm>> -> memref<1x1x48x256xf32, #tpu.memory_space<hbm>>
          %dma_wait3A_779 = tpu.memref_squeeze %dma_wait3A_778 : memref<1x1x48x256xf32, #tpu.memory_space<hbm>> -> memref<48x256xf32, #tpu.memory_space<hbm>>
          %dma_wait3A_780 = arith.constant 0 : i32
          %dma_wait3A_781 = arith.constant 0 : i32
          %dma_wait3A_782 = tpu.memref_slice %arg4[%dma_wait3A_770, %dma_wait3A_771, %dma_wait3A_780, %dma_wait3A_781] : memref<64x100x50x256xf32, #tpu.memory_space<hbm>> -> memref<1x1x48x256xf32, #tpu.memory_space<hbm>>
          %dma_wait3A_783 = tpu.memref_squeeze %dma_wait3A_782 : memref<1x1x48x256xf32, #tpu.memory_space<hbm>> -> memref<48x256xf32, #tpu.memory_space<hbm>>
          %dma_wait3A_784 = arith.constant 0 : i32
          %dma_wait3A_785 = arith.constant 0 : i32
          %dma_wait3A_786 = tpu.memref_slice %arg7[%dma_wait3A_769, %dma_wait3A_784, %dma_wait3A_785] : memref<4x96x256xf32, #tpu.memory_space<vmem>> -> memref<1x48x256xf32, #tpu.memory_space<vmem>>
          %dma_wait3A_787 = tpu.memref_squeeze %dma_wait3A_786 : memref<1x48x256xf32, #tpu.memory_space<vmem>> -> memref<48x256xf32, #tpu.memory_space<vmem>>
          tpu.wait_dma2 semaphore(%arg12 : memref<!tpu.dma_semaphore, #tpu.memory_space<semaphore_mem>>) src(%dma_wait3A_787 : memref<48x256xf32, #tpu.memory_space<vmem>>) dst(%dma_wait3A_783 : memref<48x256xf32, #tpu.memory_space<hbm>>)
          %dma_wait3A_788 = arith.constant 0 : i32
          %dma_wait3A_789 = arith.constant 0 : i32
          %dma_wait3A_790 = arith.constant 0 : i32
          %dma_wait3A_791 = arith.constant 0 : i32
          %dma_wait3A_792 = arith.constant 0 : i32
          %dma_wait3A_793 = tpu.memref_slice %arg7[%dma_wait3A_788, %dma_wait3A_791, %dma_wait3A_792] : memref<4x96x256xf32, #tpu.memory_space<vmem>> -> memref<1x48x256xf32, #tpu.memory_space<vmem>>
          %dma_wait3A_794 = tpu.memref_squeeze %dma_wait3A_793 : memref<1x48x256xf32, #tpu.memory_space<vmem>> -> memref<48x256xf32, #tpu.memory_space<vmem>>
          %dma_wait3A_795 = arith.constant 0 : i32
          %dma_wait3A_796 = arith.constant 0 : i32
          %dma_wait3A_797 = tpu.memref_slice %arg4[%dma_wait3A_789, %dma_wait3A_790, %dma_wait3A_795, %dma_wait3A_796] : memref<64x100x50x256xf32, #tpu.memory_space<hbm>> -> memref<1x1x48x256xf32, #tpu.memory_space<hbm>>
          %dma_wait3A_798 = tpu.memref_squeeze %dma_wait3A_797 : memref<1x1x48x256xf32, #tpu.memory_space<hbm>> -> memref<48x256xf32, #tpu.memory_space<hbm>>
          %dma_wait3A_799 = arith.constant 0 : i32
          %dma_wait3A_800 = arith.constant 0 : i32
          %dma_wait3A_801 = tpu.memref_slice %arg4[%dma_wait3A_789, %dma_wait3A_790, %dma_wait3A_799, %dma_wait3A_800] : memref<64x100x50x256xf32, #tpu.memory_space<hbm>> -> memref<1x1x48x256xf32, #tpu.memory_space<hbm>>
          %dma_wait3A_802 = tpu.memref_squeeze %dma_wait3A_801 : memref<1x1x48x256xf32, #tpu.memory_space<hbm>> -> memref<48x256xf32, #tpu.memory_space<hbm>>
          %dma_wait3A_803 = arith.constant 0 : i32
          %dma_wait3A_804 = arith.constant 0 : i32
          %dma_wait3A_805 = tpu.memref_slice %arg7[%dma_wait3A_788, %dma_wait3A_803, %dma_wait3A_804] : memref<4x96x256xf32, #tpu.memory_space<vmem>> -> memref<1x48x256xf32, #tpu.memory_space<vmem>>
          %dma_wait3A_806 = tpu.memref_squeeze %dma_wait3A_805 : memref<1x48x256xf32, #tpu.memory_space<vmem>> -> memref<48x256xf32, #tpu.memory_space<vmem>>
          tpu.wait_dma2 semaphore(%arg12 : memref<!tpu.dma_semaphore, #tpu.memory_space<semaphore_mem>>) src(%dma_wait3A_806 : memref<48x256xf32, #tpu.memory_space<vmem>>) dst(%dma_wait3A_802 : memref<48x256xf32, #tpu.memory_space<hbm>>)
        } else {
        }
        %dma_start3A_757 = arith.constant 0 : i32
        %dma_start3A_758 = arith.constant 0 : i32
        %dma_start3A_759 = arith.constant 0 : i32
        %dma_start3A_760 = arith.constant 0 : i32
        %dma_start3A_761 = tpu.memref_slice %arg7[%dma_start3A_758, %dma_start3A_759, %dma_start3A_760] : memref<4x96x256xf32, #tpu.memory_space<vmem>> -> memref<1x96x256xf32, #tpu.memory_space<vmem>>
        %dma_start3A_762 = tpu.memref_squeeze %dma_start3A_761 : memref<1x96x256xf32, #tpu.memory_space<vmem>> -> memref<96x256xf32, #tpu.memory_space<vmem>>
        %dma_start3A_763 = arith.constant 0 : i32
        %dma_start3A_764 = tpu.memref_slice %arg6[%dma_start3A_757, %dma_start3A_763] : memref<4x96xi32, #tpu.memory_space<vmem>> -> memref<1x96xi32, #tpu.memory_space<vmem>>
        %dma_start3A_765 = tpu.memref_squeeze %dma_start3A_764 : memref<1x96xi32, #tpu.memory_space<vmem>> -> memref<96xi32, #tpu.memory_space<vmem>>
        %dma_start3A_766 = arith.constant 0 : i32
        %dma_start3A_767 = arith.constant 0 : i32
        %dma_start3A_768 = tpu.memref_slice %arg3[%dma_start3A_766, %dma_start3A_767] : memref<300x256xf32, #tpu.memory_space<hbm>> -> memref<300x256xf32, #tpu.memory_space<hbm>>
        tpu.enqueue_indirect_dma source(%dma_start3A_768 : memref<300x256xf32, #tpu.memory_space<hbm>>) target(%dma_start3A_762 : memref<96x256xf32, #tpu.memory_space<vmem>>) offsets(%dma_start3A_765 : memref<96xi32, #tpu.memory_space<vmem>>) semaphore(%arg8 : memref<!tpu.dma_semaphore, #tpu.memory_space<semaphore_mem>>)
      } else {
      }
      %mul3A_487 = arith.constant 200 : i32
      %mul3A_488 = arith.muli %add3A, %mul3A_487 : i32
      %mul3A_489 = arith.constant 2 : i32
      %mul3A_490 = arith.muli %mul3A_489, %add3A_479 : i32
      %add3A_491 = arith.addi %mul3A_488, %mul3A_490 : i32
      %dma_wait3A_492 = arith.constant 2 : i32
      %dma_wait3A_493 = arith.constant 2 : i32
      %dma_wait3A_494 = arith.constant 0 : i32
      %dma_wait3A_495 = arith.constant 0 : i32
      %dma_wait3A_496 = tpu.memref_slice %arg7[%dma_wait3A_493, %dma_wait3A_494, %dma_wait3A_495] : memref<4x96x256xf32, #tpu.memory_space<vmem>> -> memref<1x96x256xf32, #tpu.memory_space<vmem>>
      %dma_wait3A_497 = tpu.memref_squeeze %dma_wait3A_496 : memref<1x96x256xf32, #tpu.memory_space<vmem>> -> memref<96x256xf32, #tpu.memory_space<vmem>>
      %dma_wait3A_498 = arith.constant 0 : i32
      %dma_wait3A_499 = tpu.memref_slice %arg6[%dma_wait3A_492, %dma_wait3A_498] : memref<4x96xi32, #tpu.memory_space<vmem>> -> memref<1x96xi32, #tpu.memory_space<vmem>>
      %dma_wait3A_500 = tpu.memref_squeeze %dma_wait3A_499 : memref<1x96xi32, #tpu.memory_space<vmem>> -> memref<96xi32, #tpu.memory_space<vmem>>
      %dma_wait3A_501 = arith.constant 0 : i32
      %dma_wait3A_502 = arith.constant 0 : i32
      %dma_wait3A_503 = tpu.memref_slice %arg3[%dma_wait3A_501, %dma_wait3A_502] : memref<300x256xf32, #tpu.memory_space<hbm>> -> memref<300x256xf32, #tpu.memory_space<hbm>>
      tpu.wait_indirect_dma semaphore(%arg10 : memref<!tpu.dma_semaphore, #tpu.memory_space<semaphore_mem>>) src(%dma_wait3A_503 : memref<300x256xf32, #tpu.memory_space<hbm>>) dst(%dma_wait3A_497 : memref<96x256xf32, #tpu.memory_space<vmem>>)
      %add3A_504 = arith.constant 0 : i32
      %add3A_505 = arith.addi %add3A_491, %add3A_504 : i32
      %div3A_506 = arith.constant 100 : i32
      %div3A_507 = arith.divsi %add3A_505, %div3A_506 : i32
      %add3A_508 = arith.constant 0 : i32
      %add3A_509 = arith.addi %add3A_491, %add3A_508 : i32
      %rem3A_510 = arith.constant 100 : i32
      %rem3A_511 = arith.remsi %add3A_509, %rem3A_510 : i32
      %dma_start3A_512 = arith.constant 2 : i32
      %dma_start3A_513 = arith.constant 0 : i32
      %dma_start3A_514 = arith.constant 0 : i32
      %dma_start3A_515 = tpu.memref_slice %arg7[%dma_start3A_512, %dma_start3A_513, %dma_start3A_514] : memref<4x96x256xf32, #tpu.memory_space<vmem>> -> memref<1x48x256xf32, #tpu.memory_space<vmem>>
      %dma_start3A_516 = tpu.memref_squeeze %dma_start3A_515 : memref<1x48x256xf32, #tpu.memory_space<vmem>> -> memref<48x256xf32, #tpu.memory_space<vmem>>
      %dma_start3A_517 = arith.constant 0 : i32
      %dma_start3A_518 = arith.constant 0 : i32
      %dma_start3A_519 = tpu.memref_slice %arg4[%div3A_507, %rem3A_511, %dma_start3A_517, %dma_start3A_518] : memref<64x100x50x256xf32, #tpu.memory_space<hbm>> -> memref<1x1x48x256xf32, #tpu.memory_space<hbm>>
      %dma_start3A_520 = tpu.memref_squeeze %dma_start3A_519 : memref<1x1x48x256xf32, #tpu.memory_space<hbm>> -> memref<48x256xf32, #tpu.memory_space<hbm>>
      %dma_start3A_521 = arith.constant 0 : i32
      %dma_start3A_522 = arith.constant 0 : i32
      %dma_start3A_523 = tpu.memref_slice %arg4[%div3A_507, %rem3A_511, %dma_start3A_521, %dma_start3A_522] : memref<64x100x50x256xf32, #tpu.memory_space<hbm>> -> memref<1x1x48x256xf32, #tpu.memory_space<hbm>>
      %dma_start3A_524 = tpu.memref_squeeze %dma_start3A_523 : memref<1x1x48x256xf32, #tpu.memory_space<hbm>> -> memref<48x256xf32, #tpu.memory_space<hbm>>
      %dma_start3A_525 = arith.constant 0 : i32
      %dma_start3A_526 = arith.constant 0 : i32
      %dma_start3A_527 = tpu.memref_slice %arg7[%dma_start3A_512, %dma_start3A_525, %dma_start3A_526] : memref<4x96x256xf32, #tpu.memory_space<vmem>> -> memref<1x48x256xf32, #tpu.memory_space<vmem>>
      %dma_start3A_528 = tpu.memref_squeeze %dma_start3A_527 : memref<1x48x256xf32, #tpu.memory_space<vmem>> -> memref<48x256xf32, #tpu.memory_space<vmem>>
      tpu.enqueue_dma source(%dma_start3A_528 : memref<48x256xf32, #tpu.memory_space<vmem>>) target(%dma_start3A_524 : memref<48x256xf32, #tpu.memory_space<hbm>>) target_semaphore(%arg14 : memref<!tpu.dma_semaphore, #tpu.memory_space<semaphore_mem>>)
      %add3A_529 = arith.constant 1 : i32
      %add3A_530 = arith.addi %add3A_491, %add3A_529 : i32
      %div3A_531 = arith.constant 100 : i32
      %div3A_532 = arith.divsi %add3A_530, %div3A_531 : i32
      %add3A_533 = arith.constant 1 : i32
      %add3A_534 = arith.addi %add3A_491, %add3A_533 : i32
      %rem3A_535 = arith.constant 100 : i32
      %rem3A_536 = arith.remsi %add3A_534, %rem3A_535 : i32
      %dma_start3A_537 = arith.constant 2 : i32
      %dma_start3A_538 = arith.constant 48 : i32
      %dma_start3A_539 = arith.constant 0 : i32
      %dma_start3A_540 = tpu.memref_slice %arg7[%dma_start3A_537, %dma_start3A_538, %dma_start3A_539] : memref<4x96x256xf32, #tpu.memory_space<vmem>> -> memref<1x48x256xf32, #tpu.memory_space<vmem>>
      %dma_start3A_541 = tpu.memref_squeeze %dma_start3A_540 : memref<1x48x256xf32, #tpu.memory_space<vmem>> -> memref<48x256xf32, #tpu.memory_space<vmem>>
      %dma_start3A_542 = arith.constant 0 : i32
      %dma_start3A_543 = arith.constant 0 : i32
      %dma_start3A_544 = tpu.memref_slice %arg4[%div3A_532, %rem3A_536, %dma_start3A_542, %dma_start3A_543] : memref<64x100x50x256xf32, #tpu.memory_space<hbm>> -> memref<1x1x48x256xf32, #tpu.memory_space<hbm>>
      %dma_start3A_545 = tpu.memref_squeeze %dma_start3A_544 : memref<1x1x48x256xf32, #tpu.memory_space<hbm>> -> memref<48x256xf32, #tpu.memory_space<hbm>>
      %dma_start3A_546 = arith.constant 0 : i32
      %dma_start3A_547 = arith.constant 0 : i32
      %dma_start3A_548 = tpu.memref_slice %arg4[%div3A_532, %rem3A_536, %dma_start3A_546, %dma_start3A_547] : memref<64x100x50x256xf32, #tpu.memory_space<hbm>> -> memref<1x1x48x256xf32, #tpu.memory_space<hbm>>
      %dma_start3A_549 = tpu.memref_squeeze %dma_start3A_548 : memref<1x1x48x256xf32, #tpu.memory_space<hbm>> -> memref<48x256xf32, #tpu.memory_space<hbm>>
      %dma_start3A_550 = arith.constant 48 : i32
      %dma_start3A_551 = arith.constant 0 : i32
      %dma_start3A_552 = tpu.memref_slice %arg7[%dma_start3A_537, %dma_start3A_550, %dma_start3A_551] : memref<4x96x256xf32, #tpu.memory_space<vmem>> -> memref<1x48x256xf32, #tpu.memory_space<vmem>>
      %dma_start3A_553 = tpu.memref_squeeze %dma_start3A_552 : memref<1x48x256xf32, #tpu.memory_space<vmem>> -> memref<48x256xf32, #tpu.memory_space<vmem>>
      tpu.enqueue_dma source(%dma_start3A_553 : memref<48x256xf32, #tpu.memory_space<vmem>>) target(%dma_start3A_549 : memref<48x256xf32, #tpu.memory_space<hbm>>) target_semaphore(%arg14 : memref<!tpu.dma_semaphore, #tpu.memory_space<semaphore_mem>>)
      %mul3A_554 = arith.constant 4 : i32
      %mul3A_555 = arith.muli %scan3A_323, %mul3A_554 : i32
      %add3A_556 = arith.constant 3 : i32
      %add3A_557 = arith.addi %mul3A_555, %add3A_556 : i32
      %add3A_558 = arith.constant 2 : i32
      %add3A_559 = arith.addi %add3A_557, %add3A_558 : i32
      %lt3A_560 = arith.constant 100 : i32
      %lt3A_561 = arith.cmpi slt, %add3A_559, %lt3A_560 : i32
      %convert_element_type3A_562 = arith.extui %lt3A_561 : i1 to i32
      %cond3A_563 = arith.constant 0 : i32
      %cond3A_564 = arith.cmpi ne, %convert_element_type3A_562, %cond3A_563 : i32
      scf.if %cond3A_564 {
        %mul3A_632 = arith.constant 200 : i32
        %mul3A_633 = arith.muli %add3A, %mul3A_632 : i32
        %mul3A_634 = arith.constant 2 : i32
        %mul3A_635 = arith.muli %mul3A_634, %add3A_559 : i32
        %add3A_636 = arith.addi %mul3A_633, %mul3A_635 : i32
        %add3A_637 = arith.constant 0 : i32
        %add3A_638 = arith.addi %add3A_636, %add3A_637 : i32
        %rem3A_639 = arith.constant 100 : i32
        %rem3A_640 = arith.remsi %add3A_638, %rem3A_639 : i32
        %mul3A_641 = arith.constant 2 : i32
        %mul3A_642 = arith.muli %mul3A_641, %add3A_559 : i32
        %add3A_643 = arith.constant 0 : i32
        %add3A_644 = arith.addi %mul3A_642, %add3A_643 : i32
        %mul3A_645 = arith.constant 50 : i32
        %mul3A_646 = arith.muli %add3A_644, %mul3A_645 : i32
        %add3A_647 = arith.constant 0 : i32
        %add3A_648 = arith.addi %mul3A_646, %add3A_647 : i32
        %get3A_649 = arith.index_cast %add3A_648 : i32 to index
        %get3A_650 = tpu.vector_load %arg5[%get3A_649] {strides = array<i32>} : memref<10000xi32, #tpu.memory_space<vmem>>, vector<16xi32>,
        %mul3A_651 = arith.constant 3 : i32
        %mul3A_652 = arith.muli %rem3A_640, %mul3A_651 : i32
        %add3A_653 = vector.broadcast %mul3A_652 : i32 to vector<16xi32>
        %add3A_654 = arith.addi %get3A_650, %add3A_653 : vector<16xi32>
        %swap3A_655 = arith.constant 1 : i32
        %swap3A_656 = arith.index_cast %swap3A_655 : i32 to index
        %swap3A_657 = arith.constant 0 : index
        %swap3A_658 = tpu.vector_load %arg6[%swap3A_656, %swap3A_657] {strides = array<i32>} : memref<4x96xi32, #tpu.memory_space<vmem>>, vector<16xi32>,
        tpu.vector_store %arg6[%swap3A_656, %swap3A_657], %add3A_654 {strides = array<i32>} : memref<4x96xi32, #tpu.memory_space<vmem>>, vector<16xi32>,
        %mul3A_659 = arith.constant 2 : i32
        %mul3A_660 = arith.muli %mul3A_659, %add3A_559 : i32
        %add3A_661 = arith.constant 0 : i32
        %add3A_662 = arith.addi %mul3A_660, %add3A_661 : i32
        %mul3A_663 = arith.constant 50 : i32
        %mul3A_664 = arith.muli %add3A_662, %mul3A_663 : i32
        %add3A_665 = arith.constant 16 : i32
        %add3A_666 = arith.addi %mul3A_664, %add3A_665 : i32
        %get3A_667 = arith.index_cast %add3A_666 : i32 to index
        %get3A_668 = tpu.vector_load %arg5[%get3A_667] {strides = array<i32>} : memref<10000xi32, #tpu.memory_space<vmem>>, vector<16xi32>,
        %mul3A_669 = arith.constant 3 : i32
        %mul3A_670 = arith.muli %rem3A_640, %mul3A_669 : i32
        %add3A_671 = vector.broadcast %mul3A_670 : i32 to vector<16xi32>
        %add3A_672 = arith.addi %get3A_668, %add3A_671 : vector<16xi32>
        %swap3A_673 = arith.constant 1 : i32
        %swap3A_674 = arith.index_cast %swap3A_673 : i32 to index
        %swap3A_675 = arith.constant 16 : index
        %swap3A_676 = tpu.vector_load %arg6[%swap3A_674, %swap3A_675] {strides = array<i32>} : memref<4x96xi32, #tpu.memory_space<vmem>>, vector<16xi32>,
        tpu.vector_store %arg6[%swap3A_674, %swap3A_675], %add3A_672 {strides = array<i32>} : memref<4x96xi32, #tpu.memory_space<vmem>>, vector<16xi32>,
        %mul3A_677 = arith.constant 2 : i32
        %mul3A_678 = arith.muli %mul3A_677, %add3A_559 : i32
        %add3A_679 = arith.constant 0 : i32
        %add3A_680 = arith.addi %mul3A_678, %add3A_679 : i32
        %mul3A_681 = arith.constant 50 : i32
        %mul3A_682 = arith.muli %add3A_680, %mul3A_681 : i32
        %add3A_683 = arith.constant 32 : i32
        %add3A_684 = arith.addi %mul3A_682, %add3A_683 : i32
        %get3A_685 = arith.index_cast %add3A_684 : i32 to index
        %get3A_686 = tpu.vector_load %arg5[%get3A_685] {strides = array<i32>} : memref<10000xi32, #tpu.memory_space<vmem>>, vector<16xi32>,
        %mul3A_687 = arith.constant 3 : i32
        %mul3A_688 = arith.muli %rem3A_640, %mul3A_687 : i32
        %add3A_689 = vector.broadcast %mul3A_688 : i32 to vector<16xi32>
        %add3A_690 = arith.addi %get3A_686, %add3A_689 : vector<16xi32>
        %swap3A_691 = arith.constant 1 : i32
        %swap3A_692 = arith.index_cast %swap3A_691 : i32 to index
        %swap3A_693 = arith.constant 32 : index
        %swap3A_694 = tpu.vector_load %arg6[%swap3A_692, %swap3A_693] {strides = array<i32>} : memref<4x96xi32, #tpu.memory_space<vmem>>, vector<16xi32>,
        tpu.vector_store %arg6[%swap3A_692, %swap3A_693], %add3A_690 {strides = array<i32>} : memref<4x96xi32, #tpu.memory_space<vmem>>, vector<16xi32>,
        %add3A_695 = arith.constant 1 : i32
        %add3A_696 = arith.addi %add3A_636, %add3A_695 : i32
        %rem3A_697 = arith.constant 100 : i32
        %rem3A_698 = arith.remsi %add3A_696, %rem3A_697 : i32
        %mul3A_699 = arith.constant 2 : i32
        %mul3A_700 = arith.muli %mul3A_699, %add3A_559 : i32
        %add3A_701 = arith.constant 1 : i32
        %add3A_702 = arith.addi %mul3A_700, %add3A_701 : i32
        %mul3A_703 = arith.constant 50 : i32
        %mul3A_704 = arith.muli %add3A_702, %mul3A_703 : i32
        %add3A_705 = arith.constant 0 : i32
        %add3A_706 = arith.addi %mul3A_704, %add3A_705 : i32
        %get3A_707 = arith.index_cast %add3A_706 : i32 to index
        %get3A_708 = tpu.vector_load %arg5[%get3A_707] {strides = array<i32>} : memref<10000xi32, #tpu.memory_space<vmem>>, vector<16xi32>,
        %mul3A_709 = arith.constant 3 : i32
        %mul3A_710 = arith.muli %rem3A_698, %mul3A_709 : i32
        %add3A_711 = vector.broadcast %mul3A_710 : i32 to vector<16xi32>
        %add3A_712 = arith.addi %get3A_708, %add3A_711 : vector<16xi32>
        %swap3A_713 = arith.constant 1 : i32
        %swap3A_714 = arith.index_cast %swap3A_713 : i32 to index
        %swap3A_715 = arith.constant 48 : index
        %swap3A_716 = tpu.vector_load %arg6[%swap3A_714, %swap3A_715] {strides = array<i32>} : memref<4x96xi32, #tpu.memory_space<vmem>>, vector<16xi32>,
        tpu.vector_store %arg6[%swap3A_714, %swap3A_715], %add3A_712 {strides = array<i32>} : memref<4x96xi32, #tpu.memory_space<vmem>>, vector<16xi32>,
        %mul3A_717 = arith.constant 2 : i32
        %mul3A_718 = arith.muli %mul3A_717, %add3A_559 : i32
        %add3A_719 = arith.constant 1 : i32
        %add3A_720 = arith.addi %mul3A_718, %add3A_719 : i32
        %mul3A_721 = arith.constant 50 : i32
        %mul3A_722 = arith.muli %add3A_720, %mul3A_721 : i32
        %add3A_723 = arith.constant 16 : i32
        %add3A_724 = arith.addi %mul3A_722, %add3A_723 : i32
        %get3A_725 = arith.index_cast %add3A_724 : i32 to index
        %get3A_726 = tpu.vector_load %arg5[%get3A_725] {strides = array<i32>} : memref<10000xi32, #tpu.memory_space<vmem>>, vector<16xi32>,
        %mul3A_727 = arith.constant 3 : i32
        %mul3A_728 = arith.muli %rem3A_698, %mul3A_727 : i32
        %add3A_729 = vector.broadcast %mul3A_728 : i32 to vector<16xi32>
        %add3A_730 = arith.addi %get3A_726, %add3A_729 : vector<16xi32>
        %swap3A_731 = arith.constant 1 : i32
        %swap3A_732 = arith.index_cast %swap3A_731 : i32 to index
        %swap3A_733 = arith.constant 64 : index
        %swap3A_734 = tpu.vector_load %arg6[%swap3A_732, %swap3A_733] {strides = array<i32>} : memref<4x96xi32, #tpu.memory_space<vmem>>, vector<16xi32>,
        tpu.vector_store %arg6[%swap3A_732, %swap3A_733], %add3A_730 {strides = array<i32>} : memref<4x96xi32, #tpu.memory_space<vmem>>, vector<16xi32>,
        %mul3A_735 = arith.constant 2 : i32
        %mul3A_736 = arith.muli %mul3A_735, %add3A_559 : i32
        %add3A_737 = arith.constant 1 : i32
        %add3A_738 = arith.addi %mul3A_736, %add3A_737 : i32
        %mul3A_739 = arith.constant 50 : i32
        %mul3A_740 = arith.muli %add3A_738, %mul3A_739 : i32
        %add3A_741 = arith.constant 32 : i32
        %add3A_742 = arith.addi %mul3A_740, %add3A_741 : i32
        %get3A_743 = arith.index_cast %add3A_742 : i32 to index
        %get3A_744 = tpu.vector_load %arg5[%get3A_743] {strides = array<i32>} : memref<10000xi32, #tpu.memory_space<vmem>>, vector<16xi32>,
        %mul3A_745 = arith.constant 3 : i32
        %mul3A_746 = arith.muli %rem3A_698, %mul3A_745 : i32
        %add3A_747 = vector.broadcast %mul3A_746 : i32 to vector<16xi32>
        %add3A_748 = arith.addi %get3A_744, %add3A_747 : vector<16xi32>
        %swap3A_749 = arith.constant 1 : i32
        %swap3A_750 = arith.index_cast %swap3A_749 : i32 to index
        %swap3A_751 = arith.constant 80 : index
        %swap3A_752 = tpu.vector_load %arg6[%swap3A_750, %swap3A_751] {strides = array<i32>} : memref<4x96xi32, #tpu.memory_space<vmem>>, vector<16xi32>,
        tpu.vector_store %arg6[%swap3A_750, %swap3A_751], %add3A_748 {strides = array<i32>} : memref<4x96xi32, #tpu.memory_space<vmem>>, vector<16xi32>,
        %ge3A = arith.constant 4 : i32
        %ge3A_753 = arith.cmpi sge, %add3A_559, %ge3A : i32
        %convert_element_type3A_754 = arith.extui %ge3A_753 : i1 to i32
        %cond3A_755 = arith.constant 0 : i32
        %cond3A_756 = arith.cmpi ne, %convert_element_type3A_754, %cond3A_755 : i32
        scf.if %cond3A_756 {
          %dma_wait3A_769 = arith.constant 1 : i32
          %dma_wait3A_770 = arith.constant 0 : i32
          %dma_wait3A_771 = arith.constant 0 : i32
          %dma_wait3A_772 = arith.constant 0 : i32
          %dma_wait3A_773 = arith.constant 0 : i32
          %dma_wait3A_774 = tpu.memref_slice %arg7[%dma_wait3A_769, %dma_wait3A_772, %dma_wait3A_773] : memref<4x96x256xf32, #tpu.memory_space<vmem>> -> memref<1x48x256xf32, #tpu.memory_space<vmem>>
          %dma_wait3A_775 = tpu.memref_squeeze %dma_wait3A_774 : memref<1x48x256xf32, #tpu.memory_space<vmem>> -> memref<48x256xf32, #tpu.memory_space<vmem>>
          %dma_wait3A_776 = arith.constant 0 : i32
          %dma_wait3A_777 = arith.constant 0 : i32
          %dma_wait3A_778 = tpu.memref_slice %arg4[%dma_wait3A_770, %dma_wait3A_771, %dma_wait3A_776, %dma_wait3A_777] : memref<64x100x50x256xf32, #tpu.memory_space<hbm>> -> memref<1x1x48x256xf32, #tpu.memory_space<hbm>>
          %dma_wait3A_779 = tpu.memref_squeeze %dma_wait3A_778 : memref<1x1x48x256xf32, #tpu.memory_space<hbm>> -> memref<48x256xf32, #tpu.memory_space<hbm>>
          %dma_wait3A_780 = arith.constant 0 : i32
          %dma_wait3A_781 = arith.constant 0 : i32
          %dma_wait3A_782 = tpu.memref_slice %arg4[%dma_wait3A_770, %dma_wait3A_771, %dma_wait3A_780, %dma_wait3A_781] : memref<64x100x50x256xf32, #tpu.memory_space<hbm>> -> memref<1x1x48x256xf32, #tpu.memory_space<hbm>>
          %dma_wait3A_783 = tpu.memref_squeeze %dma_wait3A_782 : memref<1x1x48x256xf32, #tpu.memory_space<hbm>> -> memref<48x256xf32, #tpu.memory_space<hbm>>
          %dma_wait3A_784 = arith.constant 0 : i32
          %dma_wait3A_785 = arith.constant 0 : i32
          %dma_wait3A_786 = tpu.memref_slice %arg7[%dma_wait3A_769, %dma_wait3A_784, %dma_wait3A_785] : memref<4x96x256xf32, #tpu.memory_space<vmem>> -> memref<1x48x256xf32, #tpu.memory_space<vmem>>
          %dma_wait3A_787 = tpu.memref_squeeze %dma_wait3A_786 : memref<1x48x256xf32, #tpu.memory_space<vmem>> -> memref<48x256xf32, #tpu.memory_space<vmem>>
          tpu.wait_dma2 semaphore(%arg13 : memref<!tpu.dma_semaphore, #tpu.memory_space<semaphore_mem>>) src(%dma_wait3A_787 : memref<48x256xf32, #tpu.memory_space<vmem>>) dst(%dma_wait3A_783 : memref<48x256xf32, #tpu.memory_space<hbm>>)
          %dma_wait3A_788 = arith.constant 1 : i32
          %dma_wait3A_789 = arith.constant 0 : i32
          %dma_wait3A_790 = arith.constant 0 : i32
          %dma_wait3A_791 = arith.constant 0 : i32
          %dma_wait3A_792 = arith.constant 0 : i32
          %dma_wait3A_793 = tpu.memref_slice %arg7[%dma_wait3A_788, %dma_wait3A_791, %dma_wait3A_792] : memref<4x96x256xf32, #tpu.memory_space<vmem>> -> memref<1x48x256xf32, #tpu.memory_space<vmem>>
          %dma_wait3A_794 = tpu.memref_squeeze %dma_wait3A_793 : memref<1x48x256xf32, #tpu.memory_space<vmem>> -> memref<48x256xf32, #tpu.memory_space<vmem>>
          %dma_wait3A_795 = arith.constant 0 : i32
          %dma_wait3A_796 = arith.constant 0 : i32
          %dma_wait3A_797 = tpu.memref_slice %arg4[%dma_wait3A_789, %dma_wait3A_790, %dma_wait3A_795, %dma_wait3A_796] : memref<64x100x50x256xf32, #tpu.memory_space<hbm>> -> memref<1x1x48x256xf32, #tpu.memory_space<hbm>>
          %dma_wait3A_798 = tpu.memref_squeeze %dma_wait3A_797 : memref<1x1x48x256xf32, #tpu.memory_space<hbm>> -> memref<48x256xf32, #tpu.memory_space<hbm>>
          %dma_wait3A_799 = arith.constant 0 : i32
          %dma_wait3A_800 = arith.constant 0 : i32
          %dma_wait3A_801 = tpu.memref_slice %arg4[%dma_wait3A_789, %dma_wait3A_790, %dma_wait3A_799, %dma_wait3A_800] : memref<64x100x50x256xf32, #tpu.memory_space<hbm>> -> memref<1x1x48x256xf32, #tpu.memory_space<hbm>>
          %dma_wait3A_802 = tpu.memref_squeeze %dma_wait3A_801 : memref<1x1x48x256xf32, #tpu.memory_space<hbm>> -> memref<48x256xf32, #tpu.memory_space<hbm>>
          %dma_wait3A_803 = arith.constant 0 : i32
          %dma_wait3A_804 = arith.constant 0 : i32
          %dma_wait3A_805 = tpu.memref_slice %arg7[%dma_wait3A_788, %dma_wait3A_803, %dma_wait3A_804] : memref<4x96x256xf32, #tpu.memory_space<vmem>> -> memref<1x48x256xf32, #tpu.memory_space<vmem>>
          %dma_wait3A_806 = tpu.memref_squeeze %dma_wait3A_805 : memref<1x48x256xf32, #tpu.memory_space<vmem>> -> memref<48x256xf32, #tpu.memory_space<vmem>>
          tpu.wait_dma2 semaphore(%arg13 : memref<!tpu.dma_semaphore, #tpu.memory_space<semaphore_mem>>) src(%dma_wait3A_806 : memref<48x256xf32, #tpu.memory_space<vmem>>) dst(%dma_wait3A_802 : memref<48x256xf32, #tpu.memory_space<hbm>>)
        } else {
        }
        %dma_start3A_757 = arith.constant 1 : i32
        %dma_start3A_758 = arith.constant 1 : i32
        %dma_start3A_759 = arith.constant 0 : i32
        %dma_start3A_760 = arith.constant 0 : i32
        %dma_start3A_761 = tpu.memref_slice %arg7[%dma_start3A_758, %dma_start3A_759, %dma_start3A_760] : memref<4x96x256xf32, #tpu.memory_space<vmem>> -> memref<1x96x256xf32, #tpu.memory_space<vmem>>
        %dma_start3A_762 = tpu.memref_squeeze %dma_start3A_761 : memref<1x96x256xf32, #tpu.memory_space<vmem>> -> memref<96x256xf32, #tpu.memory_space<vmem>>
        %dma_start3A_763 = arith.constant 0 : i32
        %dma_start3A_764 = tpu.memref_slice %arg6[%dma_start3A_757, %dma_start3A_763] : memref<4x96xi32, #tpu.memory_space<vmem>> -> memref<1x96xi32, #tpu.memory_space<vmem>>
        %dma_start3A_765 = tpu.memref_squeeze %dma_start3A_764 : memref<1x96xi32, #tpu.memory_space<vmem>> -> memref<96xi32, #tpu.memory_space<vmem>>
        %dma_start3A_766 = arith.constant 0 : i32
        %dma_start3A_767 = arith.constant 0 : i32
        %dma_start3A_768 = tpu.memref_slice %arg3[%dma_start3A_766, %dma_start3A_767] : memref<300x256xf32, #tpu.memory_space<hbm>> -> memref<300x256xf32, #tpu.memory_space<hbm>>
        tpu.enqueue_indirect_dma source(%dma_start3A_768 : memref<300x256xf32, #tpu.memory_space<hbm>>) target(%dma_start3A_762 : memref<96x256xf32, #tpu.memory_space<vmem>>) offsets(%dma_start3A_765 : memref<96xi32, #tpu.memory_space<vmem>>) semaphore(%arg9 : memref<!tpu.dma_semaphore, #tpu.memory_space<semaphore_mem>>)
      } else {
      }
      %mul3A_565 = arith.constant 200 : i32
      %mul3A_566 = arith.muli %add3A, %mul3A_565 : i32
      %mul3A_567 = arith.constant 2 : i32
      %mul3A_568 = arith.muli %mul3A_567, %add3A_557 : i32
      %add3A_569 = arith.addi %mul3A_566, %mul3A_568 : i32
      %dma_wait3A_570 = arith.constant 3 : i32
      %dma_wait3A_571 = arith.constant 3 : i32
      %dma_wait3A_572 = arith.constant 0 : i32
      %dma_wait3A_573 = arith.constant 0 : i32
      %dma_wait3A_574 = tpu.memref_slice %arg7[%dma_wait3A_571, %dma_wait3A_572, %dma_wait3A_573] : memref<4x96x256xf32, #tpu.memory_space<vmem>> -> memref<1x96x256xf32, #tpu.memory_space<vmem>>
      %dma_wait3A_575 = tpu.memref_squeeze %dma_wait3A_574 : memref<1x96x256xf32, #tpu.memory_space<vmem>> -> memref<96x256xf32, #tpu.memory_space<vmem>>
      %dma_wait3A_576 = arith.constant 0 : i32
      %dma_wait3A_577 = tpu.memref_slice %arg6[%dma_wait3A_570, %dma_wait3A_576] : memref<4x96xi32, #tpu.memory_space<vmem>> -> memref<1x96xi32, #tpu.memory_space<vmem>>
      %dma_wait3A_578 = tpu.memref_squeeze %dma_wait3A_577 : memref<1x96xi32, #tpu.memory_space<vmem>> -> memref<96xi32, #tpu.memory_space<vmem>>
      %dma_wait3A_579 = arith.constant 0 : i32
      %dma_wait3A_580 = arith.constant 0 : i32
      %dma_wait3A_581 = tpu.memref_slice %arg3[%dma_wait3A_579, %dma_wait3A_580] : memref<300x256xf32, #tpu.memory_space<hbm>> -> memref<300x256xf32, #tpu.memory_space<hbm>>
      tpu.wait_indirect_dma semaphore(%arg11 : memref<!tpu.dma_semaphore, #tpu.memory_space<semaphore_mem>>) src(%dma_wait3A_581 : memref<300x256xf32, #tpu.memory_space<hbm>>) dst(%dma_wait3A_575 : memref<96x256xf32, #tpu.memory_space<vmem>>)
      %add3A_582 = arith.constant 0 : i32
      %add3A_583 = arith.addi %add3A_569, %add3A_582 : i32
      %div3A_584 = arith.constant 100 : i32
      %div3A_585 = arith.divsi %add3A_583, %div3A_584 : i32
      %add3A_586 = arith.constant 0 : i32
      %add3A_587 = arith.addi %add3A_569, %add3A_586 : i32
      %rem3A_588 = arith.constant 100 : i32
      %rem3A_589 = arith.remsi %add3A_587, %rem3A_588 : i32
      %dma_start3A_590 = arith.constant 3 : i32
      %dma_start3A_591 = arith.constant 0 : i32
      %dma_start3A_592 = arith.constant 0 : i32
      %dma_start3A_593 = tpu.memref_slice %arg7[%dma_start3A_590, %dma_start3A_591, %dma_start3A_592] : memref<4x96x256xf32, #tpu.memory_space<vmem>> -> memref<1x48x256xf32, #tpu.memory_space<vmem>>
      %dma_start3A_594 = tpu.memref_squeeze %dma_start3A_593 : memref<1x48x256xf32, #tpu.memory_space<vmem>> -> memref<48x256xf32, #tpu.memory_space<vmem>>
      %dma_start3A_595 = arith.constant 0 : i32
      %dma_start3A_596 = arith.constant 0 : i32
      %dma_start3A_597 = tpu.memref_slice %arg4[%div3A_585, %rem3A_589, %dma_start3A_595, %dma_start3A_596] : memref<64x100x50x256xf32, #tpu.memory_space<hbm>> -> memref<1x1x48x256xf32, #tpu.memory_space<hbm>>
      %dma_start3A_598 = tpu.memref_squeeze %dma_start3A_597 : memref<1x1x48x256xf32, #tpu.memory_space<hbm>> -> memref<48x256xf32, #tpu.memory_space<hbm>>
      %dma_start3A_599 = arith.constant 0 : i32
      %dma_start3A_600 = arith.constant 0 : i32
      %dma_start3A_601 = tpu.memref_slice %arg4[%div3A_585, %rem3A_589, %dma_start3A_599, %dma_start3A_600] : memref<64x100x50x256xf32, #tpu.memory_space<hbm>> -> memref<1x1x48x256xf32, #tpu.memory_space<hbm>>
      %dma_start3A_602 = tpu.memref_squeeze %dma_start3A_601 : memref<1x1x48x256xf32, #tpu.memory_space<hbm>> -> memref<48x256xf32, #tpu.memory_space<hbm>>
      %dma_start3A_603 = arith.constant 0 : i32
      %dma_start3A_604 = arith.constant 0 : i32
      %dma_start3A_605 = tpu.memref_slice %arg7[%dma_start3A_590, %dma_start3A_603, %dma_start3A_604] : memref<4x96x256xf32, #tpu.memory_space<vmem>> -> memref<1x48x256xf32, #tpu.memory_space<vmem>>
      %dma_start3A_606 = tpu.memref_squeeze %dma_start3A_605 : memref<1x48x256xf32, #tpu.memory_space<vmem>> -> memref<48x256xf32, #tpu.memory_space<vmem>>
      tpu.enqueue_dma source(%dma_start3A_606 : memref<48x256xf32, #tpu.memory_space<vmem>>) target(%dma_start3A_602 : memref<48x256xf32, #tpu.memory_space<hbm>>) target_semaphore(%arg15 : memref<!tpu.dma_semaphore, #tpu.memory_space<semaphore_mem>>)
      %add3A_607 = arith.constant 1 : i32
      %add3A_608 = arith.addi %add3A_569, %add3A_607 : i32
      %div3A_609 = arith.constant 100 : i32
      %div3A_610 = arith.divsi %add3A_608, %div3A_609 : i32
      %add3A_611 = arith.constant 1 : i32
      %add3A_612 = arith.addi %add3A_569, %add3A_611 : i32
      %rem3A_613 = arith.constant 100 : i32
      %rem3A_614 = arith.remsi %add3A_612, %rem3A_613 : i32
      %dma_start3A_615 = arith.constant 3 : i32
      %dma_start3A_616 = arith.constant 48 : i32
      %dma_start3A_617 = arith.constant 0 : i32
      %dma_start3A_618 = tpu.memref_slice %arg7[%dma_start3A_615, %dma_start3A_616, %dma_start3A_617] : memref<4x96x256xf32, #tpu.memory_space<vmem>> -> memref<1x48x256xf32, #tpu.memory_space<vmem>>
      %dma_start3A_619 = tpu.memref_squeeze %dma_start3A_618 : memref<1x48x256xf32, #tpu.memory_space<vmem>> -> memref<48x256xf32, #tpu.memory_space<vmem>>
      %dma_start3A_620 = arith.constant 0 : i32
      %dma_start3A_621 = arith.constant 0 : i32
      %dma_start3A_622 = tpu.memref_slice %arg4[%div3A_610, %rem3A_614, %dma_start3A_620, %dma_start3A_621] : memref<64x100x50x256xf32, #tpu.memory_space<hbm>> -> memref<1x1x48x256xf32, #tpu.memory_space<hbm>>
      %dma_start3A_623 = tpu.memref_squeeze %dma_start3A_622 : memref<1x1x48x256xf32, #tpu.memory_space<hbm>> -> memref<48x256xf32, #tpu.memory_space<hbm>>
      %dma_start3A_624 = arith.constant 0 : i32
      %dma_start3A_625 = arith.constant 0 : i32
      %dma_start3A_626 = tpu.memref_slice %arg4[%div3A_610, %rem3A_614, %dma_start3A_624, %dma_start3A_625] : memref<64x100x50x256xf32, #tpu.memory_space<hbm>> -> memref<1x1x48x256xf32, #tpu.memory_space<hbm>>
      %dma_start3A_627 = tpu.memref_squeeze %dma_start3A_626 : memref<1x1x48x256xf32, #tpu.memory_space<hbm>> -> memref<48x256xf32, #tpu.memory_space<hbm>>
      %dma_start3A_628 = arith.constant 48 : i32
      %dma_start3A_629 = arith.constant 0 : i32
      %dma_start3A_630 = tpu.memref_slice %arg7[%dma_start3A_615, %dma_start3A_628, %dma_start3A_629] : memref<4x96x256xf32, #tpu.memory_space<vmem>> -> memref<1x48x256xf32, #tpu.memory_space<vmem>>
      %dma_start3A_631 = tpu.memref_squeeze %dma_start3A_630 : memref<1x48x256xf32, #tpu.memory_space<vmem>> -> memref<48x256xf32, #tpu.memory_space<vmem>>
      tpu.enqueue_dma source(%dma_start3A_631 : memref<48x256xf32, #tpu.memory_space<vmem>>) target(%dma_start3A_627 : memref<48x256xf32, #tpu.memory_space<hbm>>) target_semaphore(%arg15 : memref<!tpu.dma_semaphore, #tpu.memory_space<semaphore_mem>>)
    }
    %scan3A_171 = arith.constant 25 : i32
    %dma_wait3A = arith.constant 0 : i32
    %dma_wait3A_172 = arith.constant 0 : i32
    %dma_wait3A_173 = arith.constant 0 : i32
    %dma_wait3A_174 = arith.constant 0 : i32
    %dma_wait3A_175 = arith.constant 0 : i32
    %dma_wait3A_176 = tpu.memref_slice %arg7[%dma_wait3A, %dma_wait3A_174, %dma_wait3A_175] : memref<4x96x256xf32, #tpu.memory_space<vmem>> -> memref<1x48x256xf32, #tpu.memory_space<vmem>>
    %dma_wait3A_177 = tpu.memref_squeeze %dma_wait3A_176 : memref<1x48x256xf32, #tpu.memory_space<vmem>> -> memref<48x256xf32, #tpu.memory_space<vmem>>
    %dma_wait3A_178 = arith.constant 0 : i32
    %dma_wait3A_179 = arith.constant 0 : i32
    %dma_wait3A_180 = tpu.memref_slice %arg4[%dma_wait3A_172, %dma_wait3A_173, %dma_wait3A_178, %dma_wait3A_179] : memref<64x100x50x256xf32, #tpu.memory_space<hbm>> -> memref<1x1x48x256xf32, #tpu.memory_space<hbm>>
    %dma_wait3A_181 = tpu.memref_squeeze %dma_wait3A_180 : memref<1x1x48x256xf32, #tpu.memory_space<hbm>> -> memref<48x256xf32, #tpu.memory_space<hbm>>
    %dma_wait3A_182 = arith.constant 0 : i32
    %dma_wait3A_183 = arith.constant 0 : i32
    %dma_wait3A_184 = tpu.memref_slice %arg4[%dma_wait3A_172, %dma_wait3A_173, %dma_wait3A_182, %dma_wait3A_183] : memref<64x100x50x256xf32, #tpu.memory_space<hbm>> -> memref<1x1x48x256xf32, #tpu.memory_space<hbm>>
    %dma_wait3A_185 = tpu.memref_squeeze %dma_wait3A_184 : memref<1x1x48x256xf32, #tpu.memory_space<hbm>> -> memref<48x256xf32, #tpu.memory_space<hbm>>
    %dma_wait3A_186 = arith.constant 0 : i32
    %dma_wait3A_187 = arith.constant 0 : i32
    %dma_wait3A_188 = tpu.memref_slice %arg7[%dma_wait3A, %dma_wait3A_186, %dma_wait3A_187] : memref<4x96x256xf32, #tpu.memory_space<vmem>> -> memref<1x48x256xf32, #tpu.memory_space<vmem>>
    %dma_wait3A_189 = tpu.memref_squeeze %dma_wait3A_188 : memref<1x48x256xf32, #tpu.memory_space<vmem>> -> memref<48x256xf32, #tpu.memory_space<vmem>>
    tpu.wait_dma2 semaphore(%arg12 : memref<!tpu.dma_semaphore, #tpu.memory_space<semaphore_mem>>) src(%dma_wait3A_189 : memref<48x256xf32, #tpu.memory_space<vmem>>) dst(%dma_wait3A_185 : memref<48x256xf32, #tpu.memory_space<hbm>>)
    %dma_wait3A_190 = arith.constant 0 : i32
    %dma_wait3A_191 = arith.constant 0 : i32
    %dma_wait3A_192 = arith.constant 0 : i32
    %dma_wait3A_193 = arith.constant 0 : i32
    %dma_wait3A_194 = arith.constant 0 : i32
    %dma_wait3A_195 = tpu.memref_slice %arg7[%dma_wait3A_190, %dma_wait3A_193, %dma_wait3A_194] : memref<4x96x256xf32, #tpu.memory_space<vmem>> -> memref<1x48x256xf32, #tpu.memory_space<vmem>>
    %dma_wait3A_196 = tpu.memref_squeeze %dma_wait3A_195 : memref<1x48x256xf32, #tpu.memory_space<vmem>> -> memref<48x256xf32, #tpu.memory_space<vmem>>
    %dma_wait3A_197 = arith.constant 0 : i32
    %dma_wait3A_198 = arith.constant 0 : i32
    %dma_wait3A_199 = tpu.memref_slice %arg4[%dma_wait3A_191, %dma_wait3A_192, %dma_wait3A_197, %dma_wait3A_198] : memref<64x100x50x256xf32, #tpu.memory_space<hbm>> -> memref<1x1x48x256xf32, #tpu.memory_space<hbm>>
    %dma_wait3A_200 = tpu.memref_squeeze %dma_wait3A_199 : memref<1x1x48x256xf32, #tpu.memory_space<hbm>> -> memref<48x256xf32, #tpu.memory_space<hbm>>
    %dma_wait3A_201 = arith.constant 0 : i32
    %dma_wait3A_202 = arith.constant 0 : i32
    %dma_wait3A_203 = tpu.memref_slice %arg4[%dma_wait3A_191, %dma_wait3A_192, %dma_wait3A_201, %dma_wait3A_202] : memref<64x100x50x256xf32, #tpu.memory_space<hbm>> -> memref<1x1x48x256xf32, #tpu.memory_space<hbm>>
    %dma_wait3A_204 = tpu.memref_squeeze %dma_wait3A_203 : memref<1x1x48x256xf32, #tpu.memory_space<hbm>> -> memref<48x256xf32, #tpu.memory_space<hbm>>
    %dma_wait3A_205 = arith.constant 0 : i32
    %dma_wait3A_206 = arith.constant 0 : i32
    %dma_wait3A_207 = tpu.memref_slice %arg7[%dma_wait3A_190, %dma_wait3A_205, %dma_wait3A_206] : memref<4x96x256xf32, #tpu.memory_space<vmem>> -> memref<1x48x256xf32, #tpu.memory_space<vmem>>
    %dma_wait3A_208 = tpu.memref_squeeze %dma_wait3A_207 : memref<1x48x256xf32, #tpu.memory_space<vmem>> -> memref<48x256xf32, #tpu.memory_space<vmem>>
    tpu.wait_dma2 semaphore(%arg12 : memref<!tpu.dma_semaphore, #tpu.memory_space<semaphore_mem>>) src(%dma_wait3A_208 : memref<48x256xf32, #tpu.memory_space<vmem>>) dst(%dma_wait3A_204 : memref<48x256xf32, #tpu.memory_space<hbm>>)
    %dma_wait3A_209 = arith.constant 1 : i32
    %dma_wait3A_210 = arith.constant 0 : i32
    %dma_wait3A_211 = arith.constant 0 : i32
    %dma_wait3A_212 = arith.constant 0 : i32
    %dma_wait3A_213 = arith.constant 0 : i32
    %dma_wait3A_214 = tpu.memref_slice %arg7[%dma_wait3A_209, %dma_wait3A_212, %dma_wait3A_213] : memref<4x96x256xf32, #tpu.memory_space<vmem>> -> memref<1x48x256xf32, #tpu.memory_space<vmem>>
    %dma_wait3A_215 = tpu.memref_squeeze %dma_wait3A_214 : memref<1x48x256xf32, #tpu.memory_space<vmem>> -> memref<48x256xf32, #tpu.memory_space<vmem>>
    %dma_wait3A_216 = arith.constant 0 : i32
    %dma_wait3A_217 = arith.constant 0 : i32
    %dma_wait3A_218 = tpu.memref_slice %arg4[%dma_wait3A_210, %dma_wait3A_211, %dma_wait3A_216, %dma_wait3A_217] : memref<64x100x50x256xf32, #tpu.memory_space<hbm>> -> memref<1x1x48x256xf32, #tpu.memory_space<hbm>>
    %dma_wait3A_219 = tpu.memref_squeeze %dma_wait3A_218 : memref<1x1x48x256xf32, #tpu.memory_space<hbm>> -> memref<48x256xf32, #tpu.memory_space<hbm>>
    %dma_wait3A_220 = arith.constant 0 : i32
    %dma_wait3A_221 = arith.constant 0 : i32
    %dma_wait3A_222 = tpu.memref_slice %arg4[%dma_wait3A_210, %dma_wait3A_211, %dma_wait3A_220, %dma_wait3A_221] : memref<64x100x50x256xf32, #tpu.memory_space<hbm>> -> memref<1x1x48x256xf32, #tpu.memory_space<hbm>>
    %dma_wait3A_223 = tpu.memref_squeeze %dma_wait3A_222 : memref<1x1x48x256xf32, #tpu.memory_space<hbm>> -> memref<48x256xf32, #tpu.memory_space<hbm>>
    %dma_wait3A_224 = arith.constant 0 : i32
    %dma_wait3A_225 = arith.constant 0 : i32
    %dma_wait3A_226 = tpu.memref_slice %arg7[%dma_wait3A_209, %dma_wait3A_224, %dma_wait3A_225] : memref<4x96x256xf32, #tpu.memory_space<vmem>> -> memref<1x48x256xf32, #tpu.memory_space<vmem>>
    %dma_wait3A_227 = tpu.memref_squeeze %dma_wait3A_226 : memref<1x48x256xf32, #tpu.memory_space<vmem>> -> memref<48x256xf32, #tpu.memory_space<vmem>>
    tpu.wait_dma2 semaphore(%arg13 : memref<!tpu.dma_semaphore, #tpu.memory_space<semaphore_mem>>) src(%dma_wait3A_227 : memref<48x256xf32, #tpu.memory_space<vmem>>) dst(%dma_wait3A_223 : memref<48x256xf32, #tpu.memory_space<hbm>>)
    %dma_wait3A_228 = arith.constant 1 : i32
    %dma_wait3A_229 = arith.constant 0 : i32
    %dma_wait3A_230 = arith.constant 0 : i32
    %dma_wait3A_231 = arith.constant 0 : i32
    %dma_wait3A_232 = arith.constant 0 : i32
    %dma_wait3A_233 = tpu.memref_slice %arg7[%dma_wait3A_228, %dma_wait3A_231, %dma_wait3A_232] : memref<4x96x256xf32, #tpu.memory_space<vmem>> -> memref<1x48x256xf32, #tpu.memory_space<vmem>>
    %dma_wait3A_234 = tpu.memref_squeeze %dma_wait3A_233 : memref<1x48x256xf32, #tpu.memory_space<vmem>> -> memref<48x256xf32, #tpu.memory_space<vmem>>
    %dma_wait3A_235 = arith.constant 0 : i32
    %dma_wait3A_236 = arith.constant 0 : i32
    %dma_wait3A_237 = tpu.memref_slice %arg4[%dma_wait3A_229, %dma_wait3A_230, %dma_wait3A_235, %dma_wait3A_236] : memref<64x100x50x256xf32, #tpu.memory_space<hbm>> -> memref<1x1x48x256xf32, #tpu.memory_space<hbm>>
    %dma_wait3A_238 = tpu.memref_squeeze %dma_wait3A_237 : memref<1x1x48x256xf32, #tpu.memory_space<hbm>> -> memref<48x256xf32, #tpu.memory_space<hbm>>
    %dma_wait3A_239 = arith.constant 0 : i32
    %dma_wait3A_240 = arith.constant 0 : i32
    %dma_wait3A_241 = tpu.memref_slice %arg4[%dma_wait3A_229, %dma_wait3A_230, %dma_wait3A_239, %dma_wait3A_240] : memref<64x100x50x256xf32, #tpu.memory_space<hbm>> -> memref<1x1x48x256xf32, #tpu.memory_space<hbm>>
    %dma_wait3A_242 = tpu.memref_squeeze %dma_wait3A_241 : memref<1x1x48x256xf32, #tpu.memory_space<hbm>> -> memref<48x256xf32, #tpu.memory_space<hbm>>
    %dma_wait3A_243 = arith.constant 0 : i32
    %dma_wait3A_244 = arith.constant 0 : i32
    %dma_wait3A_245 = tpu.memref_slice %arg7[%dma_wait3A_228, %dma_wait3A_243, %dma_wait3A_244] : memref<4x96x256xf32, #tpu.memory_space<vmem>> -> memref<1x48x256xf32, #tpu.memory_space<vmem>>
    %dma_wait3A_246 = tpu.memref_squeeze %dma_wait3A_245 : memref<1x48x256xf32, #tpu.memory_space<vmem>> -> memref<48x256xf32, #tpu.memory_space<vmem>>
    tpu.wait_dma2 semaphore(%arg13 : memref<!tpu.dma_semaphore, #tpu.memory_space<semaphore_mem>>) src(%dma_wait3A_246 : memref<48x256xf32, #tpu.memory_space<vmem>>) dst(%dma_wait3A_242 : memref<48x256xf32, #tpu.memory_space<hbm>>)
    %dma_wait3A_247 = arith.constant 2 : i32
    %dma_wait3A_248 = arith.constant 0 : i32
    %dma_wait3A_249 = arith.constant 0 : i32
    %dma_wait3A_250 = arith.constant 0 : i32
    %dma_wait3A_251 = arith.constant 0 : i32
    %dma_wait3A_252 = tpu.memref_slice %arg7[%dma_wait3A_247, %dma_wait3A_250, %dma_wait3A_251] : memref<4x96x256xf32, #tpu.memory_space<vmem>> -> memref<1x48x256xf32, #tpu.memory_space<vmem>>
    %dma_wait3A_253 = tpu.memref_squeeze %dma_wait3A_252 : memref<1x48x256xf32, #tpu.memory_space<vmem>> -> memref<48x256xf32, #tpu.memory_space<vmem>>
    %dma_wait3A_254 = arith.constant 0 : i32
    %dma_wait3A_255 = arith.constant 0 : i32
    %dma_wait3A_256 = tpu.memref_slice %arg4[%dma_wait3A_248, %dma_wait3A_249, %dma_wait3A_254, %dma_wait3A_255] : memref<64x100x50x256xf32, #tpu.memory_space<hbm>> -> memref<1x1x48x256xf32, #tpu.memory_space<hbm>>
    %dma_wait3A_257 = tpu.memref_squeeze %dma_wait3A_256 : memref<1x1x48x256xf32, #tpu.memory_space<hbm>> -> memref<48x256xf32, #tpu.memory_space<hbm>>
    %dma_wait3A_258 = arith.constant 0 : i32
    %dma_wait3A_259 = arith.constant 0 : i32
    %dma_wait3A_260 = tpu.memref_slice %arg4[%dma_wait3A_248, %dma_wait3A_249, %dma_wait3A_258, %dma_wait3A_259] : memref<64x100x50x256xf32, #tpu.memory_space<hbm>> -> memref<1x1x48x256xf32, #tpu.memory_space<hbm>>
    %dma_wait3A_261 = tpu.memref_squeeze %dma_wait3A_260 : memref<1x1x48x256xf32, #tpu.memory_space<hbm>> -> memref<48x256xf32, #tpu.memory_space<hbm>>
    %dma_wait3A_262 = arith.constant 0 : i32
    %dma_wait3A_263 = arith.constant 0 : i32
    %dma_wait3A_264 = tpu.memref_slice %arg7[%dma_wait3A_247, %dma_wait3A_262, %dma_wait3A_263] : memref<4x96x256xf32, #tpu.memory_space<vmem>> -> memref<1x48x256xf32, #tpu.memory_space<vmem>>
    %dma_wait3A_265 = tpu.memref_squeeze %dma_wait3A_264 : memref<1x48x256xf32, #tpu.memory_space<vmem>> -> memref<48x256xf32, #tpu.memory_space<vmem>>
    tpu.wait_dma2 semaphore(%arg14 : memref<!tpu.dma_semaphore, #tpu.memory_space<semaphore_mem>>) src(%dma_wait3A_265 : memref<48x256xf32, #tpu.memory_space<vmem>>) dst(%dma_wait3A_261 : memref<48x256xf32, #tpu.memory_space<hbm>>)
    %dma_wait3A_266 = arith.constant 2 : i32
    %dma_wait3A_267 = arith.constant 0 : i32
    %dma_wait3A_268 = arith.constant 0 : i32
    %dma_wait3A_269 = arith.constant 0 : i32
    %dma_wait3A_270 = arith.constant 0 : i32
    %dma_wait3A_271 = tpu.memref_slice %arg7[%dma_wait3A_266, %dma_wait3A_269, %dma_wait3A_270] : memref<4x96x256xf32, #tpu.memory_space<vmem>> -> memref<1x48x256xf32, #tpu.memory_space<vmem>>
    %dma_wait3A_272 = tpu.memref_squeeze %dma_wait3A_271 : memref<1x48x256xf32, #tpu.memory_space<vmem>> -> memref<48x256xf32, #tpu.memory_space<vmem>>
    %dma_wait3A_273 = arith.constant 0 : i32
    %dma_wait3A_274 = arith.constant 0 : i32
    %dma_wait3A_275 = tpu.memref_slice %arg4[%dma_wait3A_267, %dma_wait3A_268, %dma_wait3A_273, %dma_wait3A_274] : memref<64x100x50x256xf32, #tpu.memory_space<hbm>> -> memref<1x1x48x256xf32, #tpu.memory_space<hbm>>
    %dma_wait3A_276 = tpu.memref_squeeze %dma_wait3A_275 : memref<1x1x48x256xf32, #tpu.memory_space<hbm>> -> memref<48x256xf32, #tpu.memory_space<hbm>>
    %dma_wait3A_277 = arith.constant 0 : i32
    %dma_wait3A_278 = arith.constant 0 : i32
    %dma_wait3A_279 = tpu.memref_slice %arg4[%dma_wait3A_267, %dma_wait3A_268, %dma_wait3A_277, %dma_wait3A_278] : memref<64x100x50x256xf32, #tpu.memory_space<hbm>> -> memref<1x1x48x256xf32, #tpu.memory_space<hbm>>
    %dma_wait3A_280 = tpu.memref_squeeze %dma_wait3A_279 : memref<1x1x48x256xf32, #tpu.memory_space<hbm>> -> memref<48x256xf32, #tpu.memory_space<hbm>>
    %dma_wait3A_281 = arith.constant 0 : i32
    %dma_wait3A_282 = arith.constant 0 : i32
    %dma_wait3A_283 = tpu.memref_slice %arg7[%dma_wait3A_266, %dma_wait3A_281, %dma_wait3A_282] : memref<4x96x256xf32, #tpu.memory_space<vmem>> -> memref<1x48x256xf32, #tpu.memory_space<vmem>>
    %dma_wait3A_284 = tpu.memref_squeeze %dma_wait3A_283 : memref<1x48x256xf32, #tpu.memory_space<vmem>> -> memref<48x256xf32, #tpu.memory_space<vmem>>
    tpu.wait_dma2 semaphore(%arg14 : memref<!tpu.dma_semaphore, #tpu.memory_space<semaphore_mem>>) src(%dma_wait3A_284 : memref<48x256xf32, #tpu.memory_space<vmem>>) dst(%dma_wait3A_280 : memref<48x256xf32, #tpu.memory_space<hbm>>)
    %dma_wait3A_285 = arith.constant 3 : i32
    %dma_wait3A_286 = arith.constant 0 : i32
    %dma_wait3A_287 = arith.constant 0 : i32
    %dma_wait3A_288 = arith.constant 0 : i32
    %dma_wait3A_289 = arith.constant 0 : i32
    %dma_wait3A_290 = tpu.memref_slice %arg7[%dma_wait3A_285, %dma_wait3A_288, %dma_wait3A_289] : memref<4x96x256xf32, #tpu.memory_space<vmem>> -> memref<1x48x256xf32, #tpu.memory_space<vmem>>
    %dma_wait3A_291 = tpu.memref_squeeze %dma_wait3A_290 : memref<1x48x256xf32, #tpu.memory_space<vmem>> -> memref<48x256xf32, #tpu.memory_space<vmem>>
    %dma_wait3A_292 = arith.constant 0 : i32
    %dma_wait3A_293 = arith.constant 0 : i32
    %dma_wait3A_294 = tpu.memref_slice %arg4[%dma_wait3A_286, %dma_wait3A_287, %dma_wait3A_292, %dma_wait3A_293] : memref<64x100x50x256xf32, #tpu.memory_space<hbm>> -> memref<1x1x48x256xf32, #tpu.memory_space<hbm>>
    %dma_wait3A_295 = tpu.memref_squeeze %dma_wait3A_294 : memref<1x1x48x256xf32, #tpu.memory_space<hbm>> -> memref<48x256xf32, #tpu.memory_space<hbm>>
    %dma_wait3A_296 = arith.constant 0 : i32
    %dma_wait3A_297 = arith.constant 0 : i32
    %dma_wait3A_298 = tpu.memref_slice %arg4[%dma_wait3A_286, %dma_wait3A_287, %dma_wait3A_296, %dma_wait3A_297] : memref<64x100x50x256xf32, #tpu.memory_space<hbm>> -> memref<1x1x48x256xf32, #tpu.memory_space<hbm>>
    %dma_wait3A_299 = tpu.memref_squeeze %dma_wait3A_298 : memref<1x1x48x256xf32, #tpu.memory_space<hbm>> -> memref<48x256xf32, #tpu.memory_space<hbm>>
    %dma_wait3A_300 = arith.constant 0 : i32
    %dma_wait3A_301 = arith.constant 0 : i32
    %dma_wait3A_302 = tpu.memref_slice %arg7[%dma_wait3A_285, %dma_wait3A_300, %dma_wait3A_301] : memref<4x96x256xf32, #tpu.memory_space<vmem>> -> memref<1x48x256xf32, #tpu.memory_space<vmem>>
    %dma_wait3A_303 = tpu.memref_squeeze %dma_wait3A_302 : memref<1x48x256xf32, #tpu.memory_space<vmem>> -> memref<48x256xf32, #tpu.memory_space<vmem>>
    tpu.wait_dma2 semaphore(%arg15 : memref<!tpu.dma_semaphore, #tpu.memory_space<semaphore_mem>>) src(%dma_wait3A_303 : memref<48x256xf32, #tpu.memory_space<vmem>>) dst(%dma_wait3A_299 : memref<48x256xf32, #tpu.memory_space<hbm>>)
    %dma_wait3A_304 = arith.constant 3 : i32
    %dma_wait3A_305 = arith.constant 0 : i32
    %dma_wait3A_306 = arith.constant 0 : i32
    %dma_wait3A_307 = arith.constant 0 : i32
    %dma_wait3A_308 = arith.constant 0 : i32
    %dma_wait3A_309 = tpu.memref_slice %arg7[%dma_wait3A_304, %dma_wait3A_307, %dma_wait3A_308] : memref<4x96x256xf32, #tpu.memory_space<vmem>> -> memref<1x48x256xf32, #tpu.memory_space<vmem>>
    %dma_wait3A_310 = tpu.memref_squeeze %dma_wait3A_309 : memref<1x48x256xf32, #tpu.memory_space<vmem>> -> memref<48x256xf32, #tpu.memory_space<vmem>>
    %dma_wait3A_311 = arith.constant 0 : i32
    %dma_wait3A_312 = arith.constant 0 : i32
    %dma_wait3A_313 = tpu.memref_slice %arg4[%dma_wait3A_305, %dma_wait3A_306, %dma_wait3A_311, %dma_wait3A_312] : memref<64x100x50x256xf32, #tpu.memory_space<hbm>> -> memref<1x1x48x256xf32, #tpu.memory_space<hbm>>
    %dma_wait3A_314 = tpu.memref_squeeze %dma_wait3A_313 : memref<1x1x48x256xf32, #tpu.memory_space<hbm>> -> memref<48x256xf32, #tpu.memory_space<hbm>>
    %dma_wait3A_315 = arith.constant 0 : i32
    %dma_wait3A_316 = arith.constant 0 : i32
    %dma_wait3A_317 = tpu.memref_slice %arg4[%dma_wait3A_305, %dma_wait3A_306, %dma_wait3A_315, %dma_wait3A_316] : memref<64x100x50x256xf32, #tpu.memory_space<hbm>> -> memref<1x1x48x256xf32, #tpu.memory_space<hbm>>
    %dma_wait3A_318 = tpu.memref_squeeze %dma_wait3A_317 : memref<1x1x48x256xf32, #tpu.memory_space<hbm>> -> memref<48x256xf32, #tpu.memory_space<hbm>>
    %dma_wait3A_319 = arith.constant 0 : i32
    %dma_wait3A_320 = arith.constant 0 : i32
    %dma_wait3A_321 = tpu.memref_slice %arg7[%dma_wait3A_304, %dma_wait3A_319, %dma_wait3A_320] : memref<4x96x256xf32, #tpu.memory_space<vmem>> -> memref<1x48x256xf32, #tpu.memory_space<vmem>>
    %dma_wait3A_322 = tpu.memref_squeeze %dma_wait3A_321 : memref<1x48x256xf32, #tpu.memory_space<vmem>> -> memref<48x256xf32, #tpu.memory_space<vmem>>
    tpu.wait_dma2 semaphore(%arg15 : memref<!tpu.dma_semaphore, #tpu.memory_space<semaphore_mem>>) src(%dma_wait3A_322 : memref<48x256xf32, #tpu.memory_space<vmem>>) dst(%dma_wait3A_318 : memref<48x256xf32, #tpu.memory_space<hbm>>)
    return
  }
}

module attributes {stable_mosaic.version = 14 : i64} {
  func.func @_comb_body(%arg0: memref<3x256xf32, #tpu.memory_space<vmem>>, %arg1: memref<100x256xf32, #tpu.memory_space<vmem>>, %arg2: memref<100x3x256xf32, #tpu.memory_space<vmem>>) attributes {dimension_semantics = [], scalar_prefetch = 0 : i64, scratch_operands = 0 : i64, tpu.core_type = #tpu.core_type<tc>} {
    %get3A = arith.constant 0 : index
    %get3A_0 = arith.constant 0 : index
    %get3A_1 = vector.load %arg1[%get3A, %get3A_0] : memref<100x256xf32, #tpu.memory_space<vmem>>, vector<100x256xf32>
    %broadcast_in_dim3A = vector.shape_cast %get3A_1 : vector<100x256xf32> to vector<100x1x256xf32>
    %get3A_2 = arith.constant 0 : index
    %get3A_3 = arith.constant 0 : index
    %get3A_4 = vector.load %arg0[%get3A_2, %get3A_3] : memref<3x256xf32, #tpu.memory_space<vmem>>, vector<3x256xf32>
    %broadcast_in_dim3A_5 = vector.shape_cast %get3A_4 : vector<3x256xf32> to vector<1x3x256xf32>
    %add3A = vector.broadcast %broadcast_in_dim3A : vector<100x1x256xf32> to vector<100x3x256xf32>
    %add3A_6 = vector.broadcast %broadcast_in_dim3A_5 : vector<1x3x256xf32> to vector<100x3x256xf32>
    %add3A_7 = arith.addf %add3A, %add3A_6 : vector<100x3x256xf32>
    %swap3A = arith.constant 0 : index
    %swap3A_8 = arith.constant 0 : index
    %swap3A_9 = arith.constant 0 : index
    %swap3A_10 = vector.load %arg2[%swap3A, %swap3A_8, %swap3A_9] : memref<100x3x256xf32, #tpu.memory_space<vmem>>, vector<100x3x256xf32>
    tpu.vector_store %arg2[%swap3A, %swap3A_8, %swap3A_9], %add3A_7 {strides = array<i32>} : memref<100x3x256xf32, #tpu.memory_space<vmem>>, vector<100x3x256xf32>,
    return
  }
}

module attributes {stable_mosaic.version = 14 : i64} {
  func.func @_tc_tail_body(%arg0: i32, %arg1: memref<1x100x2xi32, #tpu.memory_space<vmem>>, %arg2: memref<3x256xf32, #tpu.memory_space<vmem>>, %arg3: memref<100x256xf32, #tpu.memory_space<vmem>>, %arg4: memref<1x100x2x256xf32, #tpu.memory_space<vmem>>) attributes {dimension_semantics = [#tpu.dimension_semantics<arbitrary>], iteration_bounds = array<i64: 64>, scalar_prefetch = 0 : i64, scratch_operands = 0 : i64, tpu.core_type = #tpu.core_type<tc>, window_params = [{transform_indices = @transform_0, window_bounds = array<i64: 1, 100, 2>}, {pipeline_mode = #tpu.pipeline_mode<synchronous>, transform_indices = @transform_1, window_bounds = array<i64: 3, 256>}, {pipeline_mode = #tpu.pipeline_mode<synchronous>, transform_indices = @transform_2, window_bounds = array<i64: 100, 256>}, {transform_indices = @transform_3, window_bounds = array<i64: 1, 100, 2, 256>}]} {
    %get3A = arith.constant 0 : index
    %get3A_0 = arith.constant 0 : index
    %get3A_1 = arith.constant 0 : index
    %get3A_2 = vector.load %arg1[%get3A, %get3A_0, %get3A_1] : memref<1x100x2xi32, #tpu.memory_space<vmem>>, vector<1x100x2xi32>
    %broadcast_in_dim3A = vector.shape_cast %get3A_2 : vector<1x100x2xi32> to vector<1x100x2x1xi32>
    %get3A_3 = arith.constant 0 : index
    %get3A_4 = arith.constant 0 : index
    %get3A_5 = vector.load %arg2[%get3A_3, %get3A_4] : memref<3x256xf32, #tpu.memory_space<vmem>>, vector<1x256xf32>
    %get3A_6 = vector.shape_cast %get3A_5 : vector<1x256xf32> to vector<256xf32>
    %get3A_7 = arith.constant 1 : index
    %get3A_8 = arith.constant 0 : index
    %get3A_9 = vector.load %arg2[%get3A_7, %get3A_8] : memref<3x256xf32, #tpu.memory_space<vmem>>, vector<1x256xf32>
    %get3A_10 = vector.shape_cast %get3A_9 : vector<1x256xf32> to vector<256xf32>
    %get3A_11 = arith.constant 2 : index
    %get3A_12 = arith.constant 0 : index
    %get3A_13 = vector.load %arg2[%get3A_11, %get3A_12] : memref<3x256xf32, #tpu.memory_space<vmem>>, vector<1x256xf32>
    %get3A_14 = vector.shape_cast %get3A_13 : vector<1x256xf32> to vector<256xf32>
    %get3A_15 = arith.constant 0 : index
    %get3A_16 = arith.constant 0 : index
    %get3A_17 = vector.load %arg3[%get3A_15, %get3A_16] : memref<100x256xf32, #tpu.memory_space<vmem>>, vector<100x256xf32>
    %broadcast_in_dim3A_18 = vector.shape_cast %get3A_17 : vector<100x256xf32> to vector<1x100x1x256xf32>
    %eq3A = arith.constant 0 : i32
    %eq3A_19 = vector.broadcast %eq3A : i32 to vector<1x100x2x1xi32>
    %eq3A_20 = arith.cmpi eq, %broadcast_in_dim3A, %eq3A_19 : vector<1x100x2x1xi32>
    %eq3A_21 = arith.constant 1 : i32
    %eq3A_22 = vector.broadcast %eq3A_21 : i32 to vector<1x100x2x1xi32>
    %eq3A_23 = arith.cmpi eq, %broadcast_in_dim3A, %eq3A_22 : vector<1x100x2x1xi32>
    %broadcast_in_dim3A_24 = vector.shape_cast %eq3A_23 : vector<1x100x2x1xi1> to vector<1x100x2x1xi1>
    %broadcast_in_dim3A_25 = vector.broadcast %broadcast_in_dim3A_24 : vector<1x100x2x1xi1> to vector<1x100x2x256xi1>
    %broadcast_in_dim3A_26 = vector.shape_cast %get3A_10 : vector<256xf32> to vector<1x1x1x256xf32>
    %broadcast_in_dim3A_27 = vector.broadcast %broadcast_in_dim3A_26 : vector<1x1x1x256xf32> to vector<1x100x2x256xf32>
    %broadcast_in_dim3A_28 = vector.shape_cast %get3A_14 : vector<256xf32> to vector<1x1x1x256xf32>
    %broadcast_in_dim3A_29 = vector.broadcast %broadcast_in_dim3A_28 : vector<1x1x1x256xf32> to vector<1x100x2x256xf32>
    %select_n3A = arith.select %broadcast_in_dim3A_25, %broadcast_in_dim3A_27, %broadcast_in_dim3A_29 : vector<1x100x2x256xi1>, vector<1x100x2x256xf32>
    %broadcast_in_dim3A_30 = vector.shape_cast %eq3A_20 : vector<1x100x2x1xi1> to vector<1x100x2x1xi1>
    %broadcast_in_dim3A_31 = vector.broadcast %broadcast_in_dim3A_30 : vector<1x100x2x1xi1> to vector<1x100x2x256xi1>
    %broadcast_in_dim3A_32 = vector.shape_cast %get3A_6 : vector<256xf32> to vector<1x1x1x256xf32>
    %broadcast_in_dim3A_33 = vector.broadcast %broadcast_in_dim3A_32 : vector<1x1x1x256xf32> to vector<1x100x2x256xf32>
    %select_n3A_34 = arith.select %broadcast_in_dim3A_31, %broadcast_in_dim3A_33, %select_n3A : vector<1x100x2x256xi1>, vector<1x100x2x256xf32>
    %add3A = vector.broadcast %broadcast_in_dim3A_18 : vector<1x100x1x256xf32> to vector<1x100x2x256xf32>
    %add3A_35 = arith.addf %select_n3A_34, %add3A : vector<1x100x2x256xf32>
    %swap3A = arith.constant 0 : index
    %swap3A_36 = arith.constant 0 : index
    %swap3A_37 = arith.constant 0 : index
    %swap3A_38 = arith.constant 0 : index
    %swap3A_39 = vector.load %arg4[%swap3A, %swap3A_36, %swap3A_37, %swap3A_38] : memref<1x100x2x256xf32, #tpu.memory_space<vmem>>, vector<1x100x2x256xf32>
    tpu.vector_store %arg4[%swap3A, %swap3A_36, %swap3A_37, %swap3A_38], %add3A_35 {strides = array<i32>} : memref<1x100x2x256xf32, #tpu.memory_space<vmem>>, vector<1x100x2x256xf32>,
    return
  }
  func.func @transform_0(%arg0: i32) -> (i32, i32, i32) {
    %c0_i32 = arith.constant 0 : i32
    %c0_i32_0 = arith.constant 0 : i32
    %c0_i32_1 = arith.constant 0 : i32
    return %arg0, %c0_i32, %c0_i32_0 : i32, i32, i32
  }
  func.func @transform_1(%arg0: i32) -> (i32, i32) {
    %c0_i32 = arith.constant 0 : i32
    %c0_i32_0 = arith.constant 0 : i32
    %c0_i32_1 = arith.constant 0 : i32
    return %c0_i32, %c0_i32_0 : i32, i32
  }
  func.func @transform_2(%arg0: i32) -> (i32, i32) {
    %c0_i32 = arith.constant 0 : i32
    %c0_i32_0 = arith.constant 0 : i32
    %c0_i32_1 = arith.constant 0 : i32
    return %c0_i32, %c0_i32_0 : i32, i32
  }
  func.func @transform_3(%arg0: i32) -> (i32, i32, i32, i32) {
    %c0_i32 = arith.constant 0 : i32
    %c0_i32_0 = arith.constant 0 : i32
    %c0_i32_1 = arith.constant 0 : i32
    %c0_i32_2 = arith.constant 0 : i32
    return %arg0, %c0_i32, %c0_i32_0, %c0_i32_1 : i32, i32, i32, i32
  }
}

</mosaic_0001>

<sc_bundles>
// kernel: kernel.5.cloned.1.call-start
scs
__scs_entry_jumppad:
0x0: {  	(pc) =	sbr.rel $0x88, $3  }
0x1: {  	(tag) =	ssettag $0x0;
	lr =	simm.s32 $0x1  }
0x2: {  	[smem:$0x3F9E] =	sst lr;
	_ =	strace $0xD0000000  }
0x3: {  	_ = 	snop  }
0x4: {  	_ = 	snop  }
0x5: {  	_ = 	snop  }
0x6: {  	_ = 	snop  }
0x7: {  	_ = 	snop  }
__scs_overlays_trampoline_lowered:
0x8: {  	[smem:$0x3FAD] =	sst s0  }
0x9: {  	[smem:$0x3FAE] =	sst s1  }
0xa: {  	[smem:$0x3FAF] =	sst s2  }
0xb: {  	[smem:$0x3FB0] =	sst s3  }
0xc: {  	[smem:$0x3FB1] =	sst s4  }
0xd: {  	[smem:$0x3FB2] =	sst s5  }
0xe: {  	[smem:$0x3FB3] =	sst s6  }
0xf: {  	[smem:$0x3FB4] =	sst s7  }
0x10: {  	[smem:$0x3FB5] =	sst s8  }
0x11: {  	[smem:$0x3FB6] =	sst s9;
	s0 =	simm.s32 @!p0 $0x0  }
0x12: {  	s1 =	sld [smem:$0x3F9C];
	s0 =	simm.s32 @p0 $0x1  }
0x13: {  	[smem:$0x3FB7] =	sst s0;
	s0 =	simm.s32 @!p1 $0x0  }
0x14: {  	s2 =	sld [smem:$0x3F9B];
	s0 =	simm.s32 @p1 $0x1  }
0x15: {  	[smem:$0x3FB8] =	sst s0;
	s0 =	simm.s32 @!p2 $0x0  }
0x16: {  	s3 =	sld [smem:$0x3FDB];
	s0 =	simm.s32 @p2 $0x1  }
0x17: {  	s4 =	simm.s32 $0x1BF5;
	[smem:$0x3FBA] =	sst s0  }
0x18: {  	s0 =	sld [smem:$0x3F9D];
	_ =	swait.ge [sflag:s4], $0x0  }
0x19: {  	s7 =	sld [smem:$0x3F9E]  }
0x1a: {  	s8 =	sadd.s32 $0xFFFFE003, lr  }
0x1b: {  	s9 =	sadd.s32 $0xFFFFFEF7, lr;
	s5 =	simm.s32 $0xFFFFFFFF;
	p2 =	slt.u32 s8, $0xFFFFF086  }
0x1c: {  	p1 =	slt.u32 s9, $0xF7A;
	s5 =	simm.s32 @!p2 $0x0  }
0x1d: {  	s5 =	simm.s32 @p1 $0x1;
	p0 =	seq.s32 s7, s2  }
0x1e: {  	s7 =	smul.u32 @!p0 $0xF7A, s2;
	p2 =	seq.s32 @!p0 s5, $0x0  }
0x1f: {  	s9 =	smul.u32 $0xF7A, s1;
	s8 =	simm.s32 @!p0 $0x1BF5;
	p2 =	por !p2, p0  }
0x20: {  	[sflag:s8] =	ssyncset.s32 @!p0 $0xFFFFF086;
	s6 =	sadd.s32 @!p0 s3, s7;
	s7 =	simm.s32 @!p0 $0x108  }
0x21: {  	s3 =	sadd.s32 s3, s9;
	s6 =	sadd.s32 @!p0 $0x88, s6;
	s7 =	simm.s32 @p2 $0x1082  }
0x22: {  	[simem:s7], [sflag:s8] =	dma.local @!p0 [hbm:s6], $0xF7A  }
0x23: {  	s9 =	sor.u32 $0xD0000000, s2;
	s6 =	simm.s32 $0x108;
	_ =	swait.ge @!p0 [sflag:s8], $0x0  }
0x24: {  	s3 =	sadd.s32 $0x88, s3;
	s6 =	simm.s32 @!p1 $0x1082;
	[sflag:s4] =	ssyncset.s32 $0xFFFFF086  }
0x25: {  	[simem:s6], [sflag:s4] =	dma.local [hbm:s3], $0xF7A  }
0x26: {  	[smem:$0x3F9E] =	sst s1;
	(tag) =	ssettag s2;
	_ =	strace s9  }
0x27: {  	s1 =	sld [smem:$0x3FAE]  }
0x28: {  	s2 =	sld [smem:$0x3FAF]  }
0x29: {  	s4 =	sld [smem:$0x3FB1]  }
0x2a: {  	p0 =	seq.s32 s5, $0x0;
	s5 =	sld [smem:$0x3FB2]  }
0x2b: {  	s6 =	sld [smem:$0x3FB3]  }
0x2c: {  	s7 =	sld [smem:$0x3FB4]  }
0x2d: {  	s3 =	simm.s32 $0x108;
	s8 =	sld [smem:$0x3FB5]  }
0x2e: {  	s3 =	simm.s32 @!p0 $0x1082;
	s9 =	sld [smem:$0x3FB6]  }
0x2f: {  	lr =	sadd.s32 s0, s3;
	s0 =	sld [smem:$0x3FAD]  }
0x30: {  	s3 =	sld [smem:$0x3FB0]  }
0x31: {  	[smem:$0x3FB9] =	sst s10  }
0x32: {  	s10 =	sld [smem:$0x3FB7];
	_ =	sdelay $0x3  }
0x33: {  	p0 =	seq.s32 s10, $0x1;
	s10 =	sld [smem:$0x3FB9];
	_ =	sdelay $0x3  }
0x34: {  	[smem:$0x3FB9] =	sst s10  }
0x35: {  	s10 =	sld [smem:$0x3FB8];
	_ =	sdelay $0x3  }
0x36: {  	p1 =	seq.s32 s10, $0x1;
	s10 =	sld [smem:$0x3FB9];
	_ =	sdelay $0x3  }
0x37: {  	[smem:$0x3FB9] =	sst s10  }
0x38: {  	s10 =	sld [smem:$0x3FBA]  }
0x39: {  	_ = 	snop;
	(pc) =	sbr.ind lr, $3  }
0x3a: {  	_ = 	snop  }
0x3b: {  	_ = 	snop  }
0x3c: {  	p2 =	seq.s32 s10, $0x1;
	s10 =	sld [smem:$0x3FB9]  }
0x3d: {  	_ =	shalt  }
0x3e: {  	_ =	shalt  }
0x3f: {  	_ =	shalt  }
0x40: {  	_ =	shalt  }
0x41: {  	_ =	shalt  }
0x42: {  	_ =	shalt  }
0x43: {  	_ =	shalt  }
0x44: {  	_ =	shalt  }
0x45: {  	_ =	shalt  }
0x46: {  	_ =	shalt  }
0x47: {  	_ =	shalt  }
0x48: {  	_ =	shalt  }
0x49: {  	_ =	shalt  }
0x4a: {  	_ =	shalt  }
0x4b: {  	_ =	shalt  }
0x4c: {  	_ =	shalt  }
0x4d: {  	_ =	shalt  }
0x4e: {  	_ =	shalt  }
0x4f: {  	_ =	shalt  }
0x50: {  	_ =	shalt  }
0x51: {  	_ =	shalt  }
0x52: {  	_ =	shalt  }
0x53: {  	_ =	shalt  }
0x54: {  	_ =	shalt  }
0x55: {  	_ =	shalt  }
0x56: {  	_ =	shalt  }
0x57: {  	_ =	shalt  }
0x58: {  	_ =	shalt  }
0x59: {  	_ =	shalt  }
0x5a: {  	_ =	shalt  }
0x5b: {  	_ =	shalt  }
0x5c: {  	_ =	shalt  }
0x5d: {  	_ =	shalt  }
0x5e: {  	_ =	shalt  }
0x5f: {  	_ =	shalt  }
0x60: {  	_ =	shalt  }
0x61: {  	_ =	shalt  }
0x62: {  	_ =	shalt  }
0x63: {  	_ =	shalt  }
0x64: {  	_ =	shalt  }
0x65: {  	_ =	shalt  }
0x66: {  	_ =	shalt  }
0x67: {  	_ =	shalt  }
0x68: {  	_ =	shalt  }
0x69: {  	_ =	shalt  }
0x6a: {  	_ =	shalt  }
0x6b: {  	_ =	shalt  }
0x6c: {  	_ =	shalt  }
0x6d: {  	_ =	shalt  }
0x6e: {  	_ =	shalt  }
0x6f: {  	_ =	shalt  }
0x70: {  	_ =	shalt  }
0x71: {  	_ =	shalt  }
0x72: {  	_ =	shalt  }
0x73: {  	_ =	shalt  }
0x74: {  	_ =	shalt  }
0x75: {  	_ =	shalt  }
0x76: {  	_ =	shalt  }
0x77: {  	_ =	shalt  }
0x78: {  	_ =	shalt  }
0x79: {  	_ =	shalt  }
0x7a: {  	_ =	shalt  }
0x7b: {  	_ =	shalt  }
0x7c: {  	_ =	shalt  }
0x7d: {  	_ =	shalt  }
0x7e: {  	_ =	shalt  }
0x7f: {  	_ =	shalt  }
0x80: {  	_ =	shalt  }
0x81: {  	_ =	shalt  }
0x82: {  	_ =	shalt  }
0x83: {  	_ =	shalt  }
0x84: {  	_ =	shalt  }
0x85: {  	_ =	shalt  }
0x86: {  	_ =	shalt  }
0x87: {  	_ =	shalt  }
.Lfunc_end0:
.L_simem_size_0:
called_computation.1_lowered:
.L_overlay_start_0:
0x88: {  	s2 =	sld [smem:$0x3FD9]  }
0x89: {  	s3 =	sld [smem:$0x3FFE];
	_ =	sdelay $0x1  }
0x8a: {  	s1 =	srdreg.scid  }
0x8b: {  	s0 =	sand.u32 $0x1, s1  }
0x8c: {  	s16 =	sshll.u32 s0, $0xA;
	s2 =	sadd.s32 s3, s2  }
0x8d: {  	s2 =	sadd.s32 s2, s16  }
0x8e: {  	[smem:$0x3FC5] =	sst s2  }
0x8f: {  	_ = 	snop  }
0x90: {  	(tm) =	ssettm $0x1  }
0x91: {  	s17 =	sld [smem:$0x3FFB];
	_ =	sdelay $0x3  }
0x92: {  	_ =	strace s17  }
0x93: {  	s2 =	sld [smem:$0x3FFC];
	_ =	sdelay $0x3  }
0x94: {  	_ =	strace s2  }
0x95: {  	s2 =	sld [smem:$0x3FFD];
	_ =	sdelay $0x3  }
0x96: {  	_ =	strace s2  }
0x97: {  	_ =	strace $0x8FFFFFFF  }
0x98: {  	s18 =	sld [smem:$0x3FDB];
	_ =	sdelay $0x1  }
0x99: {  	s19 =	simm.s32 $_scs_section_size  }
0x9a: {  	s4 =	simm.s32 $_size__tile_overlayer_lowered;
	s5 =	simm.s32 $_tile_overlayer_lowered  }
0x9b: {  	s22 =	simm.s32 $0x1BFF;
	s21 =	sshll.u32 s5, $0x1;
	s2 =	sadd.s32 s19, s18  }
0x9c: {  	s6 =	simm.s32 $0x0;
	s20 =	sshll.u32 s4, $0x1;
	s4 =	sadd.s32 s21, s2  }
0x9d: {  	[timem:s6], [sflag:s22] =	dma.local [hbm:s4], s20  }
0x9e: {  	_ =	swait.ge [sflag:s22], s20  }
0x9f: {  	s3 =	ssub.s32 $0x0, s20;
	[sflag:s22] =	ssyncset.done $0x0  }
0xa0: {  	[sflag:s22] =	ssyncadd.s32 s3;
	_ =	sdelay $0x1  }
0xa1: {  	s23 =	simm.s32 $0x1B8B  }
0xa2: {  	_ =	swait.ge [sflag:s23], $0x1  }
0xa3: {  	[sflag:s23] =	ssyncset.done $0x0  }
0xa4: {  	s25 =	simm.s32 $0x1B8E;
	s24 =	sld [smem:$0x3FFE];
	[sflag:s23] =	ssyncadd.s32 $0xFFFFFFFF  }
0xa5: {  	s26 =	simm.s32 $execute0_lowered;
	[smem:$0x3FD2] =	sst s25  }
0xa6: {  	s4 =	sshll.u32 s26, $0x1;
	_ =	strace $0x80000046;
	[dreg:$0x1] =	wrdreg $0xFFFFFFFF  }
0xa7: {  	s28 =	simm.s32 $_size_execute0_lowered;
	s2 =	sadd.s32 s2, s4;
	[dreg:$0x0] =	wrdreg $0x0  }
0xa8: {  	s4 =	sshll.u32 s28, $0x1;
	[dreg:$0x2] =	wrdreg s2  }
0xa9: {  	[dreg:$0x3] =	wrdreg s4  }
0xaa: {  	[dreg:$0x4] =	wrdreg $0xC0  }
0xab: {  	_ =	task [dreg:s6], $0x5FFFF  }
0xac: {  	[dreg:$0x1] =	wrdreg $0xFFFFFFFF  }
0xad: {  	[dreg:$0x0] =	wrdreg $0x60  }
0xae: {  	[dreg:$0x2] =	wrdreg s24  }
0xaf: {  	[dreg:$0x3] =	wrdreg $0x9  }
0xb0: {  	_ =	task.clear_ibuf [dreg:s6], $0x4FFFF;
	_ =	strace $0x90000046  }
0xb1: {  	s29 =	simm.s32 $0x9;
	_ =	strace $0x80000048  }
0xb2: {  	_ =	swait.ge [sflag:s29], $0x1  }
0xb3: {  	[sflag:s29] =	ssyncadd.s32 $0xFFFFFFFF  }
0xb4: {  	_ =	strace $0x90000048  }
0xb5: {  	_ =	sfence  }
0xb6: {  	s30 =	sld [smem:$0x0];
	_ =	sdelay $0x2  }
0xb7: {  	s31 =	sshll.u32 s1, $0xD;
	s1 =	sshrl.u32 s1, $0x2  }
0xb8: {  	s3 =	sand.u32 $0x4000, s31;
	s1 =	sadd.s32 s1, s30  }
0xb9: {  	s0 =	sor.u32 s3, s0;
	s1 =	sshll.u32 s1, $0x11  }
0xba: {  	s0 =	sor.u32 s1, s0  }
0xbb: {  	s0 =	sadd.s32 $0x8F2B, s0  }
0xbc: {  	[sflag:s0] =	ssyncadd.remote.s32 $0x1  }
0xbd: {  	_ =	sfence.sel $0xFFFF  }
0xbe: {  	[dreg:$0x0] =	wrdreg $0xFFFFFFFF;
	(pc) =	sbr.abs _section_cstart, $3  }
0xbf: {  	[dreg:$0x1] =	wrdreg $0xFFFFFFFF  }
0xc0: {  	_ =	task.clear_ibuf [dreg:s6], $0x2FFFF;
	_ =	strace $0x9FFFFFFF  }
0xc1: {  	(tm) =	ssettm $0x7FFFFFFF  }
tec
execute0_lowered:
.L_overlay_start_1:
0x0: {  	(tag) =	ssettag $0x1  }
0x1: {  	s12 =	stileid.u32  }
0x2: {  	s26 =	smul.u32 $0x190, s12  }
0x3: {  	s11 =	smul.u32 $0xAF000, s12  }
0x4: {  	s0 =	srdreg.scid;
	s31 =	smul.u32 $0x578000, s12  }
0x5: {  	s5 =	sand.u32 $0x1, s0;
	s22 =	sshll.u32 s12, $0x1;
	s17 =	smul.u32 $0x4B0, s12  }
0x6: {  	s0 =	sor.u32 s5, s22;
	s10 =	smul.u32 $0xC8, s5  }
0x7: {  	s1 =	smul.u32 $0xC8, s0  }
0x8: {  	s29 =	smul.u32 $0x57800, s5  }
0x9: {  	s13 =	smul.u32 $0x2BC000, s5;
	s2 =	sor.u32 $0x1, s1  }
0xa: {  	s3 =	smul.u32 $0x147B, s2  }
0xb: {  	s9 =	ssub.s32 $0x2, s5;
	s5 =	smul.u32 $0x258, s5  }
0xc: {  	s8 =	rddreg [dreg:$0x0];
	s0 =	smul.u32 $0x4E2, s0;
	s3 =	sshrl.u32 s3, $0x13  }
0xd: {  	s15 =	sadd.s32 $0xD800, s8;
	s28 =	sshrl.u32 s9, $0x1;
	s3 =	smul.u32 $0x64, s3  }
0xe: {  	s10 =	sadd.s32 s10, s26;
	s11 =	sadd.s32 s29, s11;
	s4 =	sor.u32 $0x2, s1  }
0xf: {  	s0 =	sadd.s32 s0, s8;
	s6 =	smul.u32 $0x147B, s4;
	s2 =	ssub.s32 s2, s3  }
0x10: {  	s0 =	sadd.s32 $0x3A00, s0;
	s24 =	smul.u32 $0x3, s2;
	s2 =	simm.s32 $0x0  }
0x11: {  	s3 =	sadd.s32 $0x1400, s8;
	s8 =	ssub.s32 s9, s28;
	[smem:$0x7FF] =	sst s2  }
0x12: {  	s8 =	smax.u32 s8, $0x1;
	_ =	strace $0x80000047;
	[dreg:$0x3] =	wrdreg s0  }
0x13: {  	s30 =	smul.u32 $0x3800, s10;
	s6 =	sshrl.u32 s6, $0x13;
	[dreg:$0x4] =	wrdreg s8  }
0x14: {  	s14 =	sor.u32 $0x3, s10;
	s6 =	smul.u32 $0x64, s6;
	[dreg:$0x5] =	wrdreg s11  }
0x15: {  	s18 =	sor.u32 $0x2, s10;
	s16 =	sadd.s32 $0xA800, s30;
	[dreg:$0x6] =	wrdreg s14  }
0x16: {  	s4 =	ssub.s32 s4, s6;
	s6 =	sadd.s32 s13, s31;
	[dreg:$0x7] =	wrdreg s16  }
0x17: {  	s1 =	sor.u32 $0x3, s1;
	s6 =	sshrl.u32 s6, $0x3;
	[dreg:$0x8] =	wrdreg s18  }
0x18: {  	s19 =	sor.u32 $0x1, s10;
	s7 =	smul.u32 $0x147B, s1;
	[dreg:$0x9] =	wrdreg s6  }
0x19: {  	s20 =	sor.u32 $0x3800, s30;
	[dreg:$0xa] =	wrdreg s19  }
0x1a: {  	s5 =	sadd.s32 s5, s17;
	s7 =	sshrl.u32 s7, $0x13;
	[dreg:$0xb] =	wrdreg s20  }
0x1b: {  	s21 =	sadd.s32 $0xB, s10;
	s23 =	smul.u32 $0x64, s7;
	[dreg:$0xc] =	wrdreg s5  }
0x1c: {  	s22 =	sadd.s32 $0xA, s10;
	[dreg:$0xd] =	wrdreg s21  }
0x1d: {  	s1 =	ssub.s32 s1, s23;
	s23 =	sadd.s32 $0x9, s10;
	[dreg:$0xe] =	wrdreg s22  }
0x1e: {  	s26 =	sadd.s32 $0x18800, s30;
	[dreg:$0xf] =	wrdreg s23  }
0x1f: {  	s28 =	sadd.s32 $0x11800, s30;
	[dreg:$0x12] =	wrdreg s26  }
0x20: {  	s29 =	sadd.s32 $0x8, s10;
	s30 =	sor.u32 $0x5, s10;
	[dreg:$0x13] =	wrdreg s28  }
0x21: {  	s31 =	sor.u32 $0x4, s10;
	s4 =	smul.u32 $0x3, s4;
	[dreg:$0x14] =	wrdreg s29  }
.Ltmp0:
0x22: {  	s13 =	simm.s32 $0x11980;
	[dreg:$0x15] =	wrdreg s30;
	(pc) =	sbr.rel .LBB2_1-.Ltmp0, $4  }
0x23: {  	v5 =	vlaneseq.u32;
	s25 =	smul.u32 $0x3, s1;
	s1 =	sand.u32 $0xFFFF, s24;
	[dreg:$0x2] =	wrdreg s10  }
0x24: {  	vm0 =	vmmov $0xffff;
	v4 =	vshrl.u32 v5, $0x3;
	s4 =	sand.u32 $0xFFFE, s4;
	s24 =	sor.u32 $0x6, s10;
	[dreg:$0x16] =	wrdreg s31  }
0x25: {  	v3 =	vand.u32 $0x7, v5;
	v5 =	vor.u32 $0x8, v5;
	v4 =	vmul.u32 $0x8, v4;
	s0 =	sand.u32 $0xFFFD, s25;
	s25 =	sor.u32 $0x7, s10;
	[dreg:$0x10] =	wrdreg s24  }
0x26: {  	s10 =	simm.s32 $0xE980;
	[dreg:$0x11] =	wrdreg s25;
	v0 =	vmov s1;
	v1 =	vmov s4;
	v2 =	vmov s0;
	s4 =	simm.s32 $0x0  }
.LBB2_7:
0x27: {  	s0 =	simm.s32 $0x5  }
0x28: {  	_ =	swait.ge [sflag:s0], $0x3000  }
0x29: {  	[sflag:s0] =	ssyncset.done $0x0  }
0x2a: {  	[sflag:s0] =	ssyncadd.s32 $0xFFFFD000  }
0x2b: {  	_ =	swait.ge [sflag:s0], $0x3000  }
0x2c: {  	[sflag:s0] =	ssyncset.done $0x0  }
0x2d: {  	s29 =	simm.s32 $0x6;
	[sflag:s0] =	ssyncadd.s32 $0xFFFFD000  }
0x2e: {  	_ =	swait.ge [sflag:s29], $0x3000  }
0x2f: {  	[sflag:s29] =	ssyncset.done $0x0  }
0x30: {  	[sflag:s29] =	ssyncadd.s32 $0xFFFFD000  }
0x31: {  	_ =	swait.ge [sflag:s29], $0x3000  }
0x32: {  	[sflag:s29] =	ssyncset.done $0x0  }
0x33: {  	s30 =	simm.s32 $0x7;
	[sflag:s29] =	ssyncadd.s32 $0xFFFFD000  }
0x34: {  	_ =	swait.ge [sflag:s30], $0x3000  }
0x35: {  	[sflag:s30] =	ssyncset.done $0x0  }
0x36: {  	[sflag:s30] =	ssyncadd.s32 $0xFFFFD000  }
0x37: {  	_ =	swait.ge [sflag:s30], $0x3000  }
0x38: {  	[sflag:s30] =	ssyncset.done $0x0  }
0x39: {  	s1 =	simm.s32 $0x8;
	[sflag:s30] =	ssyncadd.s32 $0xFFFFD000  }
0x3a: {  	_ =	swait.ge [sflag:s1], $0x3000  }
0x3b: {  	[sflag:s1] =	ssyncset.done $0x0  }
0x3c: {  	[sflag:s1] =	ssyncadd.s32 $0xFFFFD000  }
0x3d: {  	_ =	swait.ge [sflag:s1], $0x3000  }
0x3e: {  	s4 =	rddreg [dreg:$0x17]  }
0x3f: {  	s31 =	rddreg [dreg:$0x4];
	s4 =	sadd.s32 $0x1, s4  }
0x40: {  	p0 =	sne.s32 s4, s31  }
.Ltmp1:
0x41: {  	_ = 	snop;
	(pc) =	sbr.rel @!p0 .LBB2_8-.Ltmp1, $3  }
0x42: {  	_ =	sdelay $0x1  }
0x43: {  	[sflag:s1] =	ssyncset.done $0x0  }
0x44: {  	[sflag:s1] =	ssyncadd.s32 $0xFFFFD000  }
.LBB2_1:
0x45: {  	[dreg:$0x17] =	wrdreg s4  }
0x46: {  	s0 =	rddreg [dreg:$0x3];
	s23 =	simm.s32 $0x9  }
0x47: {  	[tilespmem:s2], [sflag:$0x9] =	stream.linear.gather [hbm4b:s0+s2], $0x2710, $0x38;
	[tilespmem:$0x1A980] =	vst v63  }
0x48: {  	_ =	swait.ge [sflag:s23], $0x2710  }
0x49: {  	[sflag:s23] =	ssyncset.done $0x0  }
0x4a: {  	[sflag:s23] =	ssyncadd.s32 $0xFFFFD8F0  }
0x4b: {  	v6 =	vld [tilespmem:$0x0];
	_ =	sdelay $0x3  }
0x4c: {  	v7 =	vld [tilespmem:$0x10]  }
0x4d: {  	v8 =	vld [tilespmem:$0x20];
	v9 =	vshll.u32 v6, $0x1  }
0x4e: {  	v10 =	vld [tilespmem:$0x32];
	v11 =	vand.u32 $0x7, v6;
	v9 =	vand.u32 $0xFFFFFFF0, v9  }
0x4f: {  	v12 =	vld [tilespmem:$0x42];
	v9 =	vor.u32 v11, v9  }
0x50: {  	v52 =	vld [tilespmem:$0x52];
	v13 =	vperm.xlane v9, v3  }
0x51: {  	[tilespmem:$0x2780] =	vst v6  }
0x52: {  	[tilespmem:$0x2790] =	vst v7;
	v7 =	vperm.xlane v9, v5;
	v6 =	vadd.s32 v4, v13  }
0x53: {  	[tilespmem:$0x27A0] =	vst v8;
	v53 =	vadd.s32 v0, v10  }
0x54: {  	v54 =	vadd.s32 v0, v12;
	[tilespmem:$0x27B0] =	vst v53;
	v7 =	vadd.s32 v4, v7  }
0x55: {  	v55 =	vadd.s32 v0, v52;
	[tilespmem:$0x27C0] =	vst v54  }
0x56: {  	s24 =	simm.s32 $0x2980;
	[tilespmem:$0x27D0] =	vst v55  }
0x57: {  	[tilespmem:s24], [sflag:$0x1] =	stream.indirect_vreg.gather [hbm4b:s3+s2], $0x80, v6, vm0, $0xb8;
	[tilespmem:$0x1A980] =	vst v63  }
0x58: {  	s25 =	simm.s32 $0x3180  }
0x59: {  	[tilespmem:s25], [sflag:$0x1] =	stream.indirect_vreg.gather [hbm4b:s3+s2], $0x80, v7, vm0, $0xb8;
	[tilespmem:$0x1A980] =	vst v63  }
0x5a: {  	v6 =	vld [tilespmem:$0x2790];
	_ =	sdelay $0x4  }
0x5b: {  	v7 =	vshll.u32 v6, $0x1  }
0x5c: {  	v6 =	vand.u32 $0x7, v6;
	v7 =	vand.u32 $0xFFFFFFF0, v7  }
0x5d: {  	v6 =	vor.u32 v6, v7  }
0x5e: {  	v7 =	vperm.xlane v6, v3;
	_ =	sdelay $0x1  }
0x5f: {  	v6 =	vperm.xlane v6, v5;
	v7 =	vadd.s32 v4, v7;
	_ =	sdelay $0x1  }
0x60: {  	v6 =	vadd.s32 v4, v6;
	_ =	sdelay $0x1  }
0x61: {  	s26 =	simm.s32 $0x3980  }
0x62: {  	[tilespmem:s26], [sflag:$0x1] =	stream.indirect_vreg.gather [hbm4b:s3+s2], $0x80, v7, vm0, $0xb8;
	[tilespmem:$0x1A980] =	vst v63  }
0x63: {  	s1 =	simm.s32 $0x4180  }
0x64: {  	[tilespmem:s1], [sflag:$0x1] =	stream.indirect_vreg.gather [hbm4b:s3+s2], $0x80, v6, vm0, $0xb8;
	[tilespmem:$0x1A980] =	vst v63  }
0x65: {  	v6 =	vld [tilespmem:$0x27A0];
	_ =	sdelay $0x4  }
0x66: {  	v7 =	vshll.u32 v6, $0x1  }
0x67: {  	v6 =	vand.u32 $0x7, v6;
	v7 =	vand.u32 $0xFFFFFFF0, v7  }
0x68: {  	v6 =	vor.u32 v6, v7  }
0x69: {  	v7 =	vperm.xlane v6, v3;
	_ =	sdelay $0x1  }
0x6a: {  	v6 =	vperm.xlane v6, v5;
	v7 =	vadd.s32 v4, v7;
	_ =	sdelay $0x1  }
0x6b: {  	v6 =	vadd.s32 v4, v6;
	_ =	sdelay $0x1  }
0x6c: {  	s4 =	simm.s32 $0x4980  }
0x6d: {  	[tilespmem:s4], [sflag:$0x1] =	stream.indirect_vreg.gather [hbm4b:s3+s2], $0x80, v7, vm0, $0xb8;
	[tilespmem:$0x1A980] =	vst v63  }
0x6e: {  	s5 =	simm.s32 $0x5180  }
0x6f: {  	[tilespmem:s5], [sflag:$0x1] =	stream.indirect_vreg.gather [hbm4b:s3+s2], $0x80, v6, vm0, $0xb8;
	[tilespmem:$0x1A980] =	vst v63  }
0x70: {  	v6 =	vld [tilespmem:$0x27B0];
	_ =	sdelay $0x4  }
0x71: {  	v7 =	vshll.u32 v6, $0x1  }
0x72: {  	v6 =	vand.u32 $0x7, v6;
	v7 =	vand.u32 $0xFFFFFFF0, v7  }
0x73: {  	v6 =	vor.u32 v6, v7  }
0x74: {  	v7 =	vperm.xlane v6, v3;
	_ =	sdelay $0x1  }
0x75: {  	v6 =	vperm.xlane v6, v5;
	v7 =	vadd.s32 v4, v7;
	_ =	sdelay $0x1  }
0x76: {  	v6 =	vadd.s32 v4, v6;
	_ =	sdelay $0x1  }
0x77: {  	s6 =	simm.s32 $0x5980  }
0x78: {  	[tilespmem:s6], [sflag:$0x1] =	stream.indirect_vreg.gather [hbm4b:s3+s2], $0x80, v7, vm0, $0xb8;
	[tilespmem:$0x1A980] =	vst v63  }
0x79: {  	s7 =	simm.s32 $0x6180  }
0x7a: {  	[tilespmem:s7], [sflag:$0x1] =	stream.indirect_vreg.gather [hbm4b:s3+s2], $0x80, v6, vm0, $0xb8;
	[tilespmem:$0x1A980] =	vst v63  }
0x7b: {  	v6 =	vld [tilespmem:$0x27C0];
	_ =	sdelay $0x4  }
0x7c: {  	v7 =	vshll.u32 v6, $0x1  }
0x7d: {  	v6 =	vand.u32 $0x7, v6;
	v7 =	vand.u32 $0xFFFFFFF0, v7  }
0x7e: {  	v6 =	vor.u32 v6, v7  }
0x7f: {  	v7 =	vperm.xlane v6, v3;
	_ =	sdelay $0x1  }
0x80: {  	v6 =	vperm.xlane v6, v5;
	v7 =	vadd.s32 v4, v7;
	_ =	sdelay $0x1  }
0x81: {  	v6 =	vadd.s32 v4, v6;
	_ =	sdelay $0x1  }
0x82: {  	s8 =	simm.s32 $0x6980  }
0x83: {  	[tilespmem:s8], [sflag:$0x1] =	stream.indirect_vreg.gather [hbm4b:s3+s2], $0x80, v7, vm0, $0xb8;
	[tilespmem:$0x1A980] =	vst v63  }
0x84: {  	s9 =	simm.s32 $0x7180  }
0x85: {  	[tilespmem:s9], [sflag:$0x1] =	stream.indirect_vreg.gather [hbm4b:s3+s2], $0x80, v6, vm0, $0xb8;
	[tilespmem:$0x1A980] =	vst v63  }
0x86: {  	v6 =	vld [tilespmem:$0x27D0];
	_ =	sdelay $0x4  }
0x87: {  	v7 =	vshll.u32 v6, $0x1  }
0x88: {  	v6 =	vand.u32 $0x7, v6;
	v7 =	vand.u32 $0xFFFFFFF0, v7  }
0x89: {  	v6 =	vor.u32 v6, v7  }
0x8a: {  	v7 =	vperm.xlane v6, v3;
	_ =	sdelay $0x1  }
0x8b: {  	v6 =	vperm.xlane v6, v5;
	v7 =	vadd.s32 v4, v7;
	_ =	sdelay $0x1  }
0x8c: {  	v6 =	vadd.s32 v4, v6;
	_ =	sdelay $0x1  }
0x8d: {  	s11 =	simm.s32 $0x7980  }
0x8e: {  	[tilespmem:s11], [sflag:$0x1] =	stream.indirect_vreg.gather [hbm4b:s3+s2], $0x80, v7, vm0, $0xb8;
	[tilespmem:$0x1A980] =	vst v63  }
0x8f: {  	s12 =	simm.s32 $0x8180  }
0x90: {  	[tilespmem:s12], [sflag:$0x1] =	stream.indirect_vreg.gather [hbm4b:s3+s2], $0x80, v6, vm0, $0xb8;
	[tilespmem:$0x1A980] =	vst v63  }
0x91: {  	v6 =	vld [tilespmem:$0x64];
	_ =	sdelay $0x4  }
0x92: {  	v7 =	vld [tilespmem:$0x74];
	v6 =	vadd.s32 v1, v6  }
0x93: {  	v56 =	vld [tilespmem:$0x84];
	v57 =	vshll.u32 v6, $0x1  }
0x94: {  	v58 =	vld [tilespmem:$0x96];
	v59 =	vand.u32 $0x7, v6;
	v9 =	vand.u32 $0xFFFFFFF0, v57  }
0x95: {  	v60 =	vld [tilespmem:$0xA6];
	v9 =	vor.u32 v59, v9  }
0x96: {  	v61 =	vld [tilespmem:$0xB6];
	v62 =	vperm.xlane v9, v3  }
0x97: {  	[tilespmem:$0x2800] =	vst v6;
	v6 =	vadd.s32 v1, v7  }
0x98: {  	[tilespmem:$0x2810] =	vst v6;
	v6 =	vadd.s32 v1, v56;
	v63 =	vperm.xlane v9, v5;
	v7 =	vadd.s32 v4, v62  }
0x99: {  	[tilespmem:$0x2820] =	vst v6;
	v6 =	vadd.s32 v2, v58  }
0x9a: {  	[tilespmem:$0x2830] =	vst v6;
	v6 =	vadd.s32 v2, v60;
	v8 =	vadd.s32 v4, v63  }
0x9b: {  	[tilespmem:$0x2840] =	vst v6;
	v6 =	vadd.s32 v2, v61  }
0x9c: {  	s14 =	simm.s32 $0x8980;
	[tilespmem:$0x2850] =	vst v6  }
0x9d: {  	[tilespmem:s14], [sflag:$0x2] =	stream.indirect_vreg.gather [hbm4b:s3+s2], $0x80, v7, vm0, $0xb8;
	[tilespmem:$0x1A980] =	vst v63  }
0x9e: {  	s16 =	simm.s32 $0x9180  }
0x9f: {  	[tilespmem:s16], [sflag:$0x2] =	stream.indirect_vreg.gather [hbm4b:s3+s2], $0x80, v8, vm0, $0xb8;
	[tilespmem:$0x1A980] =	vst v63  }
0xa0: {  	v6 =	vld [tilespmem:$0x2810];
	_ =	sdelay $0x4  }
0xa1: {  	v7 =	vshll.u32 v6, $0x1  }
0xa2: {  	v6 =	vand.u32 $0x7, v6;
	v7 =	vand.u32 $0xFFFFFFF0, v7  }
0xa3: {  	v6 =	vor.u32 v6, v7  }
0xa4: {  	v7 =	vperm.xlane v6, v3;
	_ =	sdelay $0x1  }
0xa5: {  	v6 =	vperm.xlane v6, v5;
	v7 =	vadd.s32 v4, v7;
	_ =	sdelay $0x1  }
0xa6: {  	v6 =	vadd.s32 v4, v6;
	_ =	sdelay $0x1  }
0xa7: {  	s17 =	simm.s32 $0x9980  }
0xa8: {  	[tilespmem:s17], [sflag:$0x2] =	stream.indirect_vreg.gather [hbm4b:s3+s2], $0x80, v7, vm0, $0xb8;
	[tilespmem:$0x1A980] =	vst v63  }
0xa9: {  	s18 =	simm.s32 $0xA180  }
0xaa: {  	[tilespmem:s18], [sflag:$0x2] =	stream.indirect_vreg.gather [hbm4b:s3+s2], $0x80, v6, vm0, $0xb8;
	[tilespmem:$0x1A980] =	vst v63  }
0xab: {  	v6 =	vld [tilespmem:$0x2820];
	_ =	sdelay $0x4  }
0xac: {  	v7 =	vshll.u32 v6, $0x1  }
0xad: {  	v6 =	vand.u32 $0x7, v6;
	v7 =	vand.u32 $0xFFFFFFF0, v7  }
0xae: {  	v6 =	vor.u32 v6, v7  }
0xaf: {  	v7 =	vperm.xlane v6, v3;
	_ =	sdelay $0x1  }
0xb0: {  	v6 =	vperm.xlane v6, v5;
	v7 =	vadd.s32 v4, v7;
	_ =	sdelay $0x1  }
0xb1: {  	v6 =	vadd.s32 v4, v6;
	_ =	sdelay $0x1  }
0xb2: {  	s19 =	simm.s32 $0xA980  }
0xb3: {  	[tilespmem:s19], [sflag:$0x2] =	stream.indirect_vreg.gather [hbm4b:s3+s2], $0x80, v7, vm0, $0xb8;
	[tilespmem:$0x1A980] =	vst v63  }
0xb4: {  	s20 =	simm.s32 $0xB180  }
0xb5: {  	[tilespmem:s20], [sflag:$0x2] =	stream.indirect_vreg.gather [hbm4b:s3+s2], $0x80, v6, vm0, $0xb8;
	[tilespmem:$0x1A980] =	vst v63  }
0xb6: {  	v6 =	vld [tilespmem:$0x2830];
	_ =	sdelay $0x4  }
0xb7: {  	v7 =	vshll.u32 v6, $0x1  }
0xb8: {  	v6 =	vand.u32 $0x7, v6;
	v7 =	vand.u32 $0xFFFFFFF0, v7  }
0xb9: {  	v6 =	vor.u32 v6, v7  }
0xba: {  	v7 =	vperm.xlane v6, v3;
	_ =	sdelay $0x1  }
0xbb: {  	v6 =	vperm.xlane v6, v5;
	v7 =	vadd.s32 v4, v7;
	_ =	sdelay $0x1  }
0xbc: {  	v6 =	vadd.s32 v4, v6;
	_ =	sdelay $0x1  }
0xbd: {  	s21 =	simm.s32 $0xB980  }
0xbe: {  	[tilespmem:s21], [sflag:$0x2] =	stream.indirect_vreg.gather [hbm4b:s3+s2], $0x80, v7, vm0, $0xb8;
	[tilespmem:$0x1A980] =	vst v63  }
0xbf: {  	s22 =	simm.s32 $0xC180  }
0xc0: {  	[tilespmem:s22], [sflag:$0x2] =	stream.indirect_vreg.gather [hbm4b:s3+s2], $0x80, v6, vm0, $0xb8;
	[tilespmem:$0x1A980] =	vst v63  }
0xc1: {  	v6 =	vld [tilespmem:$0x2840];
	_ =	sdelay $0x4  }
0xc2: {  	v7 =	vshll.u32 v6, $0x1  }
0xc3: {  	v6 =	vand.u32 $0x7, v6;
	v7 =	vand.u32 $0xFFFFFFF0, v7  }
0xc4: {  	v6 =	vor.u32 v6, v7  }
0xc5: {  	v7 =	vperm.xlane v6, v3;
	_ =	sdelay $0x1  }
0xc6: {  	v6 =	vperm.xlane v6, v5;
	v7 =	vadd.s32 v4, v7;
	_ =	sdelay $0x1  }
0xc7: {  	v6 =	vadd.s32 v4, v6;
	_ =	sdelay $0x1  }
0xc8: {  	s23 =	simm.s32 $0xC980  }
0xc9: {  	[tilespmem:s23], [sflag:$0x2] =	stream.indirect_vreg.gather [hbm4b:s3+s2], $0x80, v7, vm0, $0xb8;
	[tilespmem:$0x1A980] =	vst v63  }
0xca: {  	s24 =	simm.s32 $0xD180  }
0xcb: {  	[tilespmem:s24], [sflag:$0x2] =	stream.indirect_vreg.gather [hbm4b:s3+s2], $0x80, v6, vm0, $0xb8;
	[tilespmem:$0x1A980] =	vst v63  }
0xcc: {  	v6 =	vld [tilespmem:$0x2850]  }
0xcd: {  	s29 =	rddreg [dreg:$0x10]  }
0xce: {  	s30 =	rddreg [dreg:$0xf]  }
0xcf: {  	s31 =	rddreg [dreg:$0xe]  }
0xd0: {  	s28 =	rddreg [dreg:$0xa]  }
0xd1: {  	s1 =	rddreg [dreg:$0xd];
	v7 =	vshll.u32 v6, $0x1  }
0xd2: {  	s5 =	rddreg [dreg:$0x12];
	v6 =	vand.u32 $0x7, v6;
	v7 =	vand.u32 $0xFFFFFFF0, v7  }
0xd3: {  	s6 =	rddreg [dreg:$0xb];
	v6 =	vor.u32 v6, v7  }
0xd4: {  	s8 =	rddreg [dreg:$0x7];
	v7 =	vperm.xlane v6, v3  }
0xd5: {  	s12 =	rddreg [dreg:$0x2]  }
0xd6: {  	s14 =	rddreg [dreg:$0x6];
	v6 =	vperm.xlane v6, v5;
	v7 =	vadd.s32 v4, v7  }
0xd7: {  	s19 =	rddreg [dreg:$0x16]  }
0xd8: {  	s20 =	rddreg [dreg:$0x13];
	v6 =	vadd.s32 v4, v6  }
0xd9: {  	s21 =	rddreg [dreg:$0x8]  }
.Ltmp2:
0xda: {  	s25 =	simm.s32 $0xD980;
	s22 =	rddreg [dreg:$0x15];
	(pc) =	sbr.rel .LBB2_2-.Ltmp2, $4  }
0xdb: {  	[tilespmem:s25], [sflag:$0x2] =	stream.indirect_vreg.gather [hbm4b:s3+s2], $0x80, v7, vm0, $0xb8;
	[tilespmem:$0x1A980] =	vst v63  }
0xdc: {  	s26 =	simm.s32 $0xE180;
	s4 =	smov.u32 s15;
	s23 =	rddreg [dreg:$0x14]  }
0xdd: {  	[tilespmem:s26], [sflag:$0x2] =	stream.indirect_vreg.gather [hbm4b:s3+s2], $0x80, v6, vm0, $0xb8;
	[tilespmem:$0x1A980] =	vst v63  }
0xde: {  	s16 =	simm.s32 $0x12C;
	s24 =	rddreg [dreg:$0x11];
	s26 =	simm.s32 $0x0  }
.LBB2_6:
0xdf: {  	s7 =	simm.s32 $0x4  }
0xe0: {  	s18 =	sadd.s32 $0x2A00, s17;
	s9 =	simm.s32 $0x14980;
	s0 =	sshrl.u32 s0, $0x3  }
0xe1: {  	s25 =	simm.s32 $0x17980;
	s26 =	sadd.s32 $0x18, s26;
	s4 =	sadd.s32 $0x3800, s4  }
0xe2: {  	s12 =	sadd.s32 $0x8, s12;
	s8 =	sadd.s32 $0x1C000, s8;
	s21 =	sadd.s32 $0x8, s21  }
0xe3: {  	s14 =	sadd.s32 $0x8, s14;
	s6 =	sadd.s32 $0x1C000, s6;
	s28 =	sadd.s32 $0x8, s28  }
0xe4: {  	s1 =	sadd.s32 $0x8, s1;
	s31 =	sadd.s32 $0x8, s31;
	s16 =	sadd.s32 $0x190, s16  }
0xe5: {  	s30 =	sadd.s32 $0x8, s30;
	s29 =	sadd.s32 $0x8, s29;
	s5 =	sadd.s32 $0x1C000, s5  }
0xe6: {  	s24 =	sadd.s32 $0x8, s24;
	_ =	swait.ge [sflag:s7], $0x6000;
	p0 =	sne.s32 s26, $0x258  }
.Ltmp3:
0xe7: {  	s23 =	sadd.s32 $0x8, s23;
	[sflag:s7] =	ssyncset.done $0x0;
	(pc) =	sbr.rel @!p0 .LBB2_7-.Ltmp3, $4  }
0xe8: {  	s22 =	sadd.s32 $0x8, s22;
	s20 =	sadd.s32 $0x1C000, s20;
	[sflag:s7] =	ssyncadd.s32 $0xFFFFA000  }
0xe9: {  	[hbm4b:s18+s2] =	stream.linear.scatter [tilespmem:s9], [sflag:$0x8], $0x3000, $0x38;
	[tilespmem:$0x1A980] =	vst v63  }
0xea: {  	s19 =	sadd.s32 $0x8, s19;
	s10 =	simm.s32 $0xE980;
	s0 =	sadd.s32 s15, s0  }
0xeb: {  	[hbm4b:s0+s2] =	stream.linear.scatter [tilespmem:s25], [sflag:$0x8], $0x3000, $0x38;
	[tilespmem:$0x1A980] =	vst v63  }
.LBB2_2:
0xec: {  	s0 =	smulhi.u32 $0x51EB851F, s19;
	_ =	sdelay $0x1  }
0xed: {  	v6 =	vld [tilespmem:s16+$0xFFFFFF9C];
	s18 =	sshrl.u32 s0, $0x5  }
0xee: {  	s7 =	rddreg [dreg:$0xc];
	s0 =	smul.u32 $0x12C, s18  }
0xef: {  	s7 =	sadd.s32 s26, s7  }
0xf0: {  	s0 =	ssub.s32 s7, s0  }
0xf1: {  	s0 =	sadd.s32 $0xC, s0  }
0xf2: {  	v6 =	vadd.s32 s0, v6  }
0xf3: {  	[tilespmem:$0x2880] =	vst v6  }
0xf4: {  	v7 =	vld [tilespmem:s16+$0xFFFFFFAC];
	_ =	sdelay $0x4  }
0xf5: {  	v7 =	vadd.s32 s0, v7  }
0xf6: {  	[tilespmem:$0x2890] =	vst v7  }
0xf7: {  	v7 =	vld [tilespmem:s16+$0xFFFFFFBC];
	_ =	sdelay $0x4  }
0xf8: {  	s9 =	smulhi.u32 $0x51EB851F, s22;
	v7 =	vadd.s32 s0, v7  }
0xf9: {  	[tilespmem:$0x28A0] =	vst v7  }
0xfa: {  	s25 =	sshrl.u32 s9, $0x5;
	v7 =	vld [tilespmem:s16+$0xFFFFFFCE]  }
0xfb: {  	s17 =	smul.u32 $0x12C, s25;
	_ =	sdelay $0x1  }
0xfc: {  	s0 =	ssub.s32 s7, s17  }
0xfd: {  	s0 =	sadd.s32 $0xF, s0  }
0xfe: {  	v7 =	vadd.s32 s0, v7  }
0xff: {  	[tilespmem:$0x28B0] =	vst v7  }
0x100: {  	v7 =	vld [tilespmem:s16+$0xFFFFFFDE];
	_ =	sdelay $0x4  }
0x101: {  	v7 =	vadd.s32 s0, v7  }
0x102: {  	[tilespmem:$0x28C0] =	vst v7  }
0x103: {  	v7 =	vld [tilespmem:s16+$0xFFFFFFEE];
	_ =	sdelay $0x2  }
0x104: {  	v8 =	vshll.u32 v6, $0x1  }
0x105: {  	v6 =	vand.u32 $0x7, v6;
	v8 =	vand.u32 $0xFFFFFFF0, v8  }
0x106: {  	p0 =	seq.s32 s26, $0x0;
	v6 =	vor.u32 v6, v8;
	v7 =	vadd.s32 s0, v7  }
0x107: {  	s0 =	simm.s32 @!p0 $0x7;
	[tilespmem:$0x28D0] =	vst v7;
	v7 =	vperm.xlane v6, v3  }
0x108: {  	_ =	swait.ge @!p0 [sflag:s0], $0x3000  }
0x109: {  	v6 =	vperm.xlane v6, v5;
	[sflag:s0] =	ssyncset.done @!p0 $0x0;
	v7 =	vadd.s32 v4, v7  }
0x10a: {  	[sflag:s0] =	ssyncadd.s32 @!p0 $0xFFFFD000  }
0x10b: {  	v6 =	vadd.s32 v4, v6;
	_ =	swait.ge @!p0 [sflag:s0], $0x3000  }
0x10c: {  	[sflag:s0] =	ssyncset.done @!p0 $0x0  }
0x10d: {  	[sflag:s0] =	ssyncadd.s32 @!p0 $0xFFFFD000  }
0x10e: {  	[tilespmem:s10], [sflag:$0x3] =	stream.indirect_vreg.gather [hbm4b:s3+s2], $0x80, v7, vm0, $0xb8;
	[tilespmem:$0x1A980] =	vst v63  }
0x10f: {  	s9 =	simm.s32 $0xF180  }
0x110: {  	[tilespmem:s9], [sflag:$0x3] =	stream.indirect_vreg.gather [hbm4b:s3+s2], $0x80, v6, vm0, $0xb8;
	[tilespmem:$0x1A980] =	vst v63  }
0x111: {  	v6 =	vld [tilespmem:$0x2890];
	_ =	sdelay $0x4  }
0x112: {  	v7 =	vshll.u32 v6, $0x1  }
0x113: {  	v6 =	vand.u32 $0x7, v6;
	v7 =	vand.u32 $0xFFFFFFF0, v7  }
0x114: {  	v6 =	vor.u32 v6, v7  }
0x115: {  	v7 =	vperm.xlane v6, v3;
	_ =	sdelay $0x1  }
0x116: {  	v6 =	vperm.xlane v6, v5;
	v7 =	vadd.s32 v4, v7;
	_ =	sdelay $0x1  }
0x117: {  	v6 =	vadd.s32 v4, v6;
	_ =	sdelay $0x1  }
0x118: {  	s10 =	simm.s32 $0xF980  }
0x119: {  	[tilespmem:s10], [sflag:$0x3] =	stream.indirect_vreg.gather [hbm4b:s3+s2], $0x80, v7, vm0, $0xb8;
	[tilespmem:$0x1A980] =	vst v63  }
0x11a: {  	s17 =	simm.s32 $0x10180  }
0x11b: {  	[tilespmem:s17], [sflag:$0x3] =	stream.indirect_vreg.gather [hbm4b:s3+s2], $0x80, v6, vm0, $0xb8;
	[tilespmem:$0x1A980] =	vst v63  }
0x11c: {  	v6 =	vld [tilespmem:$0x28A0];
	_ =	sdelay $0x4  }
0x11d: {  	v7 =	vshll.u32 v6, $0x1  }
0x11e: {  	v6 =	vand.u32 $0x7, v6;
	v7 =	vand.u32 $0xFFFFFFF0, v7  }
0x11f: {  	v6 =	vor.u32 v6, v7  }
0x120: {  	v7 =	vperm.xlane v6, v3;
	_ =	sdelay $0x1  }
0x121: {  	v6 =	vperm.xlane v6, v5;
	v7 =	vadd.s32 v4, v7;
	_ =	sdelay $0x1  }
0x122: {  	v6 =	vadd.s32 v4, v6;
	_ =	sdelay $0x1  }
0x123: {  	s9 =	simm.s32 $0x10980  }
0x124: {  	[tilespmem:s9], [sflag:$0x3] =	stream.indirect_vreg.gather [hbm4b:s3+s2], $0x80, v7, vm0, $0xb8;
	[tilespmem:$0x1A980] =	vst v63  }
0x125: {  	s10 =	simm.s32 $0x11180  }
0x126: {  	[tilespmem:s10], [sflag:$0x3] =	stream.indirect_vreg.gather [hbm4b:s3+s2], $0x80, v6, vm0, $0xb8;
	[tilespmem:$0x1A980] =	vst v63  }
0x127: {  	v6 =	vld [tilespmem:$0x28B0];
	_ =	sdelay $0x4  }
0x128: {  	v7 =	vshll.u32 v6, $0x1  }
0x129: {  	v6 =	vand.u32 $0x7, v6;
	v7 =	vand.u32 $0xFFFFFFF0, v7  }
0x12a: {  	v6 =	vor.u32 v6, v7  }
0x12b: {  	v7 =	vperm.xlane v6, v3;
	_ =	sdelay $0x1  }
0x12c: {  	v6 =	vperm.xlane v6, v5;
	v7 =	vadd.s32 v4, v7;
	_ =	sdelay $0x1  }
0x12d: {  	v6 =	vadd.s32 v4, v6;
	_ =	sdelay $0x2  }
0x12e: {  	[tilespmem:s13], [sflag:$0x3] =	stream.indirect_vreg.gather [hbm4b:s3+s2], $0x80, v7, vm0, $0xb8;
	[tilespmem:$0x1A980] =	vst v63  }
0x12f: {  	s13 =	simm.s32 $0x12180  }
0x130: {  	[tilespmem:s13], [sflag:$0x3] =	stream.indirect_vreg.gather [hbm4b:s3+s2], $0x80, v6, vm0, $0xb8;
	[tilespmem:$0x1A980] =	vst v63  }
0x131: {  	v6 =	vld [tilespmem:$0x28C0];
	_ =	sdelay $0x4  }
0x132: {  	v7 =	vshll.u32 v6, $0x1  }
0x133: {  	v6 =	vand.u32 $0x7, v6;
	v7 =	vand.u32 $0xFFFFFFF0, v7  }
0x134: {  	v6 =	vor.u32 v6, v7  }
0x135: {  	v7 =	vperm.xlane v6, v3;
	_ =	sdelay $0x1  }
0x136: {  	v6 =	vperm.xlane v6, v5;
	v7 =	vadd.s32 v4, v7;
	_ =	sdelay $0x1  }
0x137: {  	v6 =	vadd.s32 v4, v6;
	_ =	sdelay $0x1  }
0x138: {  	s17 =	simm.s32 $0x12980  }
0x139: {  	[tilespmem:s17], [sflag:$0x3] =	stream.indirect_vreg.gather [hbm4b:s3+s2], $0x80, v7, vm0, $0xb8;
	[tilespmem:$0x1A980] =	vst v63  }
0x13a: {  	s9 =	simm.s32 $0x13180  }
0x13b: {  	[tilespmem:s9], [sflag:$0x3] =	stream.indirect_vreg.gather [hbm4b:s3+s2], $0x80, v6, vm0, $0xb8;
	[tilespmem:$0x1A980] =	vst v63  }
0x13c: {  	v6 =	vld [tilespmem:$0x28D0];
	_ =	sdelay $0x4  }
0x13d: {  	v7 =	vshll.u32 v6, $0x1  }
0x13e: {  	v6 =	vand.u32 $0x7, v6;
	v7 =	vand.u32 $0xFFFFFFF0, v7  }
0x13f: {  	v6 =	vor.u32 v6, v7  }
0x140: {  	s10 =	smulhi.u32 $0x51EB851F, s12;
	v7 =	vperm.xlane v6, v3;
	_ =	sdelay $0x1  }
0x141: {  	s0 =	sshrl.u32 s10, $0x5;
	v6 =	vperm.xlane v6, v5;
	v7 =	vadd.s32 v4, v7  }
0x142: {  	s0 =	smul.u32 $0x15E000, s0  }
0x143: {  	s13 =	smulhi.u32 $0x51EB851F, s28;
	v6 =	vadd.s32 v4, v6;
	_ =	sdelay $0x1  }
0x144: {  	s0 =	sadd.s32 s0, s6;
	s17 =	simm.s32 $0x13980;
	s9 =	sshrl.u32 s13, $0x5  }
0x145: {  	[tilespmem:s17], [sflag:$0x3] =	stream.indirect_vreg.gather [hbm4b:s3+s2], $0x80, v7, vm0, $0xb8;
	[tilespmem:$0x1A980] =	vst v63  }
0x146: {  	s13 =	simm.s32 $0x14180;
	s9 =	smul.u32 $0x15E000, s9;
	s17 =	simm.s32 $0x1  }
0x147: {  	[tilespmem:s13], [sflag:$0x3] =	stream.indirect_vreg.gather [hbm4b:s3+s2], $0x80, v6, vm0, $0xb8;
	[tilespmem:$0x1A980] =	vst v63  }
0x148: {  	s0 =	ssub.s32 s0, s9;
	_ =	swait.ge [sflag:s17], $0x6000  }
0x149: {  	s0 =	sshrl.u32 s0, $0x3;
	[sflag:s17] =	ssyncset.done $0x0;
	s13 =	rddreg [dreg:$0x9]  }
0x14a: {  	[sflag:s17] =	ssyncadd.s32 $0xFFFFA000;
	s9 =	sadd.s32 s4, s13;
	s17 =	simm.s32 $0x2980  }
0x14b: {  	[hbm4b:s9+s2] =	stream.linear.scatter [tilespmem:s17], [sflag:$0x5], $0x3000, $0x38;
	[tilespmem:$0x1A980] =	vst v63  }
0x14c: {  	s0 =	sadd.s32 s15, s0;
	s13 =	smulhi.u32 $0x51EB851F, s29;
	s17 =	simm.s32 $0x5980  }
0x14d: {  	[hbm4b:s0+s2] =	stream.linear.scatter [tilespmem:s17], [sflag:$0x5], $0x3000, $0x38;
	[tilespmem:$0x1A980] =	vst v63  }
0x14e: {  	s0 =	sshrl.u32 s13, $0x5;
	v6 =	vld [tilespmem:s16+$0x0]  }
0x14f: {  	s9 =	smul.u32 $0x12C, s0;
	_ =	sdelay $0x1  }
0x150: {  	s9 =	ssub.s32 $0x12, s9  }
0x151: {  	s9 =	sadd.s32 s9, s7  }
0x152: {  	v6 =	vadd.s32 s9, v6  }
0x153: {  	[tilespmem:$0x2900] =	vst v6  }
0x154: {  	v7 =	vld [tilespmem:s16+$0x10];
	_ =	sdelay $0x4  }
0x155: {  	v7 =	vadd.s32 s9, v7  }
0x156: {  	[tilespmem:$0x2910] =	vst v7  }
0x157: {  	v7 =	vld [tilespmem:s16+$0x20];
	_ =	sdelay $0x4  }
0x158: {  	s17 =	smulhi.u32 $0x51EB851F, s24;
	v7 =	vadd.s32 s9, v7  }
0x159: {  	[tilespmem:$0x2920] =	vst v7  }
0x15a: {  	s9 =	sshrl.u32 s17, $0x5;
	v7 =	vld [tilespmem:s16+$0x32]  }
0x15b: {  	s17 =	smul.u32 $0x12C, s9;
	_ =	sdelay $0x1  }
0x15c: {  	s17 =	ssub.s32 $0x15, s17  }
0x15d: {  	s17 =	sadd.s32 s17, s7  }
0x15e: {  	v7 =	vadd.s32 s17, v7  }
0x15f: {  	[tilespmem:$0x2930] =	vst v7  }
0x160: {  	v7 =	vld [tilespmem:s16+$0x42];
	_ =	sdelay $0x4  }
0x161: {  	v7 =	vadd.s32 s17, v7  }
0x162: {  	[tilespmem:$0x2940] =	vst v7  }
0x163: {  	v7 =	vld [tilespmem:s16+$0x52];
	_ =	sdelay $0x2  }
0x164: {  	v63 =	vshll.u32 v6, $0x1  }
0x165: {  	v6 =	vand.u32 $0x7, v6;
	v8 =	vand.u32 $0xFFFFFFF0, v63  }
0x166: {  	v6 =	vor.u32 v6, v8;
	v7 =	vadd.s32 s17, v7  }
0x167: {  	s17 =	simm.s32 @!p0 $0x8;
	[tilespmem:$0x2950] =	vst v7;
	v7 =	vperm.xlane v6, v3  }
0x168: {  	_ =	swait.ge @!p0 [sflag:s17], $0x3000  }
0x169: {  	v6 =	vperm.xlane v6, v5;
	[sflag:s17] =	ssyncset.done @!p0 $0x0;
	v7 =	vadd.s32 v4, v7  }
0x16a: {  	[sflag:s17] =	ssyncadd.s32 @!p0 $0xFFFFD000  }
0x16b: {  	v6 =	vadd.s32 v4, v6;
	_ =	swait.ge @!p0 [sflag:s17], $0x3000  }
0x16c: {  	[sflag:s17] =	ssyncset.done @!p0 $0x0  }
0x16d: {  	s11 =	simm.s32 $0x14980;
	[sflag:s17] =	ssyncadd.s32 @!p0 $0xFFFFD000  }
0x16e: {  	[tilespmem:s11], [sflag:$0x4] =	stream.indirect_vreg.gather [hbm4b:s3+s2], $0x80, v7, vm0, $0xb8;
	[tilespmem:$0x1A980] =	vst v63  }
0x16f: {  	s11 =	simm.s32 $0x15180  }
0x170: {  	[tilespmem:s11], [sflag:$0x4] =	stream.indirect_vreg.gather [hbm4b:s3+s2], $0x80, v6, vm0, $0xb8;
	[tilespmem:$0x1A980] =	vst v63  }
0x171: {  	v6 =	vld [tilespmem:$0x2910];
	_ =	sdelay $0x4  }
0x172: {  	v7 =	vshll.u32 v6, $0x1  }
0x173: {  	v6 =	vand.u32 $0x7, v6;
	v7 =	vand.u32 $0xFFFFFFF0, v7  }
0x174: {  	v6 =	vor.u32 v6, v7  }
0x175: {  	v7 =	vperm.xlane v6, v3;
	_ =	sdelay $0x1  }
0x176: {  	v6 =	vperm.xlane v6, v5;
	v7 =	vadd.s32 v4, v7;
	_ =	sdelay $0x1  }
0x177: {  	v6 =	vadd.s32 v4, v6;
	_ =	sdelay $0x1  }
0x178: {  	s13 =	simm.s32 $0x15980  }
0x179: {  	[tilespmem:s13], [sflag:$0x4] =	stream.indirect_vreg.gather [hbm4b:s3+s2], $0x80, v7, vm0, $0xb8;
	[tilespmem:$0x1A980] =	vst v63  }
0x17a: {  	s17 =	simm.s32 $0x16180  }
0x17b: {  	[tilespmem:s17], [sflag:$0x4] =	stream.indirect_vreg.gather [hbm4b:s3+s2], $0x80, v6, vm0, $0xb8;
	[tilespmem:$0x1A980] =	vst v63  }
0x17c: {  	v6 =	vld [tilespmem:$0x2920];
	_ =	sdelay $0x4  }
0x17d: {  	v7 =	vshll.u32 v6, $0x1  }
0x17e: {  	v6 =	vand.u32 $0x7, v6;
	v7 =	vand.u32 $0xFFFFFFF0, v7  }
0x17f: {  	v6 =	vor.u32 v6, v7  }
0x180: {  	v7 =	vperm.xlane v6, v3;
	_ =	sdelay $0x1  }
0x181: {  	v6 =	vperm.xlane v6, v5;
	v7 =	vadd.s32 v4, v7;
	_ =	sdelay $0x1  }
0x182: {  	v6 =	vadd.s32 v4, v6;
	_ =	sdelay $0x1  }
0x183: {  	s11 =	simm.s32 $0x16980  }
0x184: {  	[tilespmem:s11], [sflag:$0x4] =	stream.indirect_vreg.gather [hbm4b:s3+s2], $0x80, v7, vm0, $0xb8;
	[tilespmem:$0x1A980] =	vst v63  }
0x185: {  	s13 =	simm.s32 $0x17180  }
0x186: {  	[tilespmem:s13], [sflag:$0x4] =	stream.indirect_vreg.gather [hbm4b:s3+s2], $0x80, v6, vm0, $0xb8;
	[tilespmem:$0x1A980] =	vst v63  }
0x187: {  	v6 =	vld [tilespmem:$0x2930];
	_ =	sdelay $0x4  }
0x188: {  	v7 =	vshll.u32 v6, $0x1  }
0x189: {  	v6 =	vand.u32 $0x7, v6;
	v7 =	vand.u32 $0xFFFFFFF0, v7  }
0x18a: {  	v6 =	vor.u32 v6, v7  }
0x18b: {  	v7 =	vperm.xlane v6, v3;
	_ =	sdelay $0x1  }
0x18c: {  	v6 =	vperm.xlane v6, v5;
	v7 =	vadd.s32 v4, v7;
	_ =	sdelay $0x1  }
0x18d: {  	v6 =	vadd.s32 v4, v6;
	_ =	sdelay $0x1  }
0x18e: {  	s17 =	simm.s32 $0x17980  }
0x18f: {  	[tilespmem:s17], [sflag:$0x4] =	stream.indirect_vreg.gather [hbm4b:s3+s2], $0x80, v7, vm0, $0xb8;
	[tilespmem:$0x1A980] =	vst v63  }
0x190: {  	s11 =	simm.s32 $0x18180  }
0x191: {  	[tilespmem:s11], [sflag:$0x4] =	stream.indirect_vreg.gather [hbm4b:s3+s2], $0x80, v6, vm0, $0xb8;
	[tilespmem:$0x1A980] =	vst v63  }
0x192: {  	v6 =	vld [tilespmem:$0x2940];
	_ =	sdelay $0x4  }
0x193: {  	v7 =	vshll.u32 v6, $0x1  }
0x194: {  	v6 =	vand.u32 $0x7, v6;
	v7 =	vand.u32 $0xFFFFFFF0, v7  }
0x195: {  	v6 =	vor.u32 v6, v7  }
0x196: {  	v7 =	vperm.xlane v6, v3;
	_ =	sdelay $0x1  }
0x197: {  	v6 =	vperm.xlane v6, v5;
	v7 =	vadd.s32 v4, v7;
	_ =	sdelay $0x1  }
0x198: {  	v6 =	vadd.s32 v4, v6;
	_ =	sdelay $0x1  }
0x199: {  	s13 =	simm.s32 $0x18980  }
0x19a: {  	[tilespmem:s13], [sflag:$0x4] =	stream.indirect_vreg.gather [hbm4b:s3+s2], $0x80, v7, vm0, $0xb8;
	[tilespmem:$0x1A980] =	vst v63  }
0x19b: {  	s17 =	simm.s32 $0x19180  }
0x19c: {  	[tilespmem:s17], [sflag:$0x4] =	stream.indirect_vreg.gather [hbm4b:s3+s2], $0x80, v6, vm0, $0xb8;
	[tilespmem:$0x1A980] =	vst v63  }
0x19d: {  	v6 =	vld [tilespmem:$0x2950];
	_ =	sdelay $0x4  }
0x19e: {  	v7 =	vshll.u32 v6, $0x1  }
0x19f: {  	v6 =	vand.u32 $0x7, v6;
	v7 =	vand.u32 $0xFFFFFFF0, v7  }
0x1a0: {  	v6 =	vor.u32 v6, v7  }
0x1a1: {  	v7 =	vperm.xlane v6, v3;
	_ =	sdelay $0x1  }
0x1a2: {  	v6 =	vperm.xlane v6, v5;
	v7 =	vadd.s32 v4, v7  }
0x1a3: {  	s10 =	smulhi.u32 $0x51EB851F, s14  }
0x1a4: {  	s11 =	smulhi.u32 $0x51EB851F, s21;
	v6 =	vadd.s32 v4, v6  }
0x1a5: {  	s10 =	sshrl.u32 s10, $0x5  }
0x1a6: {  	s10 =	smul.u32 $0x15E000, s10;
	s13 =	simm.s32 $0x19980;
	s17 =	sshrl.u32 s11, $0x5  }
0x1a7: {  	[tilespmem:s13], [sflag:$0x4] =	stream.indirect_vreg.gather [hbm4b:s3+s2], $0x80, v7, vm0, $0xb8;
	[tilespmem:$0x1A980] =	vst v63  }
0x1a8: {  	s17 =	smul.u32 $0x15E000, s17;
	s13 =	simm.s32 $0x1A180  }
0x1a9: {  	[tilespmem:s13], [sflag:$0x4] =	stream.indirect_vreg.gather [hbm4b:s3+s2], $0x80, v6, vm0, $0xb8;
	[tilespmem:$0x1A980] =	vst v63  }
0x1aa: {  	s11 =	sadd.s32 s17, s8;
	s13 =	simm.s32 $0x2  }
0x1ab: {  	s10 =	ssub.s32 s11, s10;
	_ =	swait.ge [sflag:s13], $0x6000  }
0x1ac: {  	p0 =	seq.s32 s26, $0x240;
	s10 =	sshrl.u32 s10, $0x3;
	s17 =	rddreg [dreg:$0x5]  }
.Ltmp4:
0x1ad: {  	[sflag:s13] =	ssyncset.done $0x0;
	s17 =	sadd.s32 s4, s17;
	(pc) =	sbr.rel @p0 .LBB2_4-.Ltmp4, $4  }
0x1ae: {  	[sflag:s13] =	ssyncadd.s32 $0xFFFFA000;
	s13 =	simm.s32 $0x8980;
	s11 =	sadd.s32 $0xE00, s17  }
0x1af: {  	[hbm4b:s11+s2] =	stream.linear.scatter [tilespmem:s13], [sflag:$0x6], $0x3000, $0x38;
	[tilespmem:$0x1A980] =	vst v63  }
0x1b0: {  	s10 =	sadd.s32 s15, s10;
	s13 =	simm.s32 $0xB980  }
0x1b1: {  	[hbm4b:s10+s2] =	stream.linear.scatter [tilespmem:s13], [sflag:$0x6], $0x3000, $0x38;
	[tilespmem:$0x1A980] =	vst v63  }
0x1b2: {  	s10 =	smulhi.u32 $0x51EB851F, s23;
	_ =	sdelay $0x1  }
0x1b3: {  	v6 =	vld [tilespmem:s16+$0x64];
	s10 =	sshrl.u32 s10, $0x5  }
0x1b4: {  	s10 =	smul.u32 $0x12C, s10;
	_ =	sdelay $0x1  }
0x1b5: {  	s10 =	ssub.s32 $0x18, s10  }
0x1b6: {  	s10 =	sadd.s32 s10, s7  }
0x1b7: {  	v6 =	vadd.s32 s10, v6  }
0x1b8: {  	[tilespmem:$0x2780] =	vst v6  }
0x1b9: {  	v7 =	vld [tilespmem:s16+$0x74];
	_ =	sdelay $0x4  }
0x1ba: {  	v7 =	vadd.s32 s10, v7  }
0x1bb: {  	[tilespmem:$0x2790] =	vst v7  }
0x1bc: {  	v7 =	vld [tilespmem:s16+$0x84];
	_ =	sdelay $0x4  }
0x1bd: {  	s11 =	smulhi.u32 $0x51EB851F, s30;
	v7 =	vadd.s32 s10, v7  }
0x1be: {  	[tilespmem:$0x27A0] =	vst v7  }
0x1bf: {  	s11 =	sshrl.u32 s11, $0x5;
	v7 =	vld [tilespmem:s16+$0x96]  }
0x1c0: {  	s10 =	smul.u32 $0x12C, s11;
	_ =	sdelay $0x1  }
0x1c1: {  	s10 =	ssub.s32 $0x1B, s10  }
0x1c2: {  	s10 =	sadd.s32 s10, s7  }
0x1c3: {  	v7 =	vadd.s32 s10, v7  }
0x1c4: {  	[tilespmem:$0x27B0] =	vst v7  }
0x1c5: {  	v7 =	vld [tilespmem:s16+$0xA6];
	_ =	sdelay $0x4  }
0x1c6: {  	v7 =	vadd.s32 s10, v7  }
0x1c7: {  	[tilespmem:$0x27C0] =	vst v7  }
0x1c8: {  	v7 =	vld [tilespmem:s16+$0xB6];
	_ =	sdelay $0x2  }
0x1c9: {  	v8 =	vshll.u32 v6, $0x1  }
0x1ca: {  	v6 =	vand.u32 $0x7, v6;
	v8 =	vand.u32 $0xFFFFFFF0, v8  }
0x1cb: {  	v6 =	vor.u32 v6, v8;
	v7 =	vadd.s32 s10, v7  }
0x1cc: {  	s13 =	simm.s32 $0x5;
	[tilespmem:$0x27D0] =	vst v7;
	v7 =	vperm.xlane v6, v3  }
0x1cd: {  	_ =	swait.ge [sflag:s13], $0x3000  }
0x1ce: {  	v6 =	vperm.xlane v6, v5;
	[sflag:s13] =	ssyncset.done $0x0;
	v7 =	vadd.s32 v4, v7  }
0x1cf: {  	[sflag:s13] =	ssyncadd.s32 $0xFFFFD000  }
0x1d0: {  	v6 =	vadd.s32 v4, v6;
	_ =	swait.ge [sflag:s13], $0x3000  }
0x1d1: {  	[sflag:s13] =	ssyncset.done $0x0  }
0x1d2: {  	s11 =	simm.s32 $0x2980;
	[sflag:s13] =	ssyncadd.s32 $0xFFFFD000  }
0x1d3: {  	[tilespmem:s11], [sflag:$0x1] =	stream.indirect_vreg.gather [hbm4b:s3+s2], $0x80, v7, vm0, $0xb8;
	[tilespmem:$0x1A980] =	vst v63  }
0x1d4: {  	s13 =	simm.s32 $0x3180  }
0x1d5: {  	[tilespmem:s13], [sflag:$0x1] =	stream.indirect_vreg.gather [hbm4b:s3+s2], $0x80, v6, vm0, $0xb8;
	[tilespmem:$0x1A980] =	vst v63  }
0x1d6: {  	v6 =	vld [tilespmem:$0x2790];
	_ =	sdelay $0x4  }
0x1d7: {  	v7 =	vshll.u32 v6, $0x1  }
0x1d8: {  	v6 =	vand.u32 $0x7, v6;
	v7 =	vand.u32 $0xFFFFFFF0, v7  }
0x1d9: {  	v6 =	vor.u32 v6, v7  }
0x1da: {  	v7 =	vperm.xlane v6, v3;
	_ =	sdelay $0x1  }
0x1db: {  	v6 =	vperm.xlane v6, v5;
	v7 =	vadd.s32 v4, v7;
	_ =	sdelay $0x1  }
0x1dc: {  	v6 =	vadd.s32 v4, v6;
	_ =	sdelay $0x1  }
0x1dd: {  	s11 =	simm.s32 $0x3980  }
0x1de: {  	[tilespmem:s11], [sflag:$0x1] =	stream.indirect_vreg.gather [hbm4b:s3+s2], $0x80, v7, vm0, $0xb8;
	[tilespmem:$0x1A980] =	vst v63  }
0x1df: {  	s13 =	simm.s32 $0x4180  }
0x1e0: {  	[tilespmem:s13], [sflag:$0x1] =	stream.indirect_vreg.gather [hbm4b:s3+s2], $0x80, v6, vm0, $0xb8;
	[tilespmem:$0x1A980] =	vst v63  }
0x1e1: {  	v6 =	vld [tilespmem:$0x27A0];
	_ =	sdelay $0x4  }
0x1e2: {  	v7 =	vshll.u32 v6, $0x1  }
0x1e3: {  	v6 =	vand.u32 $0x7, v6;
	v7 =	vand.u32 $0xFFFFFFF0, v7  }
0x1e4: {  	v6 =	vor.u32 v6, v7  }
0x1e5: {  	v7 =	vperm.xlane v6, v3;
	_ =	sdelay $0x1  }
0x1e6: {  	v6 =	vperm.xlane v6, v5;
	v7 =	vadd.s32 v4, v7;
	_ =	sdelay $0x1  }
0x1e7: {  	v6 =	vadd.s32 v4, v6;
	_ =	sdelay $0x1  }
0x1e8: {  	s11 =	simm.s32 $0x4980  }
0x1e9: {  	[tilespmem:s11], [sflag:$0x1] =	stream.indirect_vreg.gather [hbm4b:s3+s2], $0x80, v7, vm0, $0xb8;
	[tilespmem:$0x1A980] =	vst v63  }
0x1ea: {  	s13 =	simm.s32 $0x5180  }
0x1eb: {  	[tilespmem:s13], [sflag:$0x1] =	stream.indirect_vreg.gather [hbm4b:s3+s2], $0x80, v6, vm0, $0xb8;
	[tilespmem:$0x1A980] =	vst v63  }
0x1ec: {  	v6 =	vld [tilespmem:$0x27B0];
	_ =	sdelay $0x4  }
0x1ed: {  	v7 =	vshll.u32 v6, $0x1  }
0x1ee: {  	v6 =	vand.u32 $0x7, v6;
	v7 =	vand.u32 $0xFFFFFFF0, v7  }
0x1ef: {  	v6 =	vor.u32 v6, v7  }
0x1f0: {  	v7 =	vperm.xlane v6, v3;
	_ =	sdelay $0x1  }
0x1f1: {  	v6 =	vperm.xlane v6, v5;
	v7 =	vadd.s32 v4, v7;
	_ =	sdelay $0x1  }
0x1f2: {  	v6 =	vadd.s32 v4, v6;
	_ =	sdelay $0x1  }
0x1f3: {  	s11 =	simm.s32 $0x5980  }
0x1f4: {  	[tilespmem:s11], [sflag:$0x1] =	stream.indirect_vreg.gather [hbm4b:s3+s2], $0x80, v7, vm0, $0xb8;
	[tilespmem:$0x1A980] =	vst v63  }
0x1f5: {  	s13 =	simm.s32 $0x6180  }
0x1f6: {  	[tilespmem:s13], [sflag:$0x1] =	stream.indirect_vreg.gather [hbm4b:s3+s2], $0x80, v6, vm0, $0xb8;
	[tilespmem:$0x1A980] =	vst v63  }
0x1f7: {  	v6 =	vld [tilespmem:$0x27C0];
	_ =	sdelay $0x4  }
0x1f8: {  	v7 =	vshll.u32 v6, $0x1  }
0x1f9: {  	v6 =	vand.u32 $0x7, v6;
	v7 =	vand.u32 $0xFFFFFFF0, v7  }
0x1fa: {  	v6 =	vor.u32 v6, v7  }
0x1fb: {  	v7 =	vperm.xlane v6, v3;
	_ =	sdelay $0x1  }
0x1fc: {  	v6 =	vperm.xlane v6, v5;
	v7 =	vadd.s32 v4, v7;
	_ =	sdelay $0x1  }
0x1fd: {  	v6 =	vadd.s32 v4, v6;
	_ =	sdelay $0x1  }
0x1fe: {  	s11 =	simm.s32 $0x6980  }
0x1ff: {  	[tilespmem:s11], [sflag:$0x1] =	stream.indirect_vreg.gather [hbm4b:s3+s2], $0x80, v7, vm0, $0xb8;
	[tilespmem:$0x1A980] =	vst v63  }
0x200: {  	s13 =	simm.s32 $0x7180  }
0x201: {  	[tilespmem:s13], [sflag:$0x1] =	stream.indirect_vreg.gather [hbm4b:s3+s2], $0x80, v6, vm0, $0xb8;
	[tilespmem:$0x1A980] =	vst v63  }
0x202: {  	v6 =	vld [tilespmem:$0x27D0];
	_ =	sdelay $0x4  }
0x203: {  	v7 =	vshll.u32 v6, $0x1  }
0x204: {  	v6 =	vand.u32 $0x7, v6;
	v7 =	vand.u32 $0xFFFFFFF0, v7  }
0x205: {  	v6 =	vor.u32 v6, v7  }
0x206: {  	v7 =	vperm.xlane v6, v3;
	_ =	sdelay $0x1  }
0x207: {  	v6 =	vperm.xlane v6, v5;
	v7 =	vadd.s32 v4, v7;
	_ =	sdelay $0x1  }
0x208: {  	v6 =	vadd.s32 v4, v6;
	_ =	sdelay $0x1  }
0x209: {  	s11 =	simm.s32 $0x7980  }
0x20a: {  	[tilespmem:s11], [sflag:$0x1] =	stream.indirect_vreg.gather [hbm4b:s3+s2], $0x80, v7, vm0, $0xb8;
	[tilespmem:$0x1A980] =	vst v63  }
0x20b: {  	s13 =	simm.s32 $0x8180  }
0x20c: {  	[tilespmem:s13], [sflag:$0x1] =	stream.indirect_vreg.gather [hbm4b:s3+s2], $0x80, v6, vm0, $0xb8;
	[tilespmem:$0x1A980] =	vst v63  }
.LBB2_4:
0x20d: {  	s10 =	smul.u32 $0x15E000, s18  }
0x20e: {  	s11 =	smul.u32 $0x15E000, s25;
	s13 =	simm.s32 $0x3;
	s18 =	sadd.s32 $0x1C00, s17  }
0x20f: {  	s25 =	simm.s32 $0xE980;
	s0 =	smul.u32 $0x15E000, s0;
	_ =	swait.ge [sflag:s13], $0x6000  }
0x210: {  	s9 =	smul.u32 $0x15E000, s9;
	s10 =	sadd.s32 s10, s20;
	[sflag:s13] =	ssyncset.done $0x0  }
.Ltmp5:
0x211: {  	s10 =	ssub.s32 s10, s11;
	[sflag:s13] =	ssyncadd.s32 $0xFFFFA000;
	(pc) =	sbr.rel @p0 .LBB2_6-.Ltmp5, $4  }
0x212: {  	[hbm4b:s18+s2] =	stream.linear.scatter [tilespmem:s25], [sflag:$0x7], $0x3000, $0x38;
	[tilespmem:$0x1A980] =	vst v63  }
0x213: {  	s0 =	sadd.s32 s0, s5;
	s10 =	sshrl.u32 s10, $0x3  }
0x214: {  	s13 =	simm.s32 $0x11980;
	s0 =	ssub.s32 s0, s9;
	s10 =	sadd.s32 s15, s10  }
0x215: {  	[hbm4b:s10+s2] =	stream.linear.scatter [tilespmem:s13], [sflag:$0x7], $0x3000, $0x38;
	[tilespmem:$0x1A980] =	vst v63  }
0x216: {  	s9 =	smulhi.u32 $0x51EB851F, s31;
	_ =	sdelay $0x1  }
0x217: {  	v6 =	vld [tilespmem:s16+$0xC8];
	s9 =	sshrl.u32 s9, $0x5  }
0x218: {  	s9 =	smul.u32 $0x12C, s9;
	_ =	sdelay $0x1  }
0x219: {  	s9 =	ssub.s32 $0x1E, s9  }
0x21a: {  	s9 =	sadd.s32 s9, s7  }
0x21b: {  	v6 =	vadd.s32 s9, v6  }
0x21c: {  	[tilespmem:$0x2800] =	vst v6  }
0x21d: {  	v7 =	vld [tilespmem:s16+$0xD8];
	_ =	sdelay $0x4  }
0x21e: {  	v7 =	vadd.s32 s9, v7  }
0x21f: {  	[tilespmem:$0x2810] =	vst v7  }
0x220: {  	v7 =	vld [tilespmem:s16+$0xE8];
	_ =	sdelay $0x4  }
0x221: {  	s10 =	smulhi.u32 $0x51EB851F, s1;
	v7 =	vadd.s32 s9, v7  }
0x222: {  	[tilespmem:$0x2820] =	vst v7  }
0x223: {  	s25 =	sshrl.u32 s10, $0x5;
	v7 =	vld [tilespmem:s16+$0xFA]  }
0x224: {  	s9 =	smul.u32 $0x12C, s25;
	_ =	sdelay $0x1  }
0x225: {  	s9 =	ssub.s32 $0x21, s9  }
0x226: {  	s10 =	sadd.s32 s9, s7  }
0x227: {  	v7 =	vadd.s32 s10, v7  }
0x228: {  	[tilespmem:$0x2830] =	vst v7  }
0x229: {  	v7 =	vld [tilespmem:s16+$0x10A];
	_ =	sdelay $0x4  }
0x22a: {  	v7 =	vadd.s32 s10, v7  }
0x22b: {  	[tilespmem:$0x2840] =	vst v7  }
0x22c: {  	v7 =	vld [tilespmem:s16+$0x11A];
	_ =	sdelay $0x2  }
0x22d: {  	v8 =	vshll.u32 v6, $0x1  }
0x22e: {  	v6 =	vand.u32 $0x7, v6;
	v8 =	vand.u32 $0xFFFFFFF0, v8  }
0x22f: {  	v6 =	vor.u32 v6, v8;
	v7 =	vadd.s32 s10, v7  }
0x230: {  	s11 =	simm.s32 $0x6;
	[tilespmem:$0x2850] =	vst v7;
	v7 =	vperm.xlane v6, v3  }
0x231: {  	_ =	swait.ge [sflag:s11], $0x3000  }
0x232: {  	v6 =	vperm.xlane v6, v5;
	[sflag:s11] =	ssyncset.done $0x0;
	v7 =	vadd.s32 v4, v7  }
0x233: {  	[sflag:s11] =	ssyncadd.s32 $0xFFFFD000  }
0x234: {  	v6 =	vadd.s32 v4, v6;
	_ =	swait.ge [sflag:s11], $0x3000  }
0x235: {  	[sflag:s11] =	ssyncset.done $0x0  }
0x236: {  	s18 =	simm.s32 $0x8980;
	[sflag:s11] =	ssyncadd.s32 $0xFFFFD000  }
0x237: {  	[tilespmem:s18], [sflag:$0x2] =	stream.indirect_vreg.gather [hbm4b:s3+s2], $0x80, v7, vm0, $0xb8;
	[tilespmem:$0x1A980] =	vst v63  }
0x238: {  	s25 =	simm.s32 $0x9180  }
0x239: {  	[tilespmem:s25], [sflag:$0x2] =	stream.indirect_vreg.gather [hbm4b:s3+s2], $0x80, v6, vm0, $0xb8;
	[tilespmem:$0x1A980] =	vst v63  }
0x23a: {  	v6 =	vld [tilespmem:$0x2810];
	_ =	sdelay $0x4  }
0x23b: {  	v7 =	vshll.u32 v6, $0x1  }
0x23c: {  	v6 =	vand.u32 $0x7, v6;
	v7 =	vand.u32 $0xFFFFFFF0, v7  }
0x23d: {  	v6 =	vor.u32 v6, v7  }
0x23e: {  	v7 =	vperm.xlane v6, v3;
	_ =	sdelay $0x1  }
0x23f: {  	v6 =	vperm.xlane v6, v5;
	v7 =	vadd.s32 v4, v7;
	_ =	sdelay $0x1  }
0x240: {  	v6 =	vadd.s32 v4, v6;
	_ =	sdelay $0x1  }
0x241: {  	s9 =	simm.s32 $0x9980  }
0x242: {  	[tilespmem:s9], [sflag:$0x2] =	stream.indirect_vreg.gather [hbm4b:s3+s2], $0x80, v7, vm0, $0xb8;
	[tilespmem:$0x1A980] =	vst v63  }
0x243: {  	s10 =	simm.s32 $0xA180  }
0x244: {  	[tilespmem:s10], [sflag:$0x2] =	stream.indirect_vreg.gather [hbm4b:s3+s2], $0x80, v6, vm0, $0xb8;
	[tilespmem:$0x1A980] =	vst v63  }
0x245: {  	v6 =	vld [tilespmem:$0x2820];
	_ =	sdelay $0x4  }
0x246: {  	v7 =	vshll.u32 v6, $0x1  }
0x247: {  	v6 =	vand.u32 $0x7, v6;
	v7 =	vand.u32 $0xFFFFFFF0, v7  }
0x248: {  	v6 =	vor.u32 v6, v7  }
0x249: {  	v7 =	vperm.xlane v6, v3;
	_ =	sdelay $0x1  }
0x24a: {  	v6 =	vperm.xlane v6, v5;
	v7 =	vadd.s32 v4, v7;
	_ =	sdelay $0x1  }
0x24b: {  	v6 =	vadd.s32 v4, v6;
	_ =	sdelay $0x1  }
0x24c: {  	s11 =	simm.s32 $0xA980  }
0x24d: {  	[tilespmem:s11], [sflag:$0x2] =	stream.indirect_vreg.gather [hbm4b:s3+s2], $0x80, v7, vm0, $0xb8;
	[tilespmem:$0x1A980] =	vst v63  }
0x24e: {  	s18 =	simm.s32 $0xB180  }
0x24f: {  	[tilespmem:s18], [sflag:$0x2] =	stream.indirect_vreg.gather [hbm4b:s3+s2], $0x80, v6, vm0, $0xb8;
	[tilespmem:$0x1A980] =	vst v63  }
0x250: {  	v6 =	vld [tilespmem:$0x2830];
	_ =	sdelay $0x4  }
0x251: {  	v7 =	vshll.u32 v6, $0x1  }
0x252: {  	v6 =	vand.u32 $0x7, v6;
	v7 =	vand.u32 $0xFFFFFFF0, v7  }
0x253: {  	v6 =	vor.u32 v6, v7  }
0x254: {  	v7 =	vperm.xlane v6, v3;
	_ =	sdelay $0x1  }
0x255: {  	v6 =	vperm.xlane v6, v5;
	v7 =	vadd.s32 v4, v7;
	_ =	sdelay $0x1  }
0x256: {  	v6 =	vadd.s32 v4, v6;
	_ =	sdelay $0x1  }
0x257: {  	s25 =	simm.s32 $0xB980  }
0x258: {  	[tilespmem:s25], [sflag:$0x2] =	stream.indirect_vreg.gather [hbm4b:s3+s2], $0x80, v7, vm0, $0xb8;
	[tilespmem:$0x1A980] =	vst v63  }
0x259: {  	s9 =	simm.s32 $0xC180  }
0x25a: {  	[tilespmem:s9], [sflag:$0x2] =	stream.indirect_vreg.gather [hbm4b:s3+s2], $0x80, v6, vm0, $0xb8;
	[tilespmem:$0x1A980] =	vst v63  }
0x25b: {  	v6 =	vld [tilespmem:$0x2840];
	_ =	sdelay $0x4  }
0x25c: {  	v7 =	vshll.u32 v6, $0x1  }
0x25d: {  	v6 =	vand.u32 $0x7, v6;
	v7 =	vand.u32 $0xFFFFFFF0, v7  }
0x25e: {  	v6 =	vor.u32 v6, v7  }
0x25f: {  	v7 =	vperm.xlane v6, v3;
	_ =	sdelay $0x1  }
0x260: {  	v6 =	vperm.xlane v6, v5;
	v7 =	vadd.s32 v4, v7;
	_ =	sdelay $0x1  }
0x261: {  	v6 =	vadd.s32 v4, v6;
	_ =	sdelay $0x1  }
0x262: {  	s10 =	simm.s32 $0xC980  }
0x263: {  	[tilespmem:s10], [sflag:$0x2] =	stream.indirect_vreg.gather [hbm4b:s3+s2], $0x80, v7, vm0, $0xb8;
	[tilespmem:$0x1A980] =	vst v63  }
0x264: {  	s11 =	simm.s32 $0xD180  }
0x265: {  	[tilespmem:s11], [sflag:$0x2] =	stream.indirect_vreg.gather [hbm4b:s3+s2], $0x80, v6, vm0, $0xb8;
	[tilespmem:$0x1A980] =	vst v63  }
0x266: {  	v6 =	vld [tilespmem:$0x2850];
	_ =	sdelay $0x4  }
0x267: {  	v7 =	vshll.u32 v6, $0x1  }
0x268: {  	v6 =	vand.u32 $0x7, v6;
	v7 =	vand.u32 $0xFFFFFFF0, v7  }
0x269: {  	v6 =	vor.u32 v6, v7  }
0x26a: {  	v7 =	vperm.xlane v6, v3;
	_ =	sdelay $0x1  }
0x26b: {  	v6 =	vperm.xlane v6, v5;
	v7 =	vadd.s32 v4, v7;
	_ =	sdelay $0x1  }
0x26c: {  	v6 =	vadd.s32 v4, v6  }
.Ltmp6:
0x26d: {  	_ = 	snop;
	(pc) =	sbr.rel .LBB2_6-.Ltmp6, $4  }
0x26e: {  	s18 =	simm.s32 $0xD980  }
0x26f: {  	[tilespmem:s18], [sflag:$0x2] =	stream.indirect_vreg.gather [hbm4b:s3+s2], $0x80, v7, vm0, $0xb8;
	[tilespmem:$0x1A980] =	vst v63  }
0x270: {  	s25 =	simm.s32 $0xE180  }
0x271: {  	[tilespmem:s25], [sflag:$0x2] =	stream.indirect_vreg.gather [hbm4b:s3+s2], $0x80, v6, vm0, $0xb8;
	[tilespmem:$0x1A980] =	vst v63  }
.LBB2_8:
0x272: {  	_ =	sfence.sel $0x180000  }
0x273: {  	[bflag:$0x0] =	sbarrier.arrive $0xFFFF  }
0x274: {  	_ =	strace $0x90000047  }
0x275: {  	s0 =	stileid.u32;
	[bflag:$0x2] =	sbarrier.arrive $0xFFFF  }
0x276: {  	p0 =	sne.s32 s0, $0x0;
	s0 =	rddreg [dreg:$0x1]  }
0x277: {  	s0 =	sadd.s32 @!p0 $0x100000, s0  }
0x278: {  	[sflag:s0] =	ssyncadd.tile.s32 @!p0 $0x1;
	_ =	shalt  }
.Lfunc_end2:
_tile_overlayer_lowered:
.L_overlay_start_2:
0x279: {  	(tag) =	ssettag $0x2  }
0x27a: {  	s0 =	rddreg [dreg:$0x0];
	s2 =	stileid.u32  }
0x27b: {  	s1 =	rddreg [dreg:$0x1];
	p0 =	sne.s32 s2, $0x0  }
0x27c: {  	s3 =	rddreg [dreg:$0x2];
	[bflag:$0x3] =	sbarrier.arrive $0xFFFF;
	s2 =	simm.s32 @!p0 $0x1C09  }
0x27d: {  	[timem:s3], [sflag:s2] =	dma.local @!p0 [hbm:s0], s1  }
0x27e: {  	s0 =	simm.s32 @!p0 $0x9  }
0x27f: {  	_ =	swait.ge @!p0 [sflag:s0], s1  }
0x280: {  	s1 =	ssub.s32 @!p0 $0x0, s1;
	[sflag:s0] =	ssyncset.done @!p0 $0x0  }
0x281: {  	[sflag:s0] =	ssyncadd.s32 @!p0 s1  }
0x282: {  	[bflag:$0x3] =	sbarrier.arrive $0xFFFF  }
0x283: {  	_ =	shalt  }

// kernel: sparse-core-data-format-call.cloned.1.call-start
scs
called_computation_lowered:
.L_overlay_start_0:
0x0: {  	s2 =	sld [smem:$0x3FD9]  }
0x1: {  	s3 =	sld [smem:$0x3FFE];
	_ =	sdelay $0x1  }
0x2: {  	s1 =	srdreg.scid  }
0x3: {  	s0 =	sand.u32 $0x1, s1  }
0x4: {  	s18 =	sshll.u32 s0, $0xA;
	s2 =	sadd.s32 s3, s2  }
0x5: {  	s2 =	sadd.s32 s2, s18  }
0x6: {  	[smem:$0x3FC5] =	sst s2  }
0x7: {  	_ = 	snop  }
0x8: {  	s2 =	sld [smem:$0x3FD0];
	(tm) =	ssettm $0x1  }
0x9: {  	s19 =	sld [smem:$0x3FFB];
	_ =	sdelay $0x3  }
0xa: {  	_ =	strace s19  }
0xb: {  	s3 =	sld [smem:$0x3FFC];
	_ =	sdelay $0x3  }
0xc: {  	_ =	strace s3  }
0xd: {  	s3 =	sld [smem:$0x3FFD];
	_ =	sdelay $0x3  }
0xe: {  	_ =	strace s3  }
0xf: {  	_ =	strace $0x8FFFFFFF  }
0x10: {  	s20 =	sld [smem:$0x3FDB];
	_ =	sdelay $0x1  }
0x11: {  	s4 =	simm.s32 $_scs_section_size  }
0x12: {  	s5 =	simm.s32 $_size__tile_overlayer_lowered;
	s6 =	simm.s32 $_tile_overlayer_lowered  }
0x13: {  	s23 =	simm.s32 $0x1BFF;
	s22 =	sshll.u32 s6, $0x1;
	s3 =	sadd.s32 s4, s20  }
0x14: {  	s7 =	simm.s32 $0x0;
	s21 =	sshll.u32 s5, $0x1;
	s5 =	sadd.s32 s22, s3  }
0x15: {  	[timem:s7], [sflag:s23] =	dma.local [hbm:s5], s21  }
0x16: {  	_ =	swait.ge [sflag:s23], s21  }
0x17: {  	s4 =	ssub.s32 $0x0, s21;
	[sflag:s23] =	ssyncset.done $0x0  }
0x18: {  	[sflag:s23] =	ssyncadd.s32 s4;
	_ =	sdelay $0x1  }
0x19: {  	s24 =	simm.s32 $0x1B8B  }
0x1a: {  	_ =	swait.ge [sflag:s24], $0x1  }
0x1b: {  	[sflag:s24] =	ssyncset.done $0x0  }
0x1c: {  	s26 =	simm.s32 $0x1B8E;
	s25 =	sld [smem:$0x3FFE];
	[sflag:s24] =	ssyncadd.s32 $0xFFFFFFFF  }
0x1d: {  	s27 =	simm.s32 $execute0_lowered;
	[smem:$0x3FD2] =	sst s26  }
0x1e: {  	s5 =	sshll.u32 s27, $0x1;
	_ =	strace $0x80000049;
	[dreg:$0x1] =	wrdreg $0xFFFFFFFF  }
0x1f: {  	s28 =	simm.s32 $_size_execute0_lowered;
	s3 =	sadd.s32 s3, s5;
	[dreg:$0x0] =	wrdreg $0x0  }
0x20: {  	s5 =	sshll.u32 s28, $0x1;
	[dreg:$0x2] =	wrdreg s3  }
0x21: {  	[dreg:$0x3] =	wrdreg s5  }
0x22: {  	[dreg:$0x4] =	wrdreg $0xC0  }
0x23: {  	_ =	task [dreg:s7], $0x5FFFF  }
0x24: {  	[dreg:$0x1] =	wrdreg $0xFFFFFFFF  }
0x25: {  	[dreg:$0x0] =	wrdreg $0x60  }
0x26: {  	[dreg:$0x2] =	wrdreg s25  }
0x27: {  	[dreg:$0x3] =	wrdreg s2  }
0x28: {  	[dreg:$0x4] =	wrdreg $0x9  }
0x29: {  	_ =	task.clear_ibuf [dreg:s7], $0x5FFFF;
	_ =	strace $0x90000049  }
0x2a: {  	s29 =	simm.s32 $0x9;
	_ =	strace $0x8000004B  }
0x2b: {  	_ =	swait.ge [sflag:s29], $0x1  }
0x2c: {  	[sflag:s29] =	ssyncadd.s32 $0xFFFFFFFF  }
0x2d: {  	_ =	strace $0x9000004B  }
0x2e: {  	_ =	sfence  }
0x2f: {  	s30 =	sld [smem:$0x0];
	_ =	sdelay $0x2  }
0x30: {  	s31 =	sshll.u32 s1, $0xD;
	s1 =	sshrl.u32 s1, $0x2  }
0x31: {  	s3 =	sand.u32 $0x4000, s31;
	s1 =	sadd.s32 s1, s30  }
0x32: {  	s0 =	sor.u32 s3, s0;
	s1 =	sshll.u32 s1, $0x11  }
0x33: {  	s0 =	sor.u32 s1, s0  }
0x34: {  	s0 =	sadd.s32 $0x8F2B, s0  }
0x35: {  	[sflag:s0] =	ssyncadd.remote.s32 $0x1  }
0x36: {  	_ =	sfence.sel $0xFFFF  }
0x37: {  	[dreg:$0x0] =	wrdreg $0xFFFFFFFF;
	(pc) =	sbr.abs _section_cstart, $3  }
0x38: {  	[dreg:$0x1] =	wrdreg $0xFFFFFFFF  }
0x39: {  	_ =	task.clear_ibuf [dreg:s7], $0x2FFFF;
	_ =	strace $0x9FFFFFFF  }
0x3a: {  	(tm) =	ssettm $0x7FFFFFFF  }
0x3b: {  	_ =	shalt  }
tec
execute0_lowered:
.L_overlay_start_1:
0x0: {  	(tag) =	ssettag $0x1  }
0x1: {  	s0 =	srdreg.scid  }
0x2: {  	s0 =	sshll.u32 s0, $0x7  }
0x3: {  	s6 =	rddreg [dreg:$0x0];
	s7 =	simm.s32 $0x2;
	s1 =	sand.u32 $0x80, s0  }
0x4: {  	s18 =	simm.s32 $0x0;
	s9 =	simm.s32 $0x400;
	s2 =	ssub.s32 $0x100, s1  }
0x5: {  	s10 =	simm.s32 $0x800;
	s0 =	stileid.u32;
	s3 =	sshrl.u32 s2, $0x7  }
0x6: {  	s4 =	ssub.s32 $0x73, s0;
	s2 =	sshrl.u32 s2, $0x8;
	s5 =	sand.u32 $0x1, s3  }
0x7: {  	s15 =	simm.s32 $0x0;
	s4 =	sshrl.u32 s4, $0x4;
	s5 =	sadd.s32 s2, s5  }
0x8: {  	s17 =	simm.s32 $0x0;
	s16 =	simm.s32 $0x0;
	s5 =	smul.u32 s5, s4  }
.Ltmp0:
0x9: {  	s11 =	simm.s32 $0x0;
	s3 =	rddreg [dreg:$0x1];
	(pc) =	sbr.rel .LBB1_1-.Ltmp0, $4  }
0xa: {  	s12 =	stileid.u32;
	s13 =	simm.s32 $0x0;
	s2 =	rddreg [dreg:$0x2]  }
0xb: {  	_ =	strace $0x8000004A;
	s4 =	simm.s32 $0x1;
	s5 =	smul.u32 $0x19, s5  }
0xc: {  	s14 =	simm.s32 $0x0;
	s6 =	sadd.s32 $0xD800, s6;
	[sflag:s4] =	ssyncpa.u1 $0x0  }
0xd: {  	[sflag:s7] =	ssyncpa.u1 $0x0;
	s7 =	sshll.u32 s1, $0x3;
	s8 =	sadd.s32 $0x1, s5  }
.LBB1_7:
0xe: {  	s19 =	sadd.s32 $0x2, s11  }
0xf: {  	s15 =	sadd.s32 $0x10, s12;
	s20 =	smov.u32 s12;
	p1 =	sgt.s32 s19, $0x31  }
0x10: {  	s20 =	smov.u32 @p1 s15  }
0x11: {  	s21 =	smov.u32 s13;
	s15 =	sadd.s32 $0x40, s13;
	p2 =	sgt.s32 s20, $0x63  }
0x12: {  	s21 =	smov.u32 @p2 s15  }
0x13: {  	s19 =	simm.s32 @p1 $0x0;
	p1 =	sgt.s32 s21, $0x3F  }
0x14: {  	p0 =	slt.u32 s14, $0x2;
	s21 =	simm.s32 @p1 $0x0;
	p1 =	sne.s32 s14, s8  }
.Ltmp1:
0x15: {  	s18 =	simm.s32 @!p0 $0x2;
	(pc) =	sbr.rel @!p1 .LBB1_8-.Ltmp1, $4  }
0x16: {  	s17 =	smov.u32 s12;
	s16 =	smov.u32 s13;
	_ =	swait.ge @!p0 [sflag:s18], $0x4000  }
0x17: {  	[sflag:s18] =	ssyncset.done @!p0 $0x0;
	s20 =	smov.u32 @p2 s0;
	s15 =	smov.u32 s11  }
0x18: {  	[sflag:s18] =	ssyncadd.s32 @!p0 $0xFFFFC000;
	s18 =	smov.u32 s1;
	s11 =	smov.u32 s19  }
0x19: {  	s12 =	smov.u32 s20;
	s14 =	sadd.s32 $0x1, s14;
	s13 =	smov.u32 s21  }
.LBB1_1:
0x1a: {  	p0 =	sge.u32 s14, s5  }
0x1b: {  	s19 =	sshll.u32 @!p0 s11, $0x8  }
0x1c: {  	s20 =	sshll.u32 @!p0 s11, $0x7;
	s19 =	sand.u32 @!p0 $0xFFFFF800, s19  }
0x1d: {  	s20 =	sand.u32 @!p0 $0x300, s20;
	s19 =	sor.u32 @!p0 s7, s19  }
0x1e: {  	s19 =	sor.u32 @!p0 s20, s19  }
0x1f: {  	s19 =	sshrl.u32 @!p0 s19, $0x8  }
0x20: {  	s20 =	smulhi.u32 @!p0 $0x4924925, s19  }
0x21: {  	s21 =	smul.u32 @!p0 $0x2BC00, s13  }
0x22: {  	s20 =	smul.u32 @!p0 $0x38, s20  }
0x23: {  	s31 =	sadd.s32 $0xFFFFFFFF, s14;
	s22 =	sxor.u32 @!p0 $0xFFFFFFFF, s14;
	s23 =	smul.u32 @!p0 $0x700, s12  }
0x24: {  	s21 =	sadd.s32 @!p0 s6, s21;
	s19 =	ssub.s32 @!p0 s19, s20;
	s20 =	sshll.u32 @!p0 s11, $0x4  }
0x25: {  	s22 =	sshll.u32 @!p0 s22, $0xE;
	s21 =	sadd.s32 @!p0 s23, s21;
	s20 =	sand.u32 @!p0 $0x10, s20  }
0x26: {  	s22 =	sand.u32 @!p0 $0x4000, s22;
	s19 =	sshll.u32 @!p0 s19, $0x5;
	s20 =	sadd.s32 @!p0 s20, s21  }
0x27: {  	s21 =	simm.s32 @!p0 $0x15E000;
	s19 =	sadd.s32 @!p0 s19, s20;
	s20 =	simm.s32 @!p0 $0x100  }
0x28: {  	[tilespmem:s22], [sflag:$0x1] =	stream.strided.gather @!p0 [hbm4b:s19+s20], $0x4000, s21, s20, $0x38;
	[tilespmem:$0x10000] =	vst v63  }
0x29: {  	p0 =	sge.u32 s31, s5  }
.Ltmp2:
0x2a: {  	_ = 	snop;
	(pc) =	sbr.rel @p0 .LBB1_7-.Ltmp2, $1  }
0x2b: {  	_ =	sdelay $0x3  }
0x2c: {  	_ =	swait.ge [sflag:s4], $0x4000;
	s19 =	sshll.u32 s14, $0xE  }
0x2d: {  	[sflag:s4] =	ssyncset.done $0x0;
	s20 =	sand.u32 $0x4000, s19  }
0x2e: {  	s21 =	simm.s32 $0x0;
	[sflag:s4] =	ssyncadd.s32 $0xFFFFC000;
	s19 =	sor.u32 $0x8000, s20  }
.LBB1_3:
0x2f: {  	s22 =	sshll.u32 s21, $0x8  }
0x30: {  	s22 =	sand.u32 $0x3FFFFF00, s22  }
0x31: {  	s23 =	sshll.u32 s21, $0x7;
	s22 =	sadd.s32 s22, s20  }
0x32: {  	s23 =	sand.u32 $0x3FFFFF80, s23;
	v0 =	vmov s22  }
0x33: {  	s23 =	sadd.s32 s23, s19  }
0x34: {  	p0 =	por $0x1, $0x1;
	v1 =	vmov s23;
	s22 =	simm.s32 $0x0  }
.LBB1_4:
0x35: {  	s23 =	sshll.u32 s22, $0x7  }
0x36: {  	s23 =	sand.u32 $0x3FFFFF80, s23  }
0x37: {  	v2 =	vld.idx.msk [tilespmem:v0+s23+$0x0 ss:$0x1], $0xffff  }
0x38: {  	v3 =	vld.idx.msk [tilespmem:v0+s23+$0x10 ss:$0x1], $0xffff  }
0x39: {  	v4 =	vld.idx.msk [tilespmem:v0+s23+$0x20 ss:$0x1], $0xffff  }
0x3a: {  	s31 =	sshll.u32 s22, $0xD;
	v5 =	vld.idx.msk [tilespmem:v0+s23+$0x30 ss:$0x1], $0xffff  }
0x3b: {  	s22 =	sand.u32 $0x3FFFE000, s31;
	v6 =	vld.idx.msk [tilespmem:v0+s23+$0x40 ss:$0x1], $0xffff  }
0x3c: {  	v63 =	vld.idx.msk [tilespmem:v0+s23+$0x70 ss:$0x1], $0xffff;
	[tilespmem:v1+s22+$0x0 ss:$0x1] =	vst.idx.msk $0xffff, v2  }
0x3d: {  	v2 =	vld.idx.msk [tilespmem:v0+s23+$0x50 ss:$0x1], $0xffff;
	[tilespmem:v1+s22+$0x10 ss:$0x1] =	vst.idx.msk $0xffff, v3  }
0x3e: {  	p1 =	por p0, p0;
	v3 =	vld.idx.msk [tilespmem:v0+s23+$0x60 ss:$0x1], $0xffff;
	[tilespmem:v1+s22+$0x20 ss:$0x1] =	vst.idx.msk $0xffff, v4  }
.Ltmp3:
0x3f: {  	[tilespmem:v1+s22+$0x30 ss:$0x1] =	vst.idx.msk $0xffff, v5;
	(pc) =	sbr.rel @p1 .LBB1_4-.Ltmp3, $4  }
0x40: {  	[tilespmem:v1+s22+$0x40 ss:$0x1] =	vst.idx.msk $0xffff, v6  }
0x41: {  	[tilespmem:v1+s22+$0x70 ss:$0x1] =	vst.idx.msk $0xffff, v63  }
0x42: {  	[tilespmem:v1+s22+$0x50 ss:$0x1] =	vst.idx.msk $0xffff, v2  }
0x43: {  	p0 =	por $0x0, $0x0;
	[tilespmem:v1+s22+$0x60 ss:$0x1] =	vst.idx.msk $0xffff, v3;
	s22 =	simm.s32 $0x1  }
0x44: {  	s21 =	sadd.s32 $0x1, s21  }
0x45: {  	p0 =	sne.s32 s21, $0x40  }
.Ltmp4:
0x46: {  	_ = 	snop;
	(pc) =	sbr.rel @p0 .LBB1_3-.Ltmp4, $1  }
0x47: {  	_ =	sdelay $0x3  }
0x48: {  	s20 =	sshll.u32 s16, $0x8;
	s18 =	sshll.u32 s18, $0x3;
	s21 =	sshll.u32 s16, $0x7  }
0x49: {  	s17 =	smul.u32 $0x19000, s17;
	s15 =	sshll.u32 s15, $0xB;
	s20 =	sand.u32 $0x3800, s20  }
0x4a: {  	s30 =	sshll.u32 s16, $0x4;
	s29 =	sand.u32 $0x300, s21;
	s18 =	sor.u32 s20, s18  }
.Ltmp5:
0x4b: {  	s17 =	sadd.s32 s3, s17;
	s18 =	sor.u32 s29, s18;
	(pc) =	sbr.rel .LBB1_7-.Ltmp5, $4  }
0x4c: {  	s16 =	sand.u32 $0x10, s30;
	s15 =	sadd.s32 s15, s17;
	s18 =	sshrl.u32 s18, $0x3  }
0x4d: {  	s15 =	sadd.s32 s16, s15;
	s31 =	sand.u32 $0x7E0, s18  }
0x4e: {  	s15 =	sadd.s32 s31, s15  }
0x4f: {  	[hbm4b:s15+s9] =	stream.strided.scatter [tilespmem:s19], [sflag:$0x2], $0x4000, s10, s9, $0x38;
	[tilespmem:$0x10000] =	vst v63  }
.LBB1_8:
0x50: {  	_ =	sfence.sel $0x180000  }
0x51: {  	s1 =	simm.s32 $0x1;
	[bflag:$0x0] =	sbarrier.arrive $0xFFFF  }
0x52: {  	s31 =	simm.s32 $0x2;
	[sflag:s1] =	ssyncpa.u1 $0x1  }
0x53: {  	[sflag:s31] =	ssyncpa.u1 $0x1  }
0x54: {  	p0 =	sne.s32 s0, $0x0;
	_ =	strace $0x9000004A  }
0x55: {  	s0 =	sadd.s32 @!p0 $0x100000, s2;
	[bflag:$0x2] =	sbarrier.arrive $0xFFFF  }
0x56: {  	[sflag:s0] =	ssyncadd.tile.s32 @!p0 $0x1;
	_ =	shalt  }
.Lfunc_end1:
_tile_overlayer_lowered:
.L_overlay_start_2:
0x57: {  	(tag) =	ssettag $0x2  }
0x58: {  	s0 =	rddreg [dreg:$0x0];
	s2 =	stileid.u32  }
0x59: {  	s1 =	rddreg [dreg:$0x1];
	p0 =	sne.s32 s2, $0x0  }
0x5a: {  	s3 =	rddreg [dreg:$0x2];
	[bflag:$0x3] =	sbarrier.arrive $0xFFFF;
	s2 =	simm.s32 @!p0 $0x1C01  }
0x5b: {  	[timem:s3], [sflag:s2] =	dma.local @!p0 [hbm:s0], s1  }
0x5c: {  	s0 =	simm.s32 @!p0 $0x1  }
0x5d: {  	_ =	swait.ge @!p0 [sflag:s0], s1  }
0x5e: {  	s1 =	ssub.s32 @!p0 $0x0, s1;
	[sflag:s0] =	ssyncset.done @!p0 $0x0  }
0x5f: {  	[sflag:s0] =	ssyncadd.s32 @!p0 s1  }
0x60: {  	[bflag:$0x3] =	sbarrier.arrive $0xFFFF  }
0x61: {  	_ =	shalt  }

</sc_bundles>
